<compile_context>
chip_gen: v7x
topology: tpu7x:2x2x1
jax: 0.10.2.dev20260603
libtpu: 0.0.44.dev20260713+nightly
codegen_flags: <defaults>
</compile_context>

<pallas_src>
import functools

import jax
import jax.numpy as jnp
from jax import lax
from jax.experimental import pallas as pl
from jax.experimental.pallas import tpu as pltpu
from jax.experimental.pallas import tpu_sc as plsc

B, L, DC, DE = 16, 4096, 128, 128
NC, NS = 2, 16
NW = NC * NS
HALF = L // 2
BATCH = 64
NBATCH = HALF // BATCH
CTX_BLK = 4096
NBUF = 8


def _sc_body(ex_hbm, mask_hbm, oex_hbm,
             mask_v, valid_v, idx_v, rows_v, sem_m, *sems):
    c = lax.axis_index("c")
    s = lax.axis_index("s")
    wid = c * NS + s
    b = wid // 2
    h = wid % 2
    out_base = b * L + h * HALF

    iota = lax.iota(jnp.int32, 16)

    pltpu.async_copy(mask_hbm.at[b], mask_v, sem_m).wait()

    def comp_body(i, off):
        base = i * 64
        sorted_pos, counts = [], []
        for u in range(4):
            moff = pl.multiple_of(base + u * 16, 16)
            m = mask_v[pl.ds(moff, 16)]
            keys = iota + (1 - m) * 16
            _, ps = plsc.sort_key_val(keys, iota + (base + u * 16))
            sorted_pos.append(ps)
            counts.append(plsc.all_reduce_population_count(m > 0))
        for u in range(4):
            valid_v[pl.ds(off, 16)] = sorted_pos[u]
            off = off + counts[u][0]
        return off

    nv = lax.fori_loop(0, L // 64, comp_body, jnp.int32(0))

    @pl.when(nv == 0)
    def _():
        valid_v[pl.ds(0, 16)] = iota * 0

    nvb = jnp.broadcast_to(jnp.maximum(nv, 1), (16,))

    def build_idx(g, slot):
        lbase = h * HALF + g * BATCH
        for j in range(BATCH // 16):
            lvec = iota + (lbase + j * 16)
            colv = plsc.load_gather(valid_v, [lax.rem(lvec, nvb)])
            idx_v[slot, pl.ds(j * 16, 16)] = colv + b * L

    sem_g = sems[:NBUF]
    sem_w = sems[NBUF:]

    def wait_gather(slot):
        pltpu.make_async_copy(ex_hbm.at[idx_v.at[slot]], rows_v.at[slot],
                              sem_g[slot]).wait()

    def wait_write(slot):
        pltpu.make_async_copy(rows_v.at[slot], oex_hbm.at[pl.ds(0, BATCH)],
                              sem_w[slot]).wait()

    def gath_block(blk, carry):
        g0 = blk * NBUF

        @pl.when(blk > 0)
        def _():
            for u in range(NBUF):
                wait_write(u)

        def eff(g):
            return lax.rem(g + h * (NBATCH // 2), NBATCH)

        for u in range(NBUF):
            build_idx(eff(g0 + u), u)
            pltpu.async_copy(ex_hbm.at[idx_v.at[u]], rows_v.at[u], sem_g[u])
        for u in range(NBUF):
            wait_gather(u)
            pltpu.async_copy(
                rows_v.at[u],
                oex_hbm.at[pl.ds(out_base + eff(g0 + u) * BATCH, BATCH)],
                sem_w[u])
        return carry

    lax.fori_loop(0, NBATCH // NBUF, gath_block, 0)
    for u in range(NBUF):
        wait_write(u)


_flatten_sc = functools.partial(
    pl.kernel,
    out_type=jax.ShapeDtypeStruct((B * L, DE), jnp.float32),
    mesh=plsc.VectorSubcoreMesh(core_axis_name="c", subcore_axis_name="s"),
    compiler_params=pltpu.CompilerParams(needs_layout_passes=False),
    scratch_types=[
        pltpu.VMEM((L,), jnp.int32),
        pltpu.VMEM((L + 16,), jnp.int32),
        pltpu.VMEM((NBUF, BATCH), jnp.int32),
        pltpu.VMEM((NBUF, BATCH, DE), jnp.float32),
        pltpu.SemaphoreType.DMA,
    ] + [pltpu.SemaphoreType.DMA] * (2 * NBUF),
)(_sc_body)


CTX_ROWS = 2


def _ctx_body(ctx_ref, out_ref):
    i = pl.program_id(0)
    for k in range(CTX_ROWS):
        row = ctx_ref[pl.ds(i * CTX_ROWS + k, 1), :]
        out_ref[pl.ds(k * L, L), :] = jnp.broadcast_to(row, (L, DC))


_flatten_ctx_tc = pl.pallas_call(
    _ctx_body,
    grid=(B // CTX_ROWS,),
    in_specs=[pl.BlockSpec((B, DC), lambda i: (0, 0))],
    out_specs=pl.BlockSpec((CTX_ROWS * L, DC), lambda i: (i, 0)),
    out_shape=jax.ShapeDtypeStruct((B * L, DC), jnp.float32),
)


def kernel(context_features, example_features, mask):
    ex_flat = example_features.reshape(B * L, DE)
    mask_i = mask.astype(jnp.int32)
    flat_ex = _flatten_sc(ex_flat, mask_i)
    flat_ctx = _flatten_ctx_tc(context_features)
    return flat_ctx, flat_ex

# --- scband reference (transcript-rebuilt; emitter-appended) ---
"""Pipeline reference for scband-flatten-list-68521908240490 (READ-ONLY COPY).

The authoritative reference and input builder live on the scoring server;
editing this copy changes nothing except your own understanding.
"""

import jax, jax.numpy as jnp
import numpy as np


def _padded_col_indices(mask):
    # Faithful port of tfr.utils.padded_nd_indices with shuffle=False.
    # Returns per-row column indices [B, L]: valid indices first (original order),
    # invalid slots filled circularly by the valid indices.
    B, L = mask.shape
    num_valid = jnp.sum(mask.astype(jnp.int32), axis=1)  # [B]
    # organize_valid_indices (shuffle=False): values = reversed range for valid, -1e-6 for invalid
    vals = jnp.where(mask,
                     jnp.arange(L - 1, -1, -1, dtype=jnp.float32)[None, :],
                     jnp.float32(-1e-6))
    # stable descending argsort -> valid entries (original order) first, then invalid (original order)
    sorted_idx = jnp.argsort(-vals, axis=1, stable=True)  # [B, L]
    # _circular_indices: range(L) mod num_valid (clamped to >=1)
    nv = jnp.maximum(num_valid, 1)
    circ = jnp.mod(jnp.arange(L, dtype=jnp.int32)[None, :], nv[:, None])  # [B, L]
    col = jnp.take_along_axis(sorted_idx, circ, axis=1)
    return col


def setup_inputs(seed: int = 0) -> dict:
    key = jax.random.key(seed)
    k1, k2, k3 = jax.random.split(key, 3)
    B, L, d_c, d_e = 16, 4096, 128, 128
    context_features = jax.random.normal(k1, (B, d_c), dtype=jnp.float32)
    example_features = jax.random.normal(k2, (B, L, d_e), dtype=jnp.float32)
    mask = jax.random.randint(k3, (B, L), 0, 2) > 0
    return {"context_features": context_features,
            "example_features": example_features,
            "mask": mask}


def reference(context_features, example_features, mask):
    B, L = mask.shape
    col = _padded_col_indices(mask)  # [B, L]
    # flattened context: repeat each row list_size times -> [B*L, d_c]
    flat_ctx = jnp.repeat(context_features[:, None, :], L, axis=1).reshape(B * L, -1)
    # flattened example: gather_nd with padded nd indices -> [B*L, d_e]
    rows = jnp.arange(B, dtype=jnp.int32)[:, None]
    gathered = example_features[rows, col]  # [B, L, d_e]
    flat_ex = gathered.reshape(B * L, -1)
    return flat_ctx, flat_ex

if __name__ == "__main__":
    import jax
    _d = setup_inputs()
    print(jax.jit(kernel)(*tuple(_d.values())))

</pallas_src>

<mosaic_0001>
#map = affine_map<(d0, d1) -> (0, 0)>
module attributes {stable_mosaic.version = 14 : i64} {
  func.func @_sc_body(%arg0: i32, %arg1: i32, %arg2: memref<65536x128xf32, #tpu.memory_space<hbm>>, %arg3: memref<16x4096xi32, #tpu.memory_space<hbm>>, %arg4: memref<65536x128xf32, #tpu.memory_space<hbm>>, %arg5: memref<4096xi32, #tpu.memory_space<vmem>>, %arg6: memref<4112xi32, #tpu.memory_space<vmem>>, %arg7: memref<8x64xi32, #tpu.memory_space<vmem>>, %arg8: memref<8x64x128xf32, #tpu.memory_space<vmem>>, %arg9: memref<!tpu.dma_semaphore, #tpu.memory_space<semaphore_mem>>, %arg10: memref<!tpu.dma_semaphore, #tpu.memory_space<semaphore_mem>>, %arg11: memref<!tpu.dma_semaphore, #tpu.memory_space<semaphore_mem>>, %arg12: memref<!tpu.dma_semaphore, #tpu.memory_space<semaphore_mem>>, %arg13: memref<!tpu.dma_semaphore, #tpu.memory_space<semaphore_mem>>, %arg14: memref<!tpu.dma_semaphore, #tpu.memory_space<semaphore_mem>>, %arg15: memref<!tpu.dma_semaphore, #tpu.memory_space<semaphore_mem>>, %arg16: memref<!tpu.dma_semaphore, #tpu.memory_space<semaphore_mem>>, %arg17: memref<!tpu.dma_semaphore, #tpu.memory_space<semaphore_mem>>, %arg18: memref<!tpu.dma_semaphore, #tpu.memory_space<semaphore_mem>>, %arg19: memref<!tpu.dma_semaphore, #tpu.memory_space<semaphore_mem>>, %arg20: memref<!tpu.dma_semaphore, #tpu.memory_space<semaphore_mem>>, %arg21: memref<!tpu.dma_semaphore, #tpu.memory_space<semaphore_mem>>, %arg22: memref<!tpu.dma_semaphore, #tpu.memory_space<semaphore_mem>>, %arg23: memref<!tpu.dma_semaphore, #tpu.memory_space<semaphore_mem>>, %arg24: memref<!tpu.dma_semaphore, #tpu.memory_space<semaphore_mem>>, %arg25: memref<!tpu.dma_semaphore, #tpu.memory_space<semaphore_mem>>) attributes {dimension_semantics = [#tpu.dimension_semantics<core_parallel>, #tpu.dimension_semantics<subcore_parallel>], iteration_bounds = array<i64: 2, 16>, scalar_prefetch = 0 : i64, scratch_operands = 21 : i64, tpu.core_type = #tpu.core_type<sc_vector_subcore>, window_params = [{transform_indices = #map}, {transform_indices = #map}, {transform_indices = #map}]} {
    %mul3A = arith.constant 16 : i32
    %mul3A_0 = arith.muli %arg0, %mul3A : i32
    %add3A = arith.addi %mul3A_0, %arg1 : i32
    %jit3A = arith.constant 2 : i32
    %div3A = arith.divsi %add3A, %jit3A : i32
    %sign3A = arith.constant 0 : i32
    %sign3A_1 = arith.cmpi sgt, %add3A, %sign3A : i32
    %sign3A_2 = arith.extui %sign3A_1 : i1 to i32
    %sign3A_3 = arith.constant 0 : i32
    %sign3A_4 = arith.cmpi slt, %add3A, %sign3A_3 : i32
    %sign3A_5 = arith.extui %sign3A_4 : i1 to i32
    %sign3A_6 = arith.subi %sign3A_2, %sign3A_5 : i32
    %sign3A_7 = arith.constant 0 : i32
    %sign3A_8 = arith.cmpi sgt, %jit3A, %sign3A_7 : i32
    %sign3A_9 = arith.extui %sign3A_8 : i1 to i32
    %sign3A_10 = arith.constant 0 : i32
    %sign3A_11 = arith.cmpi slt, %jit3A, %sign3A_10 : i32
    %sign3A_12 = arith.extui %sign3A_11 : i1 to i32
    %sign3A_13 = arith.subi %sign3A_9, %sign3A_12 : i32
    %ne3A = arith.cmpi ne, %sign3A_6, %sign3A_13 : i32
    %rem3A = arith.remsi %add3A, %jit3A : i32
    %ne3A_14 = arith.constant 0 : i32
    %ne3A_15 = arith.cmpi ne, %rem3A, %ne3A_14 : i32
    %and3A = arith.andi %ne3A, %ne3A_15 : i1
    %sub3A = arith.constant 1 : i32
    %sub3A_16 = arith.subi %div3A, %sub3A : i32
    %select_n3A = arith.select %and3A, %sub3A_16, %div3A : i32
    %jit3A_17 = arith.constant 2 : i32
    %eq3A = arith.constant 0 : i32
    %eq3A_18 = arith.cmpi eq, %jit3A_17, %eq3A : i32
    %jit3A_19 = arith.constant 1 : i32
    %select_n3A_20 = arith.select %eq3A_18, %jit3A_19, %jit3A_17 : i32
    %rem3A_21 = arith.remsi %add3A, %select_n3A_20 : i32
    %ne3A_22 = arith.constant 0 : i32
    %ne3A_23 = arith.cmpi ne, %rem3A_21, %ne3A_22 : i32
    %lt3A = arith.constant 0 : i32
    %lt3A_24 = arith.cmpi slt, %rem3A_21, %lt3A : i32
    %lt3A_25 = arith.constant 0 : i32
    %lt3A_26 = arith.cmpi slt, %select_n3A_20, %lt3A_25 : i32
    %ne3A_27 = arith.xori %lt3A_24, %lt3A_26 : i1
    %and3A_28 = arith.andi %ne3A_27, %ne3A_23 : i1
    %add3A_29 = arith.addi %rem3A_21, %select_n3A_20 : i32
    %select_n3A_30 = arith.select %and3A_28, %add3A_29, %rem3A_21 : i32
    %mul3A_31 = arith.constant 4096 : i32
    %mul3A_32 = arith.muli %select_n3A, %mul3A_31 : i32
    %mul3A_33 = arith.constant 2048 : i32
    %mul3A_34 = arith.muli %select_n3A_30, %mul3A_33 : i32
    %add3A_35 = arith.addi %mul3A_32, %mul3A_34 : i32
    %iota3A = tpu.iota {dimensions = array<i32: 0>} : vector<16xi32>
    %dma_start3A = arith.constant 0 : i32
    %dma_start3A_36 = tpu.memref_slice %arg3[%select_n3A, %dma_start3A] : memref<16x4096xi32, #tpu.memory_space<hbm>> -> memref<1x4096xi32, #tpu.memory_space<hbm>>
    %dma_start3A_37 = tpu.memref_squeeze %dma_start3A_36 : memref<1x4096xi32, #tpu.memory_space<hbm>> -> memref<4096xi32, #tpu.memory_space<hbm>>
    %dma_start3A_38 = arith.constant 0 : i32
    %dma_start3A_39 = tpu.memref_slice %arg3[%select_n3A, %dma_start3A_38] : memref<16x4096xi32, #tpu.memory_space<hbm>> -> memref<1x4096xi32, #tpu.memory_space<hbm>>
    %dma_start3A_40 = tpu.memref_squeeze %dma_start3A_39 : memref<1x4096xi32, #tpu.memory_space<hbm>> -> memref<4096xi32, #tpu.memory_space<hbm>>
    tpu.enqueue_dma source(%dma_start3A_40 : memref<4096xi32, #tpu.memory_space<hbm>>) target(%arg5 : memref<4096xi32, #tpu.memory_space<vmem>>) target_semaphore(%arg9 : memref<!tpu.dma_semaphore, #tpu.memory_space<semaphore_mem>>)
    %dma_wait3A = arith.constant 0 : i32
    %dma_wait3A_41 = tpu.memref_slice %arg3[%select_n3A, %dma_wait3A] : memref<16x4096xi32, #tpu.memory_space<hbm>> -> memref<1x4096xi32, #tpu.memory_space<hbm>>
    %dma_wait3A_42 = tpu.memref_squeeze %dma_wait3A_41 : memref<1x4096xi32, #tpu.memory_space<hbm>> -> memref<4096xi32, #tpu.memory_space<hbm>>
    %dma_wait3A_43 = arith.constant 0 : i32
    %dma_wait3A_44 = tpu.memref_slice %arg3[%select_n3A, %dma_wait3A_43] : memref<16x4096xi32, #tpu.memory_space<hbm>> -> memref<1x4096xi32, #tpu.memory_space<hbm>>
    %dma_wait3A_45 = tpu.memref_squeeze %dma_wait3A_44 : memref<1x4096xi32, #tpu.memory_space<hbm>> -> memref<4096xi32, #tpu.memory_space<hbm>>
    tpu.wait_dma2 semaphore(%arg9 : memref<!tpu.dma_semaphore, #tpu.memory_space<semaphore_mem>>) src(%dma_wait3A_45 : memref<4096xi32, #tpu.memory_space<hbm>>) dst(%arg5 : memref<4096xi32, #tpu.memory_space<vmem>>)
    %scan3A = arith.constant 0 : i32
    %scan3A_46 = arith.constant 0 : i32
    %scan3A_47 = arith.constant 64 : i32
    %scan3A_48 = arith.addi %scan3A_46, %scan3A_47 : i32
    %scan3A_49 = arith.constant 1 : i32
    %scan3A_50 = scf.for %scan3A_182 = %scan3A_46 to %scan3A_48 step %scan3A_49 iter_args(%scan3A_183 = %scan3A) -> (i32)  : i32 {
      %mul3A_184 = arith.constant 64 : i32
      %mul3A_185 = arith.muli %scan3A_182, %mul3A_184 : i32
      %add3A_186 = arith.constant 0 : i32
      %add3A_187 = arith.addi %mul3A_185, %add3A_186 : i32
      %multiple_of3A = tpu.assume_multiple %add3A_187, 16 : i32
      %get3A = arith.index_cast %multiple_of3A : i32 to index
      %get3A_188 = tpu.vector_load %arg5[%get3A] {strides = array<i32>} : memref<4096xi32, #tpu.memory_space<vmem>>, vector<16xi32>,
      %sub3A_189 = arith.constant 1 : i32
      %sub3A_190 = vector.broadcast %sub3A_189 : i32 to vector<16xi32>
      %sub3A_191 = arith.subi %sub3A_190, %get3A_188 : vector<16xi32>
      %mul3A_192 = arith.constant 16 : i32
      %mul3A_193 = vector.broadcast %mul3A_192 : i32 to vector<16xi32>
      %mul3A_194 = arith.muli %sub3A_191, %mul3A_193 : vector<16xi32>
      %add3A_195 = arith.addi %iota3A, %mul3A_194 : vector<16xi32>
      %add3A_196 = arith.constant 0 : i32
      %add3A_197 = arith.addi %mul3A_185, %add3A_196 : i32
      %add3A_198 = vector.broadcast %add3A_197 : i32 to vector<16xi32>
      %add3A_199 = arith.addi %iota3A, %add3A_198 : vector<16xi32>
      %masked_sort3A = arith.constant dense<true> : vector<16xi1>
      %masked_sort3A_200 = arith.constant -2147483648 : i32
      %masked_sort3A_201 = vector.broadcast %masked_sort3A_200 : i32 to vector<16xi32>
      %masked_sort3A_202 = arith.xori %add3A_195, %masked_sort3A_201 : vector<16xi32>
      %masked_sort3A_203, %masked_sort3A_204, %masked_sort3A_205 = tpu.sort %masked_sort3A_202, %add3A_199 masked %masked_sort3A : (vector<16xi32>, vector<16xi32>, vector<16xi1>) -> (vector<16xi1>, vector<16xi32>, vector<16xi32>)
      %masked_sort3A_206 = arith.xori %masked_sort3A_204, %masked_sort3A_201 : vector<16xi32>
      %gt3A = arith.constant 0 : i32
      %gt3A_207 = vector.broadcast %gt3A : i32 to vector<16xi32>
      %gt3A_208 = arith.cmpi sgt, %get3A_188, %gt3A_207 : vector<16xi32>
      %all_reduce_population_count3A = tpu.all_reduce %gt3A_208 {dim = 0 : i64, kind = #tpu.reduction_kind<sum>} : vector<16xi1> -> vector<16xi32>
      %add3A_209 = arith.constant 16 : i32
      %add3A_210 = arith.addi %mul3A_185, %add3A_209 : i32
      %multiple_of3A_211 = tpu.assume_multiple %add3A_210, 16 : i32
      %get3A_212 = arith.index_cast %multiple_of3A_211 : i32 to index
      %get3A_213 = tpu.vector_load %arg5[%get3A_212] {strides = array<i32>} : memref<4096xi32, #tpu.memory_space<vmem>>, vector<16xi32>,
      %sub3A_214 = arith.constant 1 : i32
      %sub3A_215 = vector.broadcast %sub3A_214 : i32 to vector<16xi32>
      %sub3A_216 = arith.subi %sub3A_215, %get3A_213 : vector<16xi32>
      %mul3A_217 = arith.constant 16 : i32
      %mul3A_218 = vector.broadcast %mul3A_217 : i32 to vector<16xi32>
      %mul3A_219 = arith.muli %sub3A_216, %mul3A_218 : vector<16xi32>
      %add3A_220 = arith.addi %iota3A, %mul3A_219 : vector<16xi32>
      %add3A_221 = arith.constant 16 : i32
      %add3A_222 = arith.addi %mul3A_185, %add3A_221 : i32
      %add3A_223 = vector.broadcast %add3A_222 : i32 to vector<16xi32>
      %add3A_224 = arith.addi %iota3A, %add3A_223 : vector<16xi32>
      %masked_sort3A_225 = arith.constant dense<true> : vector<16xi1>
      %masked_sort3A_226 = arith.constant -2147483648 : i32
      %masked_sort3A_227 = vector.broadcast %masked_sort3A_226 : i32 to vector<16xi32>
      %masked_sort3A_228 = arith.xori %add3A_220, %masked_sort3A_227 : vector<16xi32>
      %masked_sort3A_229, %masked_sort3A_230, %masked_sort3A_231 = tpu.sort %masked_sort3A_228, %add3A_224 masked %masked_sort3A_225 : (vector<16xi32>, vector<16xi32>, vector<16xi1>) -> (vector<16xi1>, vector<16xi32>, vector<16xi32>)
      %masked_sort3A_232 = arith.xori %masked_sort3A_230, %masked_sort3A_227 : vector<16xi32>
      %gt3A_233 = arith.constant 0 : i32
      %gt3A_234 = vector.broadcast %gt3A_233 : i32 to vector<16xi32>
      %gt3A_235 = arith.cmpi sgt, %get3A_213, %gt3A_234 : vector<16xi32>
      %all_reduce_population_count3A_236 = tpu.all_reduce %gt3A_235 {dim = 0 : i64, kind = #tpu.reduction_kind<sum>} : vector<16xi1> -> vector<16xi32>
      %add3A_237 = arith.constant 32 : i32
      %add3A_238 = arith.addi %mul3A_185, %add3A_237 : i32
      %multiple_of3A_239 = tpu.assume_multiple %add3A_238, 16 : i32
      %get3A_240 = arith.index_cast %multiple_of3A_239 : i32 to index
      %get3A_241 = tpu.vector_load %arg5[%get3A_240] {strides = array<i32>} : memref<4096xi32, #tpu.memory_space<vmem>>, vector<16xi32>,
      %sub3A_242 = arith.constant 1 : i32
      %sub3A_243 = vector.broadcast %sub3A_242 : i32 to vector<16xi32>
      %sub3A_244 = arith.subi %sub3A_243, %get3A_241 : vector<16xi32>
      %mul3A_245 = arith.constant 16 : i32
      %mul3A_246 = vector.broadcast %mul3A_245 : i32 to vector<16xi32>
      %mul3A_247 = arith.muli %sub3A_244, %mul3A_246 : vector<16xi32>
      %add3A_248 = arith.addi %iota3A, %mul3A_247 : vector<16xi32>
      %add3A_249 = arith.constant 32 : i32
      %add3A_250 = arith.addi %mul3A_185, %add3A_249 : i32
      %add3A_251 = vector.broadcast %add3A_250 : i32 to vector<16xi32>
      %add3A_252 = arith.addi %iota3A, %add3A_251 : vector<16xi32>
      %masked_sort3A_253 = arith.constant dense<true> : vector<16xi1>
      %masked_sort3A_254 = arith.constant -2147483648 : i32
      %masked_sort3A_255 = vector.broadcast %masked_sort3A_254 : i32 to vector<16xi32>
      %masked_sort3A_256 = arith.xori %add3A_248, %masked_sort3A_255 : vector<16xi32>
      %masked_sort3A_257, %masked_sort3A_258, %masked_sort3A_259 = tpu.sort %masked_sort3A_256, %add3A_252 masked %masked_sort3A_253 : (vector<16xi32>, vector<16xi32>, vector<16xi1>) -> (vector<16xi1>, vector<16xi32>, vector<16xi32>)
      %masked_sort3A_260 = arith.xori %masked_sort3A_258, %masked_sort3A_255 : vector<16xi32>
      %gt3A_261 = arith.constant 0 : i32
      %gt3A_262 = vector.broadcast %gt3A_261 : i32 to vector<16xi32>
      %gt3A_263 = arith.cmpi sgt, %get3A_241, %gt3A_262 : vector<16xi32>
      %all_reduce_population_count3A_264 = tpu.all_reduce %gt3A_263 {dim = 0 : i64, kind = #tpu.reduction_kind<sum>} : vector<16xi1> -> vector<16xi32>
      %add3A_265 = arith.constant 48 : i32
      %add3A_266 = arith.addi %mul3A_185, %add3A_265 : i32
      %multiple_of3A_267 = tpu.assume_multiple %add3A_266, 16 : i32
      %get3A_268 = arith.index_cast %multiple_of3A_267 : i32 to index
      %get3A_269 = tpu.vector_load %arg5[%get3A_268] {strides = array<i32>} : memref<4096xi32, #tpu.memory_space<vmem>>, vector<16xi32>,
      %sub3A_270 = arith.constant 1 : i32
      %sub3A_271 = vector.broadcast %sub3A_270 : i32 to vector<16xi32>
      %sub3A_272 = arith.subi %sub3A_271, %get3A_269 : vector<16xi32>
      %mul3A_273 = arith.constant 16 : i32
      %mul3A_274 = vector.broadcast %mul3A_273 : i32 to vector<16xi32>
      %mul3A_275 = arith.muli %sub3A_272, %mul3A_274 : vector<16xi32>
      %add3A_276 = arith.addi %iota3A, %mul3A_275 : vector<16xi32>
      %add3A_277 = arith.constant 48 : i32
      %add3A_278 = arith.addi %mul3A_185, %add3A_277 : i32
      %add3A_279 = vector.broadcast %add3A_278 : i32 to vector<16xi32>
      %add3A_280 = arith.addi %iota3A, %add3A_279 : vector<16xi32>
      %masked_sort3A_281 = arith.constant dense<true> : vector<16xi1>
      %masked_sort3A_282 = arith.constant -2147483648 : i32
      %masked_sort3A_283 = vector.broadcast %masked_sort3A_282 : i32 to vector<16xi32>
      %masked_sort3A_284 = arith.xori %add3A_276, %masked_sort3A_283 : vector<16xi32>
      %masked_sort3A_285, %masked_sort3A_286, %masked_sort3A_287 = tpu.sort %masked_sort3A_284, %add3A_280 masked %masked_sort3A_281 : (vector<16xi32>, vector<16xi32>, vector<16xi1>) -> (vector<16xi1>, vector<16xi32>, vector<16xi32>)
      %masked_sort3A_288 = arith.xori %masked_sort3A_286, %masked_sort3A_283 : vector<16xi32>
      %gt3A_289 = arith.constant 0 : i32
      %gt3A_290 = vector.broadcast %gt3A_289 : i32 to vector<16xi32>
      %gt3A_291 = arith.cmpi sgt, %get3A_269, %gt3A_290 : vector<16xi32>
      %all_reduce_population_count3A_292 = tpu.all_reduce %gt3A_291 {dim = 0 : i64, kind = #tpu.reduction_kind<sum>} : vector<16xi1> -> vector<16xi32>
      %swap3A = arith.index_cast %scan3A_183 : i32 to index
      %swap3A_293 = tpu.vector_load %arg6[%swap3A] {strides = array<i32>} : memref<4112xi32, #tpu.memory_space<vmem>>, vector<16xi32>,
      tpu.vector_store %arg6[%swap3A], %masked_sort3A_205 {strides = array<i32>} : memref<4112xi32, #tpu.memory_space<vmem>>, vector<16xi32>,
      %slice3A = vector.extract_strided_slice %all_reduce_population_count3A {offsets = [0], sizes = [1], strides = [1]} : vector<16xi32> to vector<1xi32>
      %squeeze3A = vector.extract %slice3A[0] : i32 from vector<1xi32>
      %add3A_294 = arith.addi %scan3A_183, %squeeze3A : i32
      %swap3A_295 = arith.index_cast %add3A_294 : i32 to index
      %swap3A_296 = tpu.vector_load %arg6[%swap3A_295] {strides = array<i32>} : memref<4112xi32, #tpu.memory_space<vmem>>, vector<16xi32>,
      tpu.vector_store %arg6[%swap3A_295], %masked_sort3A_231 {strides = array<i32>} : memref<4112xi32, #tpu.memory_space<vmem>>, vector<16xi32>,
      %slice3A_297 = vector.extract_strided_slice %all_reduce_population_count3A_236 {offsets = [0], sizes = [1], strides = [1]} : vector<16xi32> to vector<1xi32>
      %squeeze3A_298 = vector.extract %slice3A_297[0] : i32 from vector<1xi32>
      %add3A_299 = arith.addi %add3A_294, %squeeze3A_298 : i32
      %swap3A_300 = arith.index_cast %add3A_299 : i32 to index
      %swap3A_301 = tpu.vector_load %arg6[%swap3A_300] {strides = array<i32>} : memref<4112xi32, #tpu.memory_space<vmem>>, vector<16xi32>,
      tpu.vector_store %arg6[%swap3A_300], %masked_sort3A_259 {strides = array<i32>} : memref<4112xi32, #tpu.memory_space<vmem>>, vector<16xi32>,
      %slice3A_302 = vector.extract_strided_slice %all_reduce_population_count3A_264 {offsets = [0], sizes = [1], strides = [1]} : vector<16xi32> to vector<1xi32>
      %squeeze3A_303 = vector.extract %slice3A_302[0] : i32 from vector<1xi32>
      %add3A_304 = arith.addi %add3A_299, %squeeze3A_303 : i32
      %swap3A_305 = arith.index_cast %add3A_304 : i32 to index
      %swap3A_306 = tpu.vector_load %arg6[%swap3A_305] {strides = array<i32>} : memref<4112xi32, #tpu.memory_space<vmem>>, vector<16xi32>,
      tpu.vector_store %arg6[%swap3A_305], %masked_sort3A_287 {strides = array<i32>} : memref<4112xi32, #tpu.memory_space<vmem>>, vector<16xi32>,
      %slice3A_307 = vector.extract_strided_slice %all_reduce_population_count3A_292 {offsets = [0], sizes = [1], strides = [1]} : vector<16xi32> to vector<1xi32>
      %squeeze3A_308 = vector.extract %slice3A_307[0] : i32 from vector<1xi32>
      %add3A_309 = arith.addi %add3A_304, %squeeze3A_308 : i32
      scf.yield %add3A_309 : i32
    }
    %scan3A_51 = arith.constant 64 : i32
    %eq3A_52 = arith.constant 0 : i32
    %eq3A_53 = arith.cmpi eq, %scan3A_50, %eq3A_52 : i32
    %convert_element_type3A = arith.extui %eq3A_53 : i1 to i32
    %cond3A = arith.constant 0 : i32
    %cond3A_54 = arith.cmpi ne, %convert_element_type3A, %cond3A : i32
    scf.if %cond3A_54 {
      %mul3A_182 = arith.constant 0 : i32
      %mul3A_183 = vector.broadcast %mul3A_182 : i32 to vector<16xi32>
      %mul3A_184 = arith.muli %iota3A, %mul3A_183 : vector<16xi32>
      %swap3A = arith.constant 0 : index
      %swap3A_185 = tpu.vector_load %arg6[%swap3A] {strides = array<i32>} : memref<4112xi32, #tpu.memory_space<vmem>>, vector<16xi32>,
      tpu.vector_store %arg6[%swap3A], %mul3A_184 {strides = array<i32>} : memref<4112xi32, #tpu.memory_space<vmem>>, vector<16xi32>,
    } else {
    }
    %max3A = arith.constant 1 : i32
    %max3A_55 = arith.maxsi %scan3A_50, %max3A : i32
    %broadcast_in_dim3A = vector.broadcast %max3A_55 : i32 to vector<16xi32>
    %scan3A_56 = arith.constant 0 : i32
    %scan3A_57 = arith.constant 0 : i32
    %scan3A_58 = arith.constant 4 : i32
    %scan3A_59 = arith.addi %scan3A_57, %scan3A_58 : i32
    %scan3A_60 = arith.constant 1 : i32
    scf.for %scan3A_182 = %scan3A_57 to %scan3A_59 step %scan3A_60  : i32 {
      %mul3A_183 = arith.constant 8 : i32
      %mul3A_184 = arith.muli %scan3A_182, %mul3A_183 : i32
      %gt3A = arith.constant 0 : i32
      %gt3A_185 = arith.cmpi sgt, %scan3A_182, %gt3A : i32
      %convert_element_type3A_186 = arith.extui %gt3A_185 : i1 to i32
      %cond3A_187 = arith.constant 0 : i32
      %cond3A_188 = arith.cmpi ne, %convert_element_type3A_186, %cond3A_187 : i32
      scf.if %cond3A_188 {
        %dma_wait3A_1107 = arith.constant 0 : i32
        %dma_wait3A_1108 = arith.constant 0 : i32
        %dma_wait3A_1109 = arith.constant 0 : i32
        %dma_wait3A_1110 = tpu.memref_slice %arg8[%dma_wait3A_1107, %dma_wait3A_1108, %dma_wait3A_1109] : memref<8x64x128xf32, #tpu.memory_space<vmem>> -> memref<1x64x128xf32, #tpu.memory_space<vmem>>
        %dma_wait3A_1111 = tpu.memref_squeeze %dma_wait3A_1110 : memref<1x64x128xf32, #tpu.memory_space<vmem>> -> memref<64x128xf32, #tpu.memory_space<vmem>>
        %dma_wait3A_1112 = arith.constant 0 : i32
        %dma_wait3A_1113 = arith.constant 0 : i32
        %dma_wait3A_1114 = tpu.memref_slice %arg4[%dma_wait3A_1112, %dma_wait3A_1113] : memref<65536x128xf32, #tpu.memory_space<hbm>> -> memref<64x128xf32, #tpu.memory_space<hbm>>
        %dma_wait3A_1115 = arith.constant 0 : i32
        %dma_wait3A_1116 = arith.constant 0 : i32
        %dma_wait3A_1117 = tpu.memref_slice %arg4[%dma_wait3A_1115, %dma_wait3A_1116] : memref<65536x128xf32, #tpu.memory_space<hbm>> -> memref<64x128xf32, #tpu.memory_space<hbm>>
        %dma_wait3A_1118 = arith.constant 0 : i32
        %dma_wait3A_1119 = arith.constant 0 : i32
        %dma_wait3A_1120 = tpu.memref_slice %arg8[%dma_wait3A_1107, %dma_wait3A_1118, %dma_wait3A_1119] : memref<8x64x128xf32, #tpu.memory_space<vmem>> -> memref<1x64x128xf32, #tpu.memory_space<vmem>>
        %dma_wait3A_1121 = tpu.memref_squeeze %dma_wait3A_1120 : memref<1x64x128xf32, #tpu.memory_space<vmem>> -> memref<64x128xf32, #tpu.memory_space<vmem>>
        tpu.wait_dma2 semaphore(%arg18 : memref<!tpu.dma_semaphore, #tpu.memory_space<semaphore_mem>>) src(%dma_wait3A_1121 : memref<64x128xf32, #tpu.memory_space<vmem>>) dst(%dma_wait3A_1117 : memref<64x128xf32, #tpu.memory_space<hbm>>)
        %dma_wait3A_1122 = arith.constant 1 : i32
        %dma_wait3A_1123 = arith.constant 0 : i32
        %dma_wait3A_1124 = arith.constant 0 : i32
        %dma_wait3A_1125 = tpu.memref_slice %arg8[%dma_wait3A_1122, %dma_wait3A_1123, %dma_wait3A_1124] : memref<8x64x128xf32, #tpu.memory_space<vmem>> -> memref<1x64x128xf32, #tpu.memory_space<vmem>>
        %dma_wait3A_1126 = tpu.memref_squeeze %dma_wait3A_1125 : memref<1x64x128xf32, #tpu.memory_space<vmem>> -> memref<64x128xf32, #tpu.memory_space<vmem>>
        %dma_wait3A_1127 = arith.constant 0 : i32
        %dma_wait3A_1128 = arith.constant 0 : i32
        %dma_wait3A_1129 = tpu.memref_slice %arg4[%dma_wait3A_1127, %dma_wait3A_1128] : memref<65536x128xf32, #tpu.memory_space<hbm>> -> memref<64x128xf32, #tpu.memory_space<hbm>>
        %dma_wait3A_1130 = arith.constant 0 : i32
        %dma_wait3A_1131 = arith.constant 0 : i32
        %dma_wait3A_1132 = tpu.memref_slice %arg4[%dma_wait3A_1130, %dma_wait3A_1131] : memref<65536x128xf32, #tpu.memory_space<hbm>> -> memref<64x128xf32, #tpu.memory_space<hbm>>
        %dma_wait3A_1133 = arith.constant 0 : i32
        %dma_wait3A_1134 = arith.constant 0 : i32
        %dma_wait3A_1135 = tpu.memref_slice %arg8[%dma_wait3A_1122, %dma_wait3A_1133, %dma_wait3A_1134] : memref<8x64x128xf32, #tpu.memory_space<vmem>> -> memref<1x64x128xf32, #tpu.memory_space<vmem>>
        %dma_wait3A_1136 = tpu.memref_squeeze %dma_wait3A_1135 : memref<1x64x128xf32, #tpu.memory_space<vmem>> -> memref<64x128xf32, #tpu.memory_space<vmem>>
        tpu.wait_dma2 semaphore(%arg19 : memref<!tpu.dma_semaphore, #tpu.memory_space<semaphore_mem>>) src(%dma_wait3A_1136 : memref<64x128xf32, #tpu.memory_space<vmem>>) dst(%dma_wait3A_1132 : memref<64x128xf32, #tpu.memory_space<hbm>>)
        %dma_wait3A_1137 = arith.constant 2 : i32
        %dma_wait3A_1138 = arith.constant 0 : i32
        %dma_wait3A_1139 = arith.constant 0 : i32
        %dma_wait3A_1140 = tpu.memref_slice %arg8[%dma_wait3A_1137, %dma_wait3A_1138, %dma_wait3A_1139] : memref<8x64x128xf32, #tpu.memory_space<vmem>> -> memref<1x64x128xf32, #tpu.memory_space<vmem>>
        %dma_wait3A_1141 = tpu.memref_squeeze %dma_wait3A_1140 : memref<1x64x128xf32, #tpu.memory_space<vmem>> -> memref<64x128xf32, #tpu.memory_space<vmem>>
        %dma_wait3A_1142 = arith.constant 0 : i32
        %dma_wait3A_1143 = arith.constant 0 : i32
        %dma_wait3A_1144 = tpu.memref_slice %arg4[%dma_wait3A_1142, %dma_wait3A_1143] : memref<65536x128xf32, #tpu.memory_space<hbm>> -> memref<64x128xf32, #tpu.memory_space<hbm>>
        %dma_wait3A_1145 = arith.constant 0 : i32
        %dma_wait3A_1146 = arith.constant 0 : i32
        %dma_wait3A_1147 = tpu.memref_slice %arg4[%dma_wait3A_1145, %dma_wait3A_1146] : memref<65536x128xf32, #tpu.memory_space<hbm>> -> memref<64x128xf32, #tpu.memory_space<hbm>>
        %dma_wait3A_1148 = arith.constant 0 : i32
        %dma_wait3A_1149 = arith.constant 0 : i32
        %dma_wait3A_1150 = tpu.memref_slice %arg8[%dma_wait3A_1137, %dma_wait3A_1148, %dma_wait3A_1149] : memref<8x64x128xf32, #tpu.memory_space<vmem>> -> memref<1x64x128xf32, #tpu.memory_space<vmem>>
        %dma_wait3A_1151 = tpu.memref_squeeze %dma_wait3A_1150 : memref<1x64x128xf32, #tpu.memory_space<vmem>> -> memref<64x128xf32, #tpu.memory_space<vmem>>
        tpu.wait_dma2 semaphore(%arg20 : memref<!tpu.dma_semaphore, #tpu.memory_space<semaphore_mem>>) src(%dma_wait3A_1151 : memref<64x128xf32, #tpu.memory_space<vmem>>) dst(%dma_wait3A_1147 : memref<64x128xf32, #tpu.memory_space<hbm>>)
        %dma_wait3A_1152 = arith.constant 3 : i32
        %dma_wait3A_1153 = arith.constant 0 : i32
        %dma_wait3A_1154 = arith.constant 0 : i32
        %dma_wait3A_1155 = tpu.memref_slice %arg8[%dma_wait3A_1152, %dma_wait3A_1153, %dma_wait3A_1154] : memref<8x64x128xf32, #tpu.memory_space<vmem>> -> memref<1x64x128xf32, #tpu.memory_space<vmem>>
        %dma_wait3A_1156 = tpu.memref_squeeze %dma_wait3A_1155 : memref<1x64x128xf32, #tpu.memory_space<vmem>> -> memref<64x128xf32, #tpu.memory_space<vmem>>
        %dma_wait3A_1157 = arith.constant 0 : i32
        %dma_wait3A_1158 = arith.constant 0 : i32
        %dma_wait3A_1159 = tpu.memref_slice %arg4[%dma_wait3A_1157, %dma_wait3A_1158] : memref<65536x128xf32, #tpu.memory_space<hbm>> -> memref<64x128xf32, #tpu.memory_space<hbm>>
        %dma_wait3A_1160 = arith.constant 0 : i32
        %dma_wait3A_1161 = arith.constant 0 : i32
        %dma_wait3A_1162 = tpu.memref_slice %arg4[%dma_wait3A_1160, %dma_wait3A_1161] : memref<65536x128xf32, #tpu.memory_space<hbm>> -> memref<64x128xf32, #tpu.memory_space<hbm>>
        %dma_wait3A_1163 = arith.constant 0 : i32
        %dma_wait3A_1164 = arith.constant 0 : i32
        %dma_wait3A_1165 = tpu.memref_slice %arg8[%dma_wait3A_1152, %dma_wait3A_1163, %dma_wait3A_1164] : memref<8x64x128xf32, #tpu.memory_space<vmem>> -> memref<1x64x128xf32, #tpu.memory_space<vmem>>
        %dma_wait3A_1166 = tpu.memref_squeeze %dma_wait3A_1165 : memref<1x64x128xf32, #tpu.memory_space<vmem>> -> memref<64x128xf32, #tpu.memory_space<vmem>>
        tpu.wait_dma2 semaphore(%arg21 : memref<!tpu.dma_semaphore, #tpu.memory_space<semaphore_mem>>) src(%dma_wait3A_1166 : memref<64x128xf32, #tpu.memory_space<vmem>>) dst(%dma_wait3A_1162 : memref<64x128xf32, #tpu.memory_space<hbm>>)
        %dma_wait3A_1167 = arith.constant 4 : i32
        %dma_wait3A_1168 = arith.constant 0 : i32
        %dma_wait3A_1169 = arith.constant 0 : i32
        %dma_wait3A_1170 = tpu.memref_slice %arg8[%dma_wait3A_1167, %dma_wait3A_1168, %dma_wait3A_1169] : memref<8x64x128xf32, #tpu.memory_space<vmem>> -> memref<1x64x128xf32, #tpu.memory_space<vmem>>
        %dma_wait3A_1171 = tpu.memref_squeeze %dma_wait3A_1170 : memref<1x64x128xf32, #tpu.memory_space<vmem>> -> memref<64x128xf32, #tpu.memory_space<vmem>>
        %dma_wait3A_1172 = arith.constant 0 : i32
        %dma_wait3A_1173 = arith.constant 0 : i32
        %dma_wait3A_1174 = tpu.memref_slice %arg4[%dma_wait3A_1172, %dma_wait3A_1173] : memref<65536x128xf32, #tpu.memory_space<hbm>> -> memref<64x128xf32, #tpu.memory_space<hbm>>
        %dma_wait3A_1175 = arith.constant 0 : i32
        %dma_wait3A_1176 = arith.constant 0 : i32
        %dma_wait3A_1177 = tpu.memref_slice %arg4[%dma_wait3A_1175, %dma_wait3A_1176] : memref<65536x128xf32, #tpu.memory_space<hbm>> -> memref<64x128xf32, #tpu.memory_space<hbm>>
        %dma_wait3A_1178 = arith.constant 0 : i32
        %dma_wait3A_1179 = arith.constant 0 : i32
        %dma_wait3A_1180 = tpu.memref_slice %arg8[%dma_wait3A_1167, %dma_wait3A_1178, %dma_wait3A_1179] : memref<8x64x128xf32, #tpu.memory_space<vmem>> -> memref<1x64x128xf32, #tpu.memory_space<vmem>>
        %dma_wait3A_1181 = tpu.memref_squeeze %dma_wait3A_1180 : memref<1x64x128xf32, #tpu.memory_space<vmem>> -> memref<64x128xf32, #tpu.memory_space<vmem>>
        tpu.wait_dma2 semaphore(%arg22 : memref<!tpu.dma_semaphore, #tpu.memory_space<semaphore_mem>>) src(%dma_wait3A_1181 : memref<64x128xf32, #tpu.memory_space<vmem>>) dst(%dma_wait3A_1177 : memref<64x128xf32, #tpu.memory_space<hbm>>)
        %dma_wait3A_1182 = arith.constant 5 : i32
        %dma_wait3A_1183 = arith.constant 0 : i32
        %dma_wait3A_1184 = arith.constant 0 : i32
        %dma_wait3A_1185 = tpu.memref_slice %arg8[%dma_wait3A_1182, %dma_wait3A_1183, %dma_wait3A_1184] : memref<8x64x128xf32, #tpu.memory_space<vmem>> -> memref<1x64x128xf32, #tpu.memory_space<vmem>>
        %dma_wait3A_1186 = tpu.memref_squeeze %dma_wait3A_1185 : memref<1x64x128xf32, #tpu.memory_space<vmem>> -> memref<64x128xf32, #tpu.memory_space<vmem>>
        %dma_wait3A_1187 = arith.constant 0 : i32
        %dma_wait3A_1188 = arith.constant 0 : i32
        %dma_wait3A_1189 = tpu.memref_slice %arg4[%dma_wait3A_1187, %dma_wait3A_1188] : memref<65536x128xf32, #tpu.memory_space<hbm>> -> memref<64x128xf32, #tpu.memory_space<hbm>>
        %dma_wait3A_1190 = arith.constant 0 : i32
        %dma_wait3A_1191 = arith.constant 0 : i32
        %dma_wait3A_1192 = tpu.memref_slice %arg4[%dma_wait3A_1190, %dma_wait3A_1191] : memref<65536x128xf32, #tpu.memory_space<hbm>> -> memref<64x128xf32, #tpu.memory_space<hbm>>
        %dma_wait3A_1193 = arith.constant 0 : i32
        %dma_wait3A_1194 = arith.constant 0 : i32
        %dma_wait3A_1195 = tpu.memref_slice %arg8[%dma_wait3A_1182, %dma_wait3A_1193, %dma_wait3A_1194] : memref<8x64x128xf32, #tpu.memory_space<vmem>> -> memref<1x64x128xf32, #tpu.memory_space<vmem>>
        %dma_wait3A_1196 = tpu.memref_squeeze %dma_wait3A_1195 : memref<1x64x128xf32, #tpu.memory_space<vmem>> -> memref<64x128xf32, #tpu.memory_space<vmem>>
        tpu.wait_dma2 semaphore(%arg23 : memref<!tpu.dma_semaphore, #tpu.memory_space<semaphore_mem>>) src(%dma_wait3A_1196 : memref<64x128xf32, #tpu.memory_space<vmem>>) dst(%dma_wait3A_1192 : memref<64x128xf32, #tpu.memory_space<hbm>>)
        %dma_wait3A_1197 = arith.constant 6 : i32
        %dma_wait3A_1198 = arith.constant 0 : i32
        %dma_wait3A_1199 = arith.constant 0 : i32
        %dma_wait3A_1200 = tpu.memref_slice %arg8[%dma_wait3A_1197, %dma_wait3A_1198, %dma_wait3A_1199] : memref<8x64x128xf32, #tpu.memory_space<vmem>> -> memref<1x64x128xf32, #tpu.memory_space<vmem>>
        %dma_wait3A_1201 = tpu.memref_squeeze %dma_wait3A_1200 : memref<1x64x128xf32, #tpu.memory_space<vmem>> -> memref<64x128xf32, #tpu.memory_space<vmem>>
        %dma_wait3A_1202 = arith.constant 0 : i32
        %dma_wait3A_1203 = arith.constant 0 : i32
        %dma_wait3A_1204 = tpu.memref_slice %arg4[%dma_wait3A_1202, %dma_wait3A_1203] : memref<65536x128xf32, #tpu.memory_space<hbm>> -> memref<64x128xf32, #tpu.memory_space<hbm>>
        %dma_wait3A_1205 = arith.constant 0 : i32
        %dma_wait3A_1206 = arith.constant 0 : i32
        %dma_wait3A_1207 = tpu.memref_slice %arg4[%dma_wait3A_1205, %dma_wait3A_1206] : memref<65536x128xf32, #tpu.memory_space<hbm>> -> memref<64x128xf32, #tpu.memory_space<hbm>>
        %dma_wait3A_1208 = arith.constant 0 : i32
        %dma_wait3A_1209 = arith.constant 0 : i32
        %dma_wait3A_1210 = tpu.memref_slice %arg8[%dma_wait3A_1197, %dma_wait3A_1208, %dma_wait3A_1209] : memref<8x64x128xf32, #tpu.memory_space<vmem>> -> memref<1x64x128xf32, #tpu.memory_space<vmem>>
        %dma_wait3A_1211 = tpu.memref_squeeze %dma_wait3A_1210 : memref<1x64x128xf32, #tpu.memory_space<vmem>> -> memref<64x128xf32, #tpu.memory_space<vmem>>
        tpu.wait_dma2 semaphore(%arg24 : memref<!tpu.dma_semaphore, #tpu.memory_space<semaphore_mem>>) src(%dma_wait3A_1211 : memref<64x128xf32, #tpu.memory_space<vmem>>) dst(%dma_wait3A_1207 : memref<64x128xf32, #tpu.memory_space<hbm>>)
        %dma_wait3A_1212 = arith.constant 7 : i32
        %dma_wait3A_1213 = arith.constant 0 : i32
        %dma_wait3A_1214 = arith.constant 0 : i32
        %dma_wait3A_1215 = tpu.memref_slice %arg8[%dma_wait3A_1212, %dma_wait3A_1213, %dma_wait3A_1214] : memref<8x64x128xf32, #tpu.memory_space<vmem>> -> memref<1x64x128xf32, #tpu.memory_space<vmem>>
        %dma_wait3A_1216 = tpu.memref_squeeze %dma_wait3A_1215 : memref<1x64x128xf32, #tpu.memory_space<vmem>> -> memref<64x128xf32, #tpu.memory_space<vmem>>
        %dma_wait3A_1217 = arith.constant 0 : i32
        %dma_wait3A_1218 = arith.constant 0 : i32
        %dma_wait3A_1219 = tpu.memref_slice %arg4[%dma_wait3A_1217, %dma_wait3A_1218] : memref<65536x128xf32, #tpu.memory_space<hbm>> -> memref<64x128xf32, #tpu.memory_space<hbm>>
        %dma_wait3A_1220 = arith.constant 0 : i32
        %dma_wait3A_1221 = arith.constant 0 : i32
        %dma_wait3A_1222 = tpu.memref_slice %arg4[%dma_wait3A_1220, %dma_wait3A_1221] : memref<65536x128xf32, #tpu.memory_space<hbm>> -> memref<64x128xf32, #tpu.memory_space<hbm>>
        %dma_wait3A_1223 = arith.constant 0 : i32
        %dma_wait3A_1224 = arith.constant 0 : i32
        %dma_wait3A_1225 = tpu.memref_slice %arg8[%dma_wait3A_1212, %dma_wait3A_1223, %dma_wait3A_1224] : memref<8x64x128xf32, #tpu.memory_space<vmem>> -> memref<1x64x128xf32, #tpu.memory_space<vmem>>
        %dma_wait3A_1226 = tpu.memref_squeeze %dma_wait3A_1225 : memref<1x64x128xf32, #tpu.memory_space<vmem>> -> memref<64x128xf32, #tpu.memory_space<vmem>>
        tpu.wait_dma2 semaphore(%arg25 : memref<!tpu.dma_semaphore, #tpu.memory_space<semaphore_mem>>) src(%dma_wait3A_1226 : memref<64x128xf32, #tpu.memory_space<vmem>>) dst(%dma_wait3A_1222 : memref<64x128xf32, #tpu.memory_space<hbm>>)
      } else {
      }
      %add3A_189 = arith.constant 0 : i32
      %add3A_190 = arith.addi %mul3A_184, %add3A_189 : i32
      %mul3A_191 = arith.constant 16 : i32
      %mul3A_192 = arith.muli %select_n3A_30, %mul3A_191 : i32
      %add3A_193 = arith.addi %add3A_190, %mul3A_192 : i32
      %rem3A_194 = arith.constant 32 : i32
      %rem3A_195 = arith.remsi %add3A_193, %rem3A_194 : i32
      %mul3A_196 = arith.constant 2048 : i32
      %mul3A_197 = arith.muli %select_n3A_30, %mul3A_196 : i32
      %mul3A_198 = arith.constant 64 : i32
      %mul3A_199 = arith.muli %rem3A_195, %mul3A_198 : i32
      %add3A_200 = arith.addi %mul3A_197, %mul3A_199 : i32
      %add3A_201 = arith.constant 0 : i32
      %add3A_202 = arith.addi %add3A_200, %add3A_201 : i32
      %add3A_203 = vector.broadcast %add3A_202 : i32 to vector<16xi32>
      %add3A_204 = arith.addi %iota3A, %add3A_203 : vector<16xi32>
      %rem3A_205 = arith.remsi %add3A_204, %broadcast_in_dim3A : vector<16xi32>
      %gather3A = tpu.vector_load_idx %arg6[%rem3A_205] : memref<4112xi32, #tpu.memory_space<vmem>>[vector<16xi32>], vector<16xi32>,
      %mul3A_206 = arith.constant 4096 : i32
      %mul3A_207 = arith.muli %select_n3A, %mul3A_206 : i32
      %add3A_208 = vector.broadcast %mul3A_207 : i32 to vector<16xi32>
      %add3A_209 = arith.addi %gather3A, %add3A_208 : vector<16xi32>
      %swap3A = arith.constant 0 : i32
      %swap3A_210 = arith.index_cast %swap3A : i32 to index
      %swap3A_211 = arith.constant 0 : index
      %swap3A_212 = tpu.vector_load %arg7[%swap3A_210, %swap3A_211] {strides = array<i32>} : memref<8x64xi32, #tpu.memory_space<vmem>>, vector<16xi32>,
      tpu.vector_store %arg7[%swap3A_210, %swap3A_211], %add3A_209 {strides = array<i32>} : memref<8x64xi32, #tpu.memory_space<vmem>>, vector<16xi32>,
      %add3A_213 = arith.constant 16 : i32
      %add3A_214 = arith.addi %add3A_200, %add3A_213 : i32
      %add3A_215 = vector.broadcast %add3A_214 : i32 to vector<16xi32>
      %add3A_216 = arith.addi %iota3A, %add3A_215 : vector<16xi32>
      %rem3A_217 = arith.remsi %add3A_216, %broadcast_in_dim3A : vector<16xi32>
      %gather3A_218 = tpu.vector_load_idx %arg6[%rem3A_217] : memref<4112xi32, #tpu.memory_space<vmem>>[vector<16xi32>], vector<16xi32>,
      %mul3A_219 = arith.constant 4096 : i32
      %mul3A_220 = arith.muli %select_n3A, %mul3A_219 : i32
      %add3A_221 = vector.broadcast %mul3A_220 : i32 to vector<16xi32>
      %add3A_222 = arith.addi %gather3A_218, %add3A_221 : vector<16xi32>
      %swap3A_223 = arith.constant 0 : i32
      %swap3A_224 = arith.index_cast %swap3A_223 : i32 to index
      %swap3A_225 = arith.constant 16 : index
      %swap3A_226 = tpu.vector_load %arg7[%swap3A_224, %swap3A_225] {strides = array<i32>} : memref<8x64xi32, #tpu.memory_space<vmem>>, vector<16xi32>,
      tpu.vector_store %arg7[%swap3A_224, %swap3A_225], %add3A_222 {strides = array<i32>} : memref<8x64xi32, #tpu.memory_space<vmem>>, vector<16xi32>,
      %add3A_227 = arith.constant 32 : i32
      %add3A_228 = arith.addi %add3A_200, %add3A_227 : i32
      %add3A_229 = vector.broadcast %add3A_228 : i32 to vector<16xi32>
      %add3A_230 = arith.addi %iota3A, %add3A_229 : vector<16xi32>
      %rem3A_231 = arith.remsi %add3A_230, %broadcast_in_dim3A : vector<16xi32>
      %gather3A_232 = tpu.vector_load_idx %arg6[%rem3A_231] : memref<4112xi32, #tpu.memory_space<vmem>>[vector<16xi32>], vector<16xi32>,
      %mul3A_233 = arith.constant 4096 : i32
      %mul3A_234 = arith.muli %select_n3A, %mul3A_233 : i32
      %add3A_235 = vector.broadcast %mul3A_234 : i32 to vector<16xi32>
      %add3A_236 = arith.addi %gather3A_232, %add3A_235 : vector<16xi32>
      %swap3A_237 = arith.constant 0 : i32
      %swap3A_238 = arith.index_cast %swap3A_237 : i32 to index
      %swap3A_239 = arith.constant 32 : index
      %swap3A_240 = tpu.vector_load %arg7[%swap3A_238, %swap3A_239] {strides = array<i32>} : memref<8x64xi32, #tpu.memory_space<vmem>>, vector<16xi32>,
      tpu.vector_store %arg7[%swap3A_238, %swap3A_239], %add3A_236 {strides = array<i32>} : memref<8x64xi32, #tpu.memory_space<vmem>>, vector<16xi32>,
      %add3A_241 = arith.constant 48 : i32
      %add3A_242 = arith.addi %add3A_200, %add3A_241 : i32
      %add3A_243 = vector.broadcast %add3A_242 : i32 to vector<16xi32>
      %add3A_244 = arith.addi %iota3A, %add3A_243 : vector<16xi32>
      %rem3A_245 = arith.remsi %add3A_244, %broadcast_in_dim3A : vector<16xi32>
      %gather3A_246 = tpu.vector_load_idx %arg6[%rem3A_245] : memref<4112xi32, #tpu.memory_space<vmem>>[vector<16xi32>], vector<16xi32>,
      %mul3A_247 = arith.constant 4096 : i32
      %mul3A_248 = arith.muli %select_n3A, %mul3A_247 : i32
      %add3A_249 = vector.broadcast %mul3A_248 : i32 to vector<16xi32>
      %add3A_250 = arith.addi %gather3A_246, %add3A_249 : vector<16xi32>
      %swap3A_251 = arith.constant 0 : i32
      %swap3A_252 = arith.index_cast %swap3A_251 : i32 to index
      %swap3A_253 = arith.constant 48 : index
      %swap3A_254 = tpu.vector_load %arg7[%swap3A_252, %swap3A_253] {strides = array<i32>} : memref<8x64xi32, #tpu.memory_space<vmem>>, vector<16xi32>,
      tpu.vector_store %arg7[%swap3A_252, %swap3A_253], %add3A_250 {strides = array<i32>} : memref<8x64xi32, #tpu.memory_space<vmem>>, vector<16xi32>,
      %dma_start3A_255 = arith.constant 0 : i32
      %dma_start3A_256 = arith.constant 0 : i32
      %dma_start3A_257 = arith.constant 0 : i32
      %dma_start3A_258 = arith.constant 0 : i32
      %dma_start3A_259 = tpu.memref_slice %arg8[%dma_start3A_256, %dma_start3A_257, %dma_start3A_258] : memref<8x64x128xf32, #tpu.memory_space<vmem>> -> memref<1x64x128xf32, #tpu.memory_space<vmem>>
      %dma_start3A_260 = tpu.memref_squeeze %dma_start3A_259 : memref<1x64x128xf32, #tpu.memory_space<vmem>> -> memref<64x128xf32, #tpu.memory_space<vmem>>
      %dma_start3A_261 = arith.constant 0 : i32
      %dma_start3A_262 = tpu.memref_slice %arg7[%dma_start3A_255, %dma_start3A_261] : memref<8x64xi32, #tpu.memory_space<vmem>> -> memref<1x64xi32, #tpu.memory_space<vmem>>
      %dma_start3A_263 = tpu.memref_squeeze %dma_start3A_262 : memref<1x64xi32, #tpu.memory_space<vmem>> -> memref<64xi32, #tpu.memory_space<vmem>>
      %dma_start3A_264 = arith.constant 0 : i32
      %dma_start3A_265 = arith.constant 0 : i32
      %dma_start3A_266 = tpu.memref_slice %arg2[%dma_start3A_264, %dma_start3A_265] : memref<65536x128xf32, #tpu.memory_space<hbm>> -> memref<65536x128xf32, #tpu.memory_space<hbm>>
      tpu.enqueue_indirect_dma source(%dma_start3A_266 : memref<65536x128xf32, #tpu.memory_space<hbm>>) target(%dma_start3A_260 : memref<64x128xf32, #tpu.memory_space<vmem>>) offsets(%dma_start3A_263 : memref<64xi32, #tpu.memory_space<vmem>>) semaphore(%arg10 : memref<!tpu.dma_semaphore, #tpu.memory_space<semaphore_mem>>)
      %add3A_267 = arith.constant 1 : i32
      %add3A_268 = arith.addi %mul3A_184, %add3A_267 : i32
      %mul3A_269 = arith.constant 16 : i32
      %mul3A_270 = arith.muli %select_n3A_30, %mul3A_269 : i32
      %add3A_271 = arith.addi %add3A_268, %mul3A_270 : i32
      %rem3A_272 = arith.constant 32 : i32
      %rem3A_273 = arith.remsi %add3A_271, %rem3A_272 : i32
      %mul3A_274 = arith.constant 2048 : i32
      %mul3A_275 = arith.muli %select_n3A_30, %mul3A_274 : i32
      %mul3A_276 = arith.constant 64 : i32
      %mul3A_277 = arith.muli %rem3A_273, %mul3A_276 : i32
      %add3A_278 = arith.addi %mul3A_275, %mul3A_277 : i32
      %add3A_279 = arith.constant 0 : i32
      %add3A_280 = arith.addi %add3A_278, %add3A_279 : i32
      %add3A_281 = vector.broadcast %add3A_280 : i32 to vector<16xi32>
      %add3A_282 = arith.addi %iota3A, %add3A_281 : vector<16xi32>
      %rem3A_283 = arith.remsi %add3A_282, %broadcast_in_dim3A : vector<16xi32>
      %gather3A_284 = tpu.vector_load_idx %arg6[%rem3A_283] : memref<4112xi32, #tpu.memory_space<vmem>>[vector<16xi32>], vector<16xi32>,
      %mul3A_285 = arith.constant 4096 : i32
      %mul3A_286 = arith.muli %select_n3A, %mul3A_285 : i32
      %add3A_287 = vector.broadcast %mul3A_286 : i32 to vector<16xi32>
      %add3A_288 = arith.addi %gather3A_284, %add3A_287 : vector<16xi32>
      %swap3A_289 = arith.constant 1 : i32
      %swap3A_290 = arith.index_cast %swap3A_289 : i32 to index
      %swap3A_291 = arith.constant 0 : index
      %swap3A_292 = tpu.vector_load %arg7[%swap3A_290, %swap3A_291] {strides = array<i32>} : memref<8x64xi32, #tpu.memory_space<vmem>>, vector<16xi32>,
      tpu.vector_store %arg7[%swap3A_290, %swap3A_291], %add3A_288 {strides = array<i32>} : memref<8x64xi32, #tpu.memory_space<vmem>>, vector<16xi32>,
      %add3A_293 = arith.constant 16 : i32
      %add3A_294 = arith.addi %add3A_278, %add3A_293 : i32
      %add3A_295 = vector.broadcast %add3A_294 : i32 to vector<16xi32>
      %add3A_296 = arith.addi %iota3A, %add3A_295 : vector<16xi32>
      %rem3A_297 = arith.remsi %add3A_296, %broadcast_in_dim3A : vector<16xi32>
      %gather3A_298 = tpu.vector_load_idx %arg6[%rem3A_297] : memref<4112xi32, #tpu.memory_space<vmem>>[vector<16xi32>], vector<16xi32>,
      %mul3A_299 = arith.constant 4096 : i32
      %mul3A_300 = arith.muli %select_n3A, %mul3A_299 : i32
      %add3A_301 = vector.broadcast %mul3A_300 : i32 to vector<16xi32>
      %add3A_302 = arith.addi %gather3A_298, %add3A_301 : vector<16xi32>
      %swap3A_303 = arith.constant 1 : i32
      %swap3A_304 = arith.index_cast %swap3A_303 : i32 to index
      %swap3A_305 = arith.constant 16 : index
      %swap3A_306 = tpu.vector_load %arg7[%swap3A_304, %swap3A_305] {strides = array<i32>} : memref<8x64xi32, #tpu.memory_space<vmem>>, vector<16xi32>,
      tpu.vector_store %arg7[%swap3A_304, %swap3A_305], %add3A_302 {strides = array<i32>} : memref<8x64xi32, #tpu.memory_space<vmem>>, vector<16xi32>,
      %add3A_307 = arith.constant 32 : i32
      %add3A_308 = arith.addi %add3A_278, %add3A_307 : i32
      %add3A_309 = vector.broadcast %add3A_308 : i32 to vector<16xi32>
      %add3A_310 = arith.addi %iota3A, %add3A_309 : vector<16xi32>
      %rem3A_311 = arith.remsi %add3A_310, %broadcast_in_dim3A : vector<16xi32>
      %gather3A_312 = tpu.vector_load_idx %arg6[%rem3A_311] : memref<4112xi32, #tpu.memory_space<vmem>>[vector<16xi32>], vector<16xi32>,
      %mul3A_313 = arith.constant 4096 : i32
      %mul3A_314 = arith.muli %select_n3A, %mul3A_313 : i32
      %add3A_315 = vector.broadcast %mul3A_314 : i32 to vector<16xi32>
      %add3A_316 = arith.addi %gather3A_312, %add3A_315 : vector<16xi32>
      %swap3A_317 = arith.constant 1 : i32
      %swap3A_318 = arith.index_cast %swap3A_317 : i32 to index
      %swap3A_319 = arith.constant 32 : index
      %swap3A_320 = tpu.vector_load %arg7[%swap3A_318, %swap3A_319] {strides = array<i32>} : memref<8x64xi32, #tpu.memory_space<vmem>>, vector<16xi32>,
      tpu.vector_store %arg7[%swap3A_318, %swap3A_319], %add3A_316 {strides = array<i32>} : memref<8x64xi32, #tpu.memory_space<vmem>>, vector<16xi32>,
      %add3A_321 = arith.constant 48 : i32
      %add3A_322 = arith.addi %add3A_278, %add3A_321 : i32
      %add3A_323 = vector.broadcast %add3A_322 : i32 to vector<16xi32>
      %add3A_324 = arith.addi %iota3A, %add3A_323 : vector<16xi32>
      %rem3A_325 = arith.remsi %add3A_324, %broadcast_in_dim3A : vector<16xi32>
      %gather3A_326 = tpu.vector_load_idx %arg6[%rem3A_325] : memref<4112xi32, #tpu.memory_space<vmem>>[vector<16xi32>], vector<16xi32>,
      %mul3A_327 = arith.constant 4096 : i32
      %mul3A_328 = arith.muli %select_n3A, %mul3A_327 : i32
      %add3A_329 = vector.broadcast %mul3A_328 : i32 to vector<16xi32>
      %add3A_330 = arith.addi %gather3A_326, %add3A_329 : vector<16xi32>
      %swap3A_331 = arith.constant 1 : i32
      %swap3A_332 = arith.index_cast %swap3A_331 : i32 to index
      %swap3A_333 = arith.constant 48 : index
      %swap3A_334 = tpu.vector_load %arg7[%swap3A_332, %swap3A_333] {strides = array<i32>} : memref<8x64xi32, #tpu.memory_space<vmem>>, vector<16xi32>,
      tpu.vector_store %arg7[%swap3A_332, %swap3A_333], %add3A_330 {strides = array<i32>} : memref<8x64xi32, #tpu.memory_space<vmem>>, vector<16xi32>,
      %dma_start3A_335 = arith.constant 1 : i32
      %dma_start3A_336 = arith.constant 1 : i32
      %dma_start3A_337 = arith.constant 0 : i32
      %dma_start3A_338 = arith.constant 0 : i32
      %dma_start3A_339 = tpu.memref_slice %arg8[%dma_start3A_336, %dma_start3A_337, %dma_start3A_338] : memref<8x64x128xf32, #tpu.memory_space<vmem>> -> memref<1x64x128xf32, #tpu.memory_space<vmem>>
      %dma_start3A_340 = tpu.memref_squeeze %dma_start3A_339 : memref<1x64x128xf32, #tpu.memory_space<vmem>> -> memref<64x128xf32, #tpu.memory_space<vmem>>
      %dma_start3A_341 = arith.constant 0 : i32
      %dma_start3A_342 = tpu.memref_slice %arg7[%dma_start3A_335, %dma_start3A_341] : memref<8x64xi32, #tpu.memory_space<vmem>> -> memref<1x64xi32, #tpu.memory_space<vmem>>
      %dma_start3A_343 = tpu.memref_squeeze %dma_start3A_342 : memref<1x64xi32, #tpu.memory_space<vmem>> -> memref<64xi32, #tpu.memory_space<vmem>>
      %dma_start3A_344 = arith.constant 0 : i32
      %dma_start3A_345 = arith.constant 0 : i32
      %dma_start3A_346 = tpu.memref_slice %arg2[%dma_start3A_344, %dma_start3A_345] : memref<65536x128xf32, #tpu.memory_space<hbm>> -> memref<65536x128xf32, #tpu.memory_space<hbm>>
      tpu.enqueue_indirect_dma source(%dma_start3A_346 : memref<65536x128xf32, #tpu.memory_space<hbm>>) target(%dma_start3A_340 : memref<64x128xf32, #tpu.memory_space<vmem>>) offsets(%dma_start3A_343 : memref<64xi32, #tpu.memory_space<vmem>>) semaphore(%arg11 : memref<!tpu.dma_semaphore, #tpu.memory_space<semaphore_mem>>)
      %add3A_347 = arith.constant 2 : i32
      %add3A_348 = arith.addi %mul3A_184, %add3A_347 : i32
      %mul3A_349 = arith.constant 16 : i32
      %mul3A_350 = arith.muli %select_n3A_30, %mul3A_349 : i32
      %add3A_351 = arith.addi %add3A_348, %mul3A_350 : i32
      %rem3A_352 = arith.constant 32 : i32
      %rem3A_353 = arith.remsi %add3A_351, %rem3A_352 : i32
      %mul3A_354 = arith.constant 2048 : i32
      %mul3A_355 = arith.muli %select_n3A_30, %mul3A_354 : i32
      %mul3A_356 = arith.constant 64 : i32
      %mul3A_357 = arith.muli %rem3A_353, %mul3A_356 : i32
      %add3A_358 = arith.addi %mul3A_355, %mul3A_357 : i32
      %add3A_359 = arith.constant 0 : i32
      %add3A_360 = arith.addi %add3A_358, %add3A_359 : i32
      %add3A_361 = vector.broadcast %add3A_360 : i32 to vector<16xi32>
      %add3A_362 = arith.addi %iota3A, %add3A_361 : vector<16xi32>
      %rem3A_363 = arith.remsi %add3A_362, %broadcast_in_dim3A : vector<16xi32>
      %gather3A_364 = tpu.vector_load_idx %arg6[%rem3A_363] : memref<4112xi32, #tpu.memory_space<vmem>>[vector<16xi32>], vector<16xi32>,
      %mul3A_365 = arith.constant 4096 : i32
      %mul3A_366 = arith.muli %select_n3A, %mul3A_365 : i32
      %add3A_367 = vector.broadcast %mul3A_366 : i32 to vector<16xi32>
      %add3A_368 = arith.addi %gather3A_364, %add3A_367 : vector<16xi32>
      %swap3A_369 = arith.constant 2 : i32
      %swap3A_370 = arith.index_cast %swap3A_369 : i32 to index
      %swap3A_371 = arith.constant 0 : index
      %swap3A_372 = tpu.vector_load %arg7[%swap3A_370, %swap3A_371] {strides = array<i32>} : memref<8x64xi32, #tpu.memory_space<vmem>>, vector<16xi32>,
      tpu.vector_store %arg7[%swap3A_370, %swap3A_371], %add3A_368 {strides = array<i32>} : memref<8x64xi32, #tpu.memory_space<vmem>>, vector<16xi32>,
      %add3A_373 = arith.constant 16 : i32
      %add3A_374 = arith.addi %add3A_358, %add3A_373 : i32
      %add3A_375 = vector.broadcast %add3A_374 : i32 to vector<16xi32>
      %add3A_376 = arith.addi %iota3A, %add3A_375 : vector<16xi32>
      %rem3A_377 = arith.remsi %add3A_376, %broadcast_in_dim3A : vector<16xi32>
      %gather3A_378 = tpu.vector_load_idx %arg6[%rem3A_377] : memref<4112xi32, #tpu.memory_space<vmem>>[vector<16xi32>], vector<16xi32>,
      %mul3A_379 = arith.constant 4096 : i32
      %mul3A_380 = arith.muli %select_n3A, %mul3A_379 : i32
      %add3A_381 = vector.broadcast %mul3A_380 : i32 to vector<16xi32>
      %add3A_382 = arith.addi %gather3A_378, %add3A_381 : vector<16xi32>
      %swap3A_383 = arith.constant 2 : i32
      %swap3A_384 = arith.index_cast %swap3A_383 : i32 to index
      %swap3A_385 = arith.constant 16 : index
      %swap3A_386 = tpu.vector_load %arg7[%swap3A_384, %swap3A_385] {strides = array<i32>} : memref<8x64xi32, #tpu.memory_space<vmem>>, vector<16xi32>,
      tpu.vector_store %arg7[%swap3A_384, %swap3A_385], %add3A_382 {strides = array<i32>} : memref<8x64xi32, #tpu.memory_space<vmem>>, vector<16xi32>,
      %add3A_387 = arith.constant 32 : i32
      %add3A_388 = arith.addi %add3A_358, %add3A_387 : i32
      %add3A_389 = vector.broadcast %add3A_388 : i32 to vector<16xi32>
      %add3A_390 = arith.addi %iota3A, %add3A_389 : vector<16xi32>
      %rem3A_391 = arith.remsi %add3A_390, %broadcast_in_dim3A : vector<16xi32>
      %gather3A_392 = tpu.vector_load_idx %arg6[%rem3A_391] : memref<4112xi32, #tpu.memory_space<vmem>>[vector<16xi32>], vector<16xi32>,
      %mul3A_393 = arith.constant 4096 : i32
      %mul3A_394 = arith.muli %select_n3A, %mul3A_393 : i32
      %add3A_395 = vector.broadcast %mul3A_394 : i32 to vector<16xi32>
      %add3A_396 = arith.addi %gather3A_392, %add3A_395 : vector<16xi32>
      %swap3A_397 = arith.constant 2 : i32
      %swap3A_398 = arith.index_cast %swap3A_397 : i32 to index
      %swap3A_399 = arith.constant 32 : index
      %swap3A_400 = tpu.vector_load %arg7[%swap3A_398, %swap3A_399] {strides = array<i32>} : memref<8x64xi32, #tpu.memory_space<vmem>>, vector<16xi32>,
      tpu.vector_store %arg7[%swap3A_398, %swap3A_399], %add3A_396 {strides = array<i32>} : memref<8x64xi32, #tpu.memory_space<vmem>>, vector<16xi32>,
      %add3A_401 = arith.constant 48 : i32
      %add3A_402 = arith.addi %add3A_358, %add3A_401 : i32
      %add3A_403 = vector.broadcast %add3A_402 : i32 to vector<16xi32>
      %add3A_404 = arith.addi %iota3A, %add3A_403 : vector<16xi32>
      %rem3A_405 = arith.remsi %add3A_404, %broadcast_in_dim3A : vector<16xi32>
      %gather3A_406 = tpu.vector_load_idx %arg6[%rem3A_405] : memref<4112xi32, #tpu.memory_space<vmem>>[vector<16xi32>], vector<16xi32>,
      %mul3A_407 = arith.constant 4096 : i32
      %mul3A_408 = arith.muli %select_n3A, %mul3A_407 : i32
      %add3A_409 = vector.broadcast %mul3A_408 : i32 to vector<16xi32>
      %add3A_410 = arith.addi %gather3A_406, %add3A_409 : vector<16xi32>
      %swap3A_411 = arith.constant 2 : i32
      %swap3A_412 = arith.index_cast %swap3A_411 : i32 to index
      %swap3A_413 = arith.constant 48 : index
      %swap3A_414 = tpu.vector_load %arg7[%swap3A_412, %swap3A_413] {strides = array<i32>} : memref<8x64xi32, #tpu.memory_space<vmem>>, vector<16xi32>,
      tpu.vector_store %arg7[%swap3A_412, %swap3A_413], %add3A_410 {strides = array<i32>} : memref<8x64xi32, #tpu.memory_space<vmem>>, vector<16xi32>,
      %dma_start3A_415 = arith.constant 2 : i32
      %dma_start3A_416 = arith.constant 2 : i32
      %dma_start3A_417 = arith.constant 0 : i32
      %dma_start3A_418 = arith.constant 0 : i32
      %dma_start3A_419 = tpu.memref_slice %arg8[%dma_start3A_416, %dma_start3A_417, %dma_start3A_418] : memref<8x64x128xf32, #tpu.memory_space<vmem>> -> memref<1x64x128xf32, #tpu.memory_space<vmem>>
      %dma_start3A_420 = tpu.memref_squeeze %dma_start3A_419 : memref<1x64x128xf32, #tpu.memory_space<vmem>> -> memref<64x128xf32, #tpu.memory_space<vmem>>
      %dma_start3A_421 = arith.constant 0 : i32
      %dma_start3A_422 = tpu.memref_slice %arg7[%dma_start3A_415, %dma_start3A_421] : memref<8x64xi32, #tpu.memory_space<vmem>> -> memref<1x64xi32, #tpu.memory_space<vmem>>
      %dma_start3A_423 = tpu.memref_squeeze %dma_start3A_422 : memref<1x64xi32, #tpu.memory_space<vmem>> -> memref<64xi32, #tpu.memory_space<vmem>>
      %dma_start3A_424 = arith.constant 0 : i32
      %dma_start3A_425 = arith.constant 0 : i32
      %dma_start3A_426 = tpu.memref_slice %arg2[%dma_start3A_424, %dma_start3A_425] : memref<65536x128xf32, #tpu.memory_space<hbm>> -> memref<65536x128xf32, #tpu.memory_space<hbm>>
      tpu.enqueue_indirect_dma source(%dma_start3A_426 : memref<65536x128xf32, #tpu.memory_space<hbm>>) target(%dma_start3A_420 : memref<64x128xf32, #tpu.memory_space<vmem>>) offsets(%dma_start3A_423 : memref<64xi32, #tpu.memory_space<vmem>>) semaphore(%arg12 : memref<!tpu.dma_semaphore, #tpu.memory_space<semaphore_mem>>)
      %add3A_427 = arith.constant 3 : i32
      %add3A_428 = arith.addi %mul3A_184, %add3A_427 : i32
      %mul3A_429 = arith.constant 16 : i32
      %mul3A_430 = arith.muli %select_n3A_30, %mul3A_429 : i32
      %add3A_431 = arith.addi %add3A_428, %mul3A_430 : i32
      %rem3A_432 = arith.constant 32 : i32
      %rem3A_433 = arith.remsi %add3A_431, %rem3A_432 : i32
      %mul3A_434 = arith.constant 2048 : i32
      %mul3A_435 = arith.muli %select_n3A_30, %mul3A_434 : i32
      %mul3A_436 = arith.constant 64 : i32
      %mul3A_437 = arith.muli %rem3A_433, %mul3A_436 : i32
      %add3A_438 = arith.addi %mul3A_435, %mul3A_437 : i32
      %add3A_439 = arith.constant 0 : i32
      %add3A_440 = arith.addi %add3A_438, %add3A_439 : i32
      %add3A_441 = vector.broadcast %add3A_440 : i32 to vector<16xi32>
      %add3A_442 = arith.addi %iota3A, %add3A_441 : vector<16xi32>
      %rem3A_443 = arith.remsi %add3A_442, %broadcast_in_dim3A : vector<16xi32>
      %gather3A_444 = tpu.vector_load_idx %arg6[%rem3A_443] : memref<4112xi32, #tpu.memory_space<vmem>>[vector<16xi32>], vector<16xi32>,
      %mul3A_445 = arith.constant 4096 : i32
      %mul3A_446 = arith.muli %select_n3A, %mul3A_445 : i32
      %add3A_447 = vector.broadcast %mul3A_446 : i32 to vector<16xi32>
      %add3A_448 = arith.addi %gather3A_444, %add3A_447 : vector<16xi32>
      %swap3A_449 = arith.constant 3 : i32
      %swap3A_450 = arith.index_cast %swap3A_449 : i32 to index
      %swap3A_451 = arith.constant 0 : index
      %swap3A_452 = tpu.vector_load %arg7[%swap3A_450, %swap3A_451] {strides = array<i32>} : memref<8x64xi32, #tpu.memory_space<vmem>>, vector<16xi32>,
      tpu.vector_store %arg7[%swap3A_450, %swap3A_451], %add3A_448 {strides = array<i32>} : memref<8x64xi32, #tpu.memory_space<vmem>>, vector<16xi32>,
      %add3A_453 = arith.constant 16 : i32
      %add3A_454 = arith.addi %add3A_438, %add3A_453 : i32
      %add3A_455 = vector.broadcast %add3A_454 : i32 to vector<16xi32>
      %add3A_456 = arith.addi %iota3A, %add3A_455 : vector<16xi32>
      %rem3A_457 = arith.remsi %add3A_456, %broadcast_in_dim3A : vector<16xi32>
      %gather3A_458 = tpu.vector_load_idx %arg6[%rem3A_457] : memref<4112xi32, #tpu.memory_space<vmem>>[vector<16xi32>], vector<16xi32>,
      %mul3A_459 = arith.constant 4096 : i32
      %mul3A_460 = arith.muli %select_n3A, %mul3A_459 : i32
      %add3A_461 = vector.broadcast %mul3A_460 : i32 to vector<16xi32>
      %add3A_462 = arith.addi %gather3A_458, %add3A_461 : vector<16xi32>
      %swap3A_463 = arith.constant 3 : i32
      %swap3A_464 = arith.index_cast %swap3A_463 : i32 to index
      %swap3A_465 = arith.constant 16 : index
      %swap3A_466 = tpu.vector_load %arg7[%swap3A_464, %swap3A_465] {strides = array<i32>} : memref<8x64xi32, #tpu.memory_space<vmem>>, vector<16xi32>,
      tpu.vector_store %arg7[%swap3A_464, %swap3A_465], %add3A_462 {strides = array<i32>} : memref<8x64xi32, #tpu.memory_space<vmem>>, vector<16xi32>,
      %add3A_467 = arith.constant 32 : i32
      %add3A_468 = arith.addi %add3A_438, %add3A_467 : i32
      %add3A_469 = vector.broadcast %add3A_468 : i32 to vector<16xi32>
      %add3A_470 = arith.addi %iota3A, %add3A_469 : vector<16xi32>
      %rem3A_471 = arith.remsi %add3A_470, %broadcast_in_dim3A : vector<16xi32>
      %gather3A_472 = tpu.vector_load_idx %arg6[%rem3A_471] : memref<4112xi32, #tpu.memory_space<vmem>>[vector<16xi32>], vector<16xi32>,
      %mul3A_473 = arith.constant 4096 : i32
      %mul3A_474 = arith.muli %select_n3A, %mul3A_473 : i32
      %add3A_475 = vector.broadcast %mul3A_474 : i32 to vector<16xi32>
      %add3A_476 = arith.addi %gather3A_472, %add3A_475 : vector<16xi32>
      %swap3A_477 = arith.constant 3 : i32
      %swap3A_478 = arith.index_cast %swap3A_477 : i32 to index
      %swap3A_479 = arith.constant 32 : index
      %swap3A_480 = tpu.vector_load %arg7[%swap3A_478, %swap3A_479] {strides = array<i32>} : memref<8x64xi32, #tpu.memory_space<vmem>>, vector<16xi32>,
      tpu.vector_store %arg7[%swap3A_478, %swap3A_479], %add3A_476 {strides = array<i32>} : memref<8x64xi32, #tpu.memory_space<vmem>>, vector<16xi32>,
      %add3A_481 = arith.constant 48 : i32
      %add3A_482 = arith.addi %add3A_438, %add3A_481 : i32
      %add3A_483 = vector.broadcast %add3A_482 : i32 to vector<16xi32>
      %add3A_484 = arith.addi %iota3A, %add3A_483 : vector<16xi32>
      %rem3A_485 = arith.remsi %add3A_484, %broadcast_in_dim3A : vector<16xi32>
      %gather3A_486 = tpu.vector_load_idx %arg6[%rem3A_485] : memref<4112xi32, #tpu.memory_space<vmem>>[vector<16xi32>], vector<16xi32>,
      %mul3A_487 = arith.constant 4096 : i32
      %mul3A_488 = arith.muli %select_n3A, %mul3A_487 : i32
      %add3A_489 = vector.broadcast %mul3A_488 : i32 to vector<16xi32>
      %add3A_490 = arith.addi %gather3A_486, %add3A_489 : vector<16xi32>
      %swap3A_491 = arith.constant 3 : i32
      %swap3A_492 = arith.index_cast %swap3A_491 : i32 to index
      %swap3A_493 = arith.constant 48 : index
      %swap3A_494 = tpu.vector_load %arg7[%swap3A_492, %swap3A_493] {strides = array<i32>} : memref<8x64xi32, #tpu.memory_space<vmem>>, vector<16xi32>,
      tpu.vector_store %arg7[%swap3A_492, %swap3A_493], %add3A_490 {strides = array<i32>} : memref<8x64xi32, #tpu.memory_space<vmem>>, vector<16xi32>,
      %dma_start3A_495 = arith.constant 3 : i32
      %dma_start3A_496 = arith.constant 3 : i32
      %dma_start3A_497 = arith.constant 0 : i32
      %dma_start3A_498 = arith.constant 0 : i32
      %dma_start3A_499 = tpu.memref_slice %arg8[%dma_start3A_496, %dma_start3A_497, %dma_start3A_498] : memref<8x64x128xf32, #tpu.memory_space<vmem>> -> memref<1x64x128xf32, #tpu.memory_space<vmem>>
      %dma_start3A_500 = tpu.memref_squeeze %dma_start3A_499 : memref<1x64x128xf32, #tpu.memory_space<vmem>> -> memref<64x128xf32, #tpu.memory_space<vmem>>
      %dma_start3A_501 = arith.constant 0 : i32
      %dma_start3A_502 = tpu.memref_slice %arg7[%dma_start3A_495, %dma_start3A_501] : memref<8x64xi32, #tpu.memory_space<vmem>> -> memref<1x64xi32, #tpu.memory_space<vmem>>
      %dma_start3A_503 = tpu.memref_squeeze %dma_start3A_502 : memref<1x64xi32, #tpu.memory_space<vmem>> -> memref<64xi32, #tpu.memory_space<vmem>>
      %dma_start3A_504 = arith.constant 0 : i32
      %dma_start3A_505 = arith.constant 0 : i32
      %dma_start3A_506 = tpu.memref_slice %arg2[%dma_start3A_504, %dma_start3A_505] : memref<65536x128xf32, #tpu.memory_space<hbm>> -> memref<65536x128xf32, #tpu.memory_space<hbm>>
      tpu.enqueue_indirect_dma source(%dma_start3A_506 : memref<65536x128xf32, #tpu.memory_space<hbm>>) target(%dma_start3A_500 : memref<64x128xf32, #tpu.memory_space<vmem>>) offsets(%dma_start3A_503 : memref<64xi32, #tpu.memory_space<vmem>>) semaphore(%arg13 : memref<!tpu.dma_semaphore, #tpu.memory_space<semaphore_mem>>)
      %add3A_507 = arith.constant 4 : i32
      %add3A_508 = arith.addi %mul3A_184, %add3A_507 : i32
      %mul3A_509 = arith.constant 16 : i32
      %mul3A_510 = arith.muli %select_n3A_30, %mul3A_509 : i32
      %add3A_511 = arith.addi %add3A_508, %mul3A_510 : i32
      %rem3A_512 = arith.constant 32 : i32
      %rem3A_513 = arith.remsi %add3A_511, %rem3A_512 : i32
      %mul3A_514 = arith.constant 2048 : i32
      %mul3A_515 = arith.muli %select_n3A_30, %mul3A_514 : i32
      %mul3A_516 = arith.constant 64 : i32
      %mul3A_517 = arith.muli %rem3A_513, %mul3A_516 : i32
      %add3A_518 = arith.addi %mul3A_515, %mul3A_517 : i32
      %add3A_519 = arith.constant 0 : i32
      %add3A_520 = arith.addi %add3A_518, %add3A_519 : i32
      %add3A_521 = vector.broadcast %add3A_520 : i32 to vector<16xi32>
      %add3A_522 = arith.addi %iota3A, %add3A_521 : vector<16xi32>
      %rem3A_523 = arith.remsi %add3A_522, %broadcast_in_dim3A : vector<16xi32>
      %gather3A_524 = tpu.vector_load_idx %arg6[%rem3A_523] : memref<4112xi32, #tpu.memory_space<vmem>>[vector<16xi32>], vector<16xi32>,
      %mul3A_525 = arith.constant 4096 : i32
      %mul3A_526 = arith.muli %select_n3A, %mul3A_525 : i32
      %add3A_527 = vector.broadcast %mul3A_526 : i32 to vector<16xi32>
      %add3A_528 = arith.addi %gather3A_524, %add3A_527 : vector<16xi32>
      %swap3A_529 = arith.constant 4 : i32
      %swap3A_530 = arith.index_cast %swap3A_529 : i32 to index
      %swap3A_531 = arith.constant 0 : index
      %swap3A_532 = tpu.vector_load %arg7[%swap3A_530, %swap3A_531] {strides = array<i32>} : memref<8x64xi32, #tpu.memory_space<vmem>>, vector<16xi32>,
      tpu.vector_store %arg7[%swap3A_530, %swap3A_531], %add3A_528 {strides = array<i32>} : memref<8x64xi32, #tpu.memory_space<vmem>>, vector<16xi32>,
      %add3A_533 = arith.constant 16 : i32
      %add3A_534 = arith.addi %add3A_518, %add3A_533 : i32
      %add3A_535 = vector.broadcast %add3A_534 : i32 to vector<16xi32>
      %add3A_536 = arith.addi %iota3A, %add3A_535 : vector<16xi32>
      %rem3A_537 = arith.remsi %add3A_536, %broadcast_in_dim3A : vector<16xi32>
      %gather3A_538 = tpu.vector_load_idx %arg6[%rem3A_537] : memref<4112xi32, #tpu.memory_space<vmem>>[vector<16xi32>], vector<16xi32>,
      %mul3A_539 = arith.constant 4096 : i32
      %mul3A_540 = arith.muli %select_n3A, %mul3A_539 : i32
      %add3A_541 = vector.broadcast %mul3A_540 : i32 to vector<16xi32>
      %add3A_542 = arith.addi %gather3A_538, %add3A_541 : vector<16xi32>
      %swap3A_543 = arith.constant 4 : i32
      %swap3A_544 = arith.index_cast %swap3A_543 : i32 to index
      %swap3A_545 = arith.constant 16 : index
      %swap3A_546 = tpu.vector_load %arg7[%swap3A_544, %swap3A_545] {strides = array<i32>} : memref<8x64xi32, #tpu.memory_space<vmem>>, vector<16xi32>,
      tpu.vector_store %arg7[%swap3A_544, %swap3A_545], %add3A_542 {strides = array<i32>} : memref<8x64xi32, #tpu.memory_space<vmem>>, vector<16xi32>,
      %add3A_547 = arith.constant 32 : i32
      %add3A_548 = arith.addi %add3A_518, %add3A_547 : i32
      %add3A_549 = vector.broadcast %add3A_548 : i32 to vector<16xi32>
      %add3A_550 = arith.addi %iota3A, %add3A_549 : vector<16xi32>
      %rem3A_551 = arith.remsi %add3A_550, %broadcast_in_dim3A : vector<16xi32>
      %gather3A_552 = tpu.vector_load_idx %arg6[%rem3A_551] : memref<4112xi32, #tpu.memory_space<vmem>>[vector<16xi32>], vector<16xi32>,
      %mul3A_553 = arith.constant 4096 : i32
      %mul3A_554 = arith.muli %select_n3A, %mul3A_553 : i32
      %add3A_555 = vector.broadcast %mul3A_554 : i32 to vector<16xi32>
      %add3A_556 = arith.addi %gather3A_552, %add3A_555 : vector<16xi32>
      %swap3A_557 = arith.constant 4 : i32
      %swap3A_558 = arith.index_cast %swap3A_557 : i32 to index
      %swap3A_559 = arith.constant 32 : index
      %swap3A_560 = tpu.vector_load %arg7[%swap3A_558, %swap3A_559] {strides = array<i32>} : memref<8x64xi32, #tpu.memory_space<vmem>>, vector<16xi32>,
      tpu.vector_store %arg7[%swap3A_558, %swap3A_559], %add3A_556 {strides = array<i32>} : memref<8x64xi32, #tpu.memory_space<vmem>>, vector<16xi32>,
      %add3A_561 = arith.constant 48 : i32
      %add3A_562 = arith.addi %add3A_518, %add3A_561 : i32
      %add3A_563 = vector.broadcast %add3A_562 : i32 to vector<16xi32>
      %add3A_564 = arith.addi %iota3A, %add3A_563 : vector<16xi32>
      %rem3A_565 = arith.remsi %add3A_564, %broadcast_in_dim3A : vector<16xi32>
      %gather3A_566 = tpu.vector_load_idx %arg6[%rem3A_565] : memref<4112xi32, #tpu.memory_space<vmem>>[vector<16xi32>], vector<16xi32>,
      %mul3A_567 = arith.constant 4096 : i32
      %mul3A_568 = arith.muli %select_n3A, %mul3A_567 : i32
      %add3A_569 = vector.broadcast %mul3A_568 : i32 to vector<16xi32>
      %add3A_570 = arith.addi %gather3A_566, %add3A_569 : vector<16xi32>
      %swap3A_571 = arith.constant 4 : i32
      %swap3A_572 = arith.index_cast %swap3A_571 : i32 to index
      %swap3A_573 = arith.constant 48 : index
      %swap3A_574 = tpu.vector_load %arg7[%swap3A_572, %swap3A_573] {strides = array<i32>} : memref<8x64xi32, #tpu.memory_space<vmem>>, vector<16xi32>,
      tpu.vector_store %arg7[%swap3A_572, %swap3A_573], %add3A_570 {strides = array<i32>} : memref<8x64xi32, #tpu.memory_space<vmem>>, vector<16xi32>,
      %dma_start3A_575 = arith.constant 4 : i32
      %dma_start3A_576 = arith.constant 4 : i32
      %dma_start3A_577 = arith.constant 0 : i32
      %dma_start3A_578 = arith.constant 0 : i32
      %dma_start3A_579 = tpu.memref_slice %arg8[%dma_start3A_576, %dma_start3A_577, %dma_start3A_578] : memref<8x64x128xf32, #tpu.memory_space<vmem>> -> memref<1x64x128xf32, #tpu.memory_space<vmem>>
      %dma_start3A_580 = tpu.memref_squeeze %dma_start3A_579 : memref<1x64x128xf32, #tpu.memory_space<vmem>> -> memref<64x128xf32, #tpu.memory_space<vmem>>
      %dma_start3A_581 = arith.constant 0 : i32
      %dma_start3A_582 = tpu.memref_slice %arg7[%dma_start3A_575, %dma_start3A_581] : memref<8x64xi32, #tpu.memory_space<vmem>> -> memref<1x64xi32, #tpu.memory_space<vmem>>
      %dma_start3A_583 = tpu.memref_squeeze %dma_start3A_582 : memref<1x64xi32, #tpu.memory_space<vmem>> -> memref<64xi32, #tpu.memory_space<vmem>>
      %dma_start3A_584 = arith.constant 0 : i32
      %dma_start3A_585 = arith.constant 0 : i32
      %dma_start3A_586 = tpu.memref_slice %arg2[%dma_start3A_584, %dma_start3A_585] : memref<65536x128xf32, #tpu.memory_space<hbm>> -> memref<65536x128xf32, #tpu.memory_space<hbm>>
      tpu.enqueue_indirect_dma source(%dma_start3A_586 : memref<65536x128xf32, #tpu.memory_space<hbm>>) target(%dma_start3A_580 : memref<64x128xf32, #tpu.memory_space<vmem>>) offsets(%dma_start3A_583 : memref<64xi32, #tpu.memory_space<vmem>>) semaphore(%arg14 : memref<!tpu.dma_semaphore, #tpu.memory_space<semaphore_mem>>)
      %add3A_587 = arith.constant 5 : i32
      %add3A_588 = arith.addi %mul3A_184, %add3A_587 : i32
      %mul3A_589 = arith.constant 16 : i32
      %mul3A_590 = arith.muli %select_n3A_30, %mul3A_589 : i32
      %add3A_591 = arith.addi %add3A_588, %mul3A_590 : i32
      %rem3A_592 = arith.constant 32 : i32
      %rem3A_593 = arith.remsi %add3A_591, %rem3A_592 : i32
      %mul3A_594 = arith.constant 2048 : i32
      %mul3A_595 = arith.muli %select_n3A_30, %mul3A_594 : i32
      %mul3A_596 = arith.constant 64 : i32
      %mul3A_597 = arith.muli %rem3A_593, %mul3A_596 : i32
      %add3A_598 = arith.addi %mul3A_595, %mul3A_597 : i32
      %add3A_599 = arith.constant 0 : i32
      %add3A_600 = arith.addi %add3A_598, %add3A_599 : i32
      %add3A_601 = vector.broadcast %add3A_600 : i32 to vector<16xi32>
      %add3A_602 = arith.addi %iota3A, %add3A_601 : vector<16xi32>
      %rem3A_603 = arith.remsi %add3A_602, %broadcast_in_dim3A : vector<16xi32>
      %gather3A_604 = tpu.vector_load_idx %arg6[%rem3A_603] : memref<4112xi32, #tpu.memory_space<vmem>>[vector<16xi32>], vector<16xi32>,
      %mul3A_605 = arith.constant 4096 : i32
      %mul3A_606 = arith.muli %select_n3A, %mul3A_605 : i32
      %add3A_607 = vector.broadcast %mul3A_606 : i32 to vector<16xi32>
      %add3A_608 = arith.addi %gather3A_604, %add3A_607 : vector<16xi32>
      %swap3A_609 = arith.constant 5 : i32
      %swap3A_610 = arith.index_cast %swap3A_609 : i32 to index
      %swap3A_611 = arith.constant 0 : index
      %swap3A_612 = tpu.vector_load %arg7[%swap3A_610, %swap3A_611] {strides = array<i32>} : memref<8x64xi32, #tpu.memory_space<vmem>>, vector<16xi32>,
      tpu.vector_store %arg7[%swap3A_610, %swap3A_611], %add3A_608 {strides = array<i32>} : memref<8x64xi32, #tpu.memory_space<vmem>>, vector<16xi32>,
      %add3A_613 = arith.constant 16 : i32
      %add3A_614 = arith.addi %add3A_598, %add3A_613 : i32
      %add3A_615 = vector.broadcast %add3A_614 : i32 to vector<16xi32>
      %add3A_616 = arith.addi %iota3A, %add3A_615 : vector<16xi32>
      %rem3A_617 = arith.remsi %add3A_616, %broadcast_in_dim3A : vector<16xi32>
      %gather3A_618 = tpu.vector_load_idx %arg6[%rem3A_617] : memref<4112xi32, #tpu.memory_space<vmem>>[vector<16xi32>], vector<16xi32>,
      %mul3A_619 = arith.constant 4096 : i32
      %mul3A_620 = arith.muli %select_n3A, %mul3A_619 : i32
      %add3A_621 = vector.broadcast %mul3A_620 : i32 to vector<16xi32>
      %add3A_622 = arith.addi %gather3A_618, %add3A_621 : vector<16xi32>
      %swap3A_623 = arith.constant 5 : i32
      %swap3A_624 = arith.index_cast %swap3A_623 : i32 to index
      %swap3A_625 = arith.constant 16 : index
      %swap3A_626 = tpu.vector_load %arg7[%swap3A_624, %swap3A_625] {strides = array<i32>} : memref<8x64xi32, #tpu.memory_space<vmem>>, vector<16xi32>,
      tpu.vector_store %arg7[%swap3A_624, %swap3A_625], %add3A_622 {strides = array<i32>} : memref<8x64xi32, #tpu.memory_space<vmem>>, vector<16xi32>,
      %add3A_627 = arith.constant 32 : i32
      %add3A_628 = arith.addi %add3A_598, %add3A_627 : i32
      %add3A_629 = vector.broadcast %add3A_628 : i32 to vector<16xi32>
      %add3A_630 = arith.addi %iota3A, %add3A_629 : vector<16xi32>
      %rem3A_631 = arith.remsi %add3A_630, %broadcast_in_dim3A : vector<16xi32>
      %gather3A_632 = tpu.vector_load_idx %arg6[%rem3A_631] : memref<4112xi32, #tpu.memory_space<vmem>>[vector<16xi32>], vector<16xi32>,
      %mul3A_633 = arith.constant 4096 : i32
      %mul3A_634 = arith.muli %select_n3A, %mul3A_633 : i32
      %add3A_635 = vector.broadcast %mul3A_634 : i32 to vector<16xi32>
      %add3A_636 = arith.addi %gather3A_632, %add3A_635 : vector<16xi32>
      %swap3A_637 = arith.constant 5 : i32
      %swap3A_638 = arith.index_cast %swap3A_637 : i32 to index
      %swap3A_639 = arith.constant 32 : index
      %swap3A_640 = tpu.vector_load %arg7[%swap3A_638, %swap3A_639] {strides = array<i32>} : memref<8x64xi32, #tpu.memory_space<vmem>>, vector<16xi32>,
      tpu.vector_store %arg7[%swap3A_638, %swap3A_639], %add3A_636 {strides = array<i32>} : memref<8x64xi32, #tpu.memory_space<vmem>>, vector<16xi32>,
      %add3A_641 = arith.constant 48 : i32
      %add3A_642 = arith.addi %add3A_598, %add3A_641 : i32
      %add3A_643 = vector.broadcast %add3A_642 : i32 to vector<16xi32>
      %add3A_644 = arith.addi %iota3A, %add3A_643 : vector<16xi32>
      %rem3A_645 = arith.remsi %add3A_644, %broadcast_in_dim3A : vector<16xi32>
      %gather3A_646 = tpu.vector_load_idx %arg6[%rem3A_645] : memref<4112xi32, #tpu.memory_space<vmem>>[vector<16xi32>], vector<16xi32>,
      %mul3A_647 = arith.constant 4096 : i32
      %mul3A_648 = arith.muli %select_n3A, %mul3A_647 : i32
      %add3A_649 = vector.broadcast %mul3A_648 : i32 to vector<16xi32>
      %add3A_650 = arith.addi %gather3A_646, %add3A_649 : vector<16xi32>
      %swap3A_651 = arith.constant 5 : i32
      %swap3A_652 = arith.index_cast %swap3A_651 : i32 to index
      %swap3A_653 = arith.constant 48 : index
      %swap3A_654 = tpu.vector_load %arg7[%swap3A_652, %swap3A_653] {strides = array<i32>} : memref<8x64xi32, #tpu.memory_space<vmem>>, vector<16xi32>,
      tpu.vector_store %arg7[%swap3A_652, %swap3A_653], %add3A_650 {strides = array<i32>} : memref<8x64xi32, #tpu.memory_space<vmem>>, vector<16xi32>,
      %dma_start3A_655 = arith.constant 5 : i32
      %dma_start3A_656 = arith.constant 5 : i32
      %dma_start3A_657 = arith.constant 0 : i32
      %dma_start3A_658 = arith.constant 0 : i32
      %dma_start3A_659 = tpu.memref_slice %arg8[%dma_start3A_656, %dma_start3A_657, %dma_start3A_658] : memref<8x64x128xf32, #tpu.memory_space<vmem>> -> memref<1x64x128xf32, #tpu.memory_space<vmem>>
      %dma_start3A_660 = tpu.memref_squeeze %dma_start3A_659 : memref<1x64x128xf32, #tpu.memory_space<vmem>> -> memref<64x128xf32, #tpu.memory_space<vmem>>
      %dma_start3A_661 = arith.constant 0 : i32
      %dma_start3A_662 = tpu.memref_slice %arg7[%dma_start3A_655, %dma_start3A_661] : memref<8x64xi32, #tpu.memory_space<vmem>> -> memref<1x64xi32, #tpu.memory_space<vmem>>
      %dma_start3A_663 = tpu.memref_squeeze %dma_start3A_662 : memref<1x64xi32, #tpu.memory_space<vmem>> -> memref<64xi32, #tpu.memory_space<vmem>>
      %dma_start3A_664 = arith.constant 0 : i32
      %dma_start3A_665 = arith.constant 0 : i32
      %dma_start3A_666 = tpu.memref_slice %arg2[%dma_start3A_664, %dma_start3A_665] : memref<65536x128xf32, #tpu.memory_space<hbm>> -> memref<65536x128xf32, #tpu.memory_space<hbm>>
      tpu.enqueue_indirect_dma source(%dma_start3A_666 : memref<65536x128xf32, #tpu.memory_space<hbm>>) target(%dma_start3A_660 : memref<64x128xf32, #tpu.memory_space<vmem>>) offsets(%dma_start3A_663 : memref<64xi32, #tpu.memory_space<vmem>>) semaphore(%arg15 : memref<!tpu.dma_semaphore, #tpu.memory_space<semaphore_mem>>)
      %add3A_667 = arith.constant 6 : i32
      %add3A_668 = arith.addi %mul3A_184, %add3A_667 : i32
      %mul3A_669 = arith.constant 16 : i32
      %mul3A_670 = arith.muli %select_n3A_30, %mul3A_669 : i32
      %add3A_671 = arith.addi %add3A_668, %mul3A_670 : i32
      %rem3A_672 = arith.constant 32 : i32
      %rem3A_673 = arith.remsi %add3A_671, %rem3A_672 : i32
      %mul3A_674 = arith.constant 2048 : i32
      %mul3A_675 = arith.muli %select_n3A_30, %mul3A_674 : i32
      %mul3A_676 = arith.constant 64 : i32
      %mul3A_677 = arith.muli %rem3A_673, %mul3A_676 : i32
      %add3A_678 = arith.addi %mul3A_675, %mul3A_677 : i32
      %add3A_679 = arith.constant 0 : i32
      %add3A_680 = arith.addi %add3A_678, %add3A_679 : i32
      %add3A_681 = vector.broadcast %add3A_680 : i32 to vector<16xi32>
      %add3A_682 = arith.addi %iota3A, %add3A_681 : vector<16xi32>
      %rem3A_683 = arith.remsi %add3A_682, %broadcast_in_dim3A : vector<16xi32>
      %gather3A_684 = tpu.vector_load_idx %arg6[%rem3A_683] : memref<4112xi32, #tpu.memory_space<vmem>>[vector<16xi32>], vector<16xi32>,
      %mul3A_685 = arith.constant 4096 : i32
      %mul3A_686 = arith.muli %select_n3A, %mul3A_685 : i32
      %add3A_687 = vector.broadcast %mul3A_686 : i32 to vector<16xi32>
      %add3A_688 = arith.addi %gather3A_684, %add3A_687 : vector<16xi32>
      %swap3A_689 = arith.constant 6 : i32
      %swap3A_690 = arith.index_cast %swap3A_689 : i32 to index
      %swap3A_691 = arith.constant 0 : index
      %swap3A_692 = tpu.vector_load %arg7[%swap3A_690, %swap3A_691] {strides = array<i32>} : memref<8x64xi32, #tpu.memory_space<vmem>>, vector<16xi32>,
      tpu.vector_store %arg7[%swap3A_690, %swap3A_691], %add3A_688 {strides = array<i32>} : memref<8x64xi32, #tpu.memory_space<vmem>>, vector<16xi32>,
      %add3A_693 = arith.constant 16 : i32
      %add3A_694 = arith.addi %add3A_678, %add3A_693 : i32
      %add3A_695 = vector.broadcast %add3A_694 : i32 to vector<16xi32>
      %add3A_696 = arith.addi %iota3A, %add3A_695 : vector<16xi32>
      %rem3A_697 = arith.remsi %add3A_696, %broadcast_in_dim3A : vector<16xi32>
      %gather3A_698 = tpu.vector_load_idx %arg6[%rem3A_697] : memref<4112xi32, #tpu.memory_space<vmem>>[vector<16xi32>], vector<16xi32>,
      %mul3A_699 = arith.constant 4096 : i32
      %mul3A_700 = arith.muli %select_n3A, %mul3A_699 : i32
      %add3A_701 = vector.broadcast %mul3A_700 : i32 to vector<16xi32>
      %add3A_702 = arith.addi %gather3A_698, %add3A_701 : vector<16xi32>
      %swap3A_703 = arith.constant 6 : i32
      %swap3A_704 = arith.index_cast %swap3A_703 : i32 to index
      %swap3A_705 = arith.constant 16 : index
      %swap3A_706 = tpu.vector_load %arg7[%swap3A_704, %swap3A_705] {strides = array<i32>} : memref<8x64xi32, #tpu.memory_space<vmem>>, vector<16xi32>,
      tpu.vector_store %arg7[%swap3A_704, %swap3A_705], %add3A_702 {strides = array<i32>} : memref<8x64xi32, #tpu.memory_space<vmem>>, vector<16xi32>,
      %add3A_707 = arith.constant 32 : i32
      %add3A_708 = arith.addi %add3A_678, %add3A_707 : i32
      %add3A_709 = vector.broadcast %add3A_708 : i32 to vector<16xi32>
      %add3A_710 = arith.addi %iota3A, %add3A_709 : vector<16xi32>
      %rem3A_711 = arith.remsi %add3A_710, %broadcast_in_dim3A : vector<16xi32>
      %gather3A_712 = tpu.vector_load_idx %arg6[%rem3A_711] : memref<4112xi32, #tpu.memory_space<vmem>>[vector<16xi32>], vector<16xi32>,
      %mul3A_713 = arith.constant 4096 : i32
      %mul3A_714 = arith.muli %select_n3A, %mul3A_713 : i32
      %add3A_715 = vector.broadcast %mul3A_714 : i32 to vector<16xi32>
      %add3A_716 = arith.addi %gather3A_712, %add3A_715 : vector<16xi32>
      %swap3A_717 = arith.constant 6 : i32
      %swap3A_718 = arith.index_cast %swap3A_717 : i32 to index
      %swap3A_719 = arith.constant 32 : index
      %swap3A_720 = tpu.vector_load %arg7[%swap3A_718, %swap3A_719] {strides = array<i32>} : memref<8x64xi32, #tpu.memory_space<vmem>>, vector<16xi32>,
      tpu.vector_store %arg7[%swap3A_718, %swap3A_719], %add3A_716 {strides = array<i32>} : memref<8x64xi32, #tpu.memory_space<vmem>>, vector<16xi32>,
      %add3A_721 = arith.constant 48 : i32
      %add3A_722 = arith.addi %add3A_678, %add3A_721 : i32
      %add3A_723 = vector.broadcast %add3A_722 : i32 to vector<16xi32>
      %add3A_724 = arith.addi %iota3A, %add3A_723 : vector<16xi32>
      %rem3A_725 = arith.remsi %add3A_724, %broadcast_in_dim3A : vector<16xi32>
      %gather3A_726 = tpu.vector_load_idx %arg6[%rem3A_725] : memref<4112xi32, #tpu.memory_space<vmem>>[vector<16xi32>], vector<16xi32>,
      %mul3A_727 = arith.constant 4096 : i32
      %mul3A_728 = arith.muli %select_n3A, %mul3A_727 : i32
      %add3A_729 = vector.broadcast %mul3A_728 : i32 to vector<16xi32>
      %add3A_730 = arith.addi %gather3A_726, %add3A_729 : vector<16xi32>
      %swap3A_731 = arith.constant 6 : i32
      %swap3A_732 = arith.index_cast %swap3A_731 : i32 to index
      %swap3A_733 = arith.constant 48 : index
      %swap3A_734 = tpu.vector_load %arg7[%swap3A_732, %swap3A_733] {strides = array<i32>} : memref<8x64xi32, #tpu.memory_space<vmem>>, vector<16xi32>,
      tpu.vector_store %arg7[%swap3A_732, %swap3A_733], %add3A_730 {strides = array<i32>} : memref<8x64xi32, #tpu.memory_space<vmem>>, vector<16xi32>,
      %dma_start3A_735 = arith.constant 6 : i32
      %dma_start3A_736 = arith.constant 6 : i32
      %dma_start3A_737 = arith.constant 0 : i32
      %dma_start3A_738 = arith.constant 0 : i32
      %dma_start3A_739 = tpu.memref_slice %arg8[%dma_start3A_736, %dma_start3A_737, %dma_start3A_738] : memref<8x64x128xf32, #tpu.memory_space<vmem>> -> memref<1x64x128xf32, #tpu.memory_space<vmem>>
      %dma_start3A_740 = tpu.memref_squeeze %dma_start3A_739 : memref<1x64x128xf32, #tpu.memory_space<vmem>> -> memref<64x128xf32, #tpu.memory_space<vmem>>
      %dma_start3A_741 = arith.constant 0 : i32
      %dma_start3A_742 = tpu.memref_slice %arg7[%dma_start3A_735, %dma_start3A_741] : memref<8x64xi32, #tpu.memory_space<vmem>> -> memref<1x64xi32, #tpu.memory_space<vmem>>
      %dma_start3A_743 = tpu.memref_squeeze %dma_start3A_742 : memref<1x64xi32, #tpu.memory_space<vmem>> -> memref<64xi32, #tpu.memory_space<vmem>>
      %dma_start3A_744 = arith.constant 0 : i32
      %dma_start3A_745 = arith.constant 0 : i32
      %dma_start3A_746 = tpu.memref_slice %arg2[%dma_start3A_744, %dma_start3A_745] : memref<65536x128xf32, #tpu.memory_space<hbm>> -> memref<65536x128xf32, #tpu.memory_space<hbm>>
      tpu.enqueue_indirect_dma source(%dma_start3A_746 : memref<65536x128xf32, #tpu.memory_space<hbm>>) target(%dma_start3A_740 : memref<64x128xf32, #tpu.memory_space<vmem>>) offsets(%dma_start3A_743 : memref<64xi32, #tpu.memory_space<vmem>>) semaphore(%arg16 : memref<!tpu.dma_semaphore, #tpu.memory_space<semaphore_mem>>)
      %add3A_747 = arith.constant 7 : i32
      %add3A_748 = arith.addi %mul3A_184, %add3A_747 : i32
      %mul3A_749 = arith.constant 16 : i32
      %mul3A_750 = arith.muli %select_n3A_30, %mul3A_749 : i32
      %add3A_751 = arith.addi %add3A_748, %mul3A_750 : i32
      %rem3A_752 = arith.constant 32 : i32
      %rem3A_753 = arith.remsi %add3A_751, %rem3A_752 : i32
      %mul3A_754 = arith.constant 2048 : i32
      %mul3A_755 = arith.muli %select_n3A_30, %mul3A_754 : i32
      %mul3A_756 = arith.constant 64 : i32
      %mul3A_757 = arith.muli %rem3A_753, %mul3A_756 : i32
      %add3A_758 = arith.addi %mul3A_755, %mul3A_757 : i32
      %add3A_759 = arith.constant 0 : i32
      %add3A_760 = arith.addi %add3A_758, %add3A_759 : i32
      %add3A_761 = vector.broadcast %add3A_760 : i32 to vector<16xi32>
      %add3A_762 = arith.addi %iota3A, %add3A_761 : vector<16xi32>
      %rem3A_763 = arith.remsi %add3A_762, %broadcast_in_dim3A : vector<16xi32>
      %gather3A_764 = tpu.vector_load_idx %arg6[%rem3A_763] : memref<4112xi32, #tpu.memory_space<vmem>>[vector<16xi32>], vector<16xi32>,
      %mul3A_765 = arith.constant 4096 : i32
      %mul3A_766 = arith.muli %select_n3A, %mul3A_765 : i32
      %add3A_767 = vector.broadcast %mul3A_766 : i32 to vector<16xi32>
      %add3A_768 = arith.addi %gather3A_764, %add3A_767 : vector<16xi32>
      %swap3A_769 = arith.constant 7 : i32
      %swap3A_770 = arith.index_cast %swap3A_769 : i32 to index
      %swap3A_771 = arith.constant 0 : index
      %swap3A_772 = tpu.vector_load %arg7[%swap3A_770, %swap3A_771] {strides = array<i32>} : memref<8x64xi32, #tpu.memory_space<vmem>>, vector<16xi32>,
      tpu.vector_store %arg7[%swap3A_770, %swap3A_771], %add3A_768 {strides = array<i32>} : memref<8x64xi32, #tpu.memory_space<vmem>>, vector<16xi32>,
      %add3A_773 = arith.constant 16 : i32
      %add3A_774 = arith.addi %add3A_758, %add3A_773 : i32
      %add3A_775 = vector.broadcast %add3A_774 : i32 to vector<16xi32>
      %add3A_776 = arith.addi %iota3A, %add3A_775 : vector<16xi32>
      %rem3A_777 = arith.remsi %add3A_776, %broadcast_in_dim3A : vector<16xi32>
      %gather3A_778 = tpu.vector_load_idx %arg6[%rem3A_777] : memref<4112xi32, #tpu.memory_space<vmem>>[vector<16xi32>], vector<16xi32>,
      %mul3A_779 = arith.constant 4096 : i32
      %mul3A_780 = arith.muli %select_n3A, %mul3A_779 : i32
      %add3A_781 = vector.broadcast %mul3A_780 : i32 to vector<16xi32>
      %add3A_782 = arith.addi %gather3A_778, %add3A_781 : vector<16xi32>
      %swap3A_783 = arith.constant 7 : i32
      %swap3A_784 = arith.index_cast %swap3A_783 : i32 to index
      %swap3A_785 = arith.constant 16 : index
      %swap3A_786 = tpu.vector_load %arg7[%swap3A_784, %swap3A_785] {strides = array<i32>} : memref<8x64xi32, #tpu.memory_space<vmem>>, vector<16xi32>,
      tpu.vector_store %arg7[%swap3A_784, %swap3A_785], %add3A_782 {strides = array<i32>} : memref<8x64xi32, #tpu.memory_space<vmem>>, vector<16xi32>,
      %add3A_787 = arith.constant 32 : i32
      %add3A_788 = arith.addi %add3A_758, %add3A_787 : i32
      %add3A_789 = vector.broadcast %add3A_788 : i32 to vector<16xi32>
      %add3A_790 = arith.addi %iota3A, %add3A_789 : vector<16xi32>
      %rem3A_791 = arith.remsi %add3A_790, %broadcast_in_dim3A : vector<16xi32>
      %gather3A_792 = tpu.vector_load_idx %arg6[%rem3A_791] : memref<4112xi32, #tpu.memory_space<vmem>>[vector<16xi32>], vector<16xi32>,
      %mul3A_793 = arith.constant 4096 : i32
      %mul3A_794 = arith.muli %select_n3A, %mul3A_793 : i32
      %add3A_795 = vector.broadcast %mul3A_794 : i32 to vector<16xi32>
      %add3A_796 = arith.addi %gather3A_792, %add3A_795 : vector<16xi32>
      %swap3A_797 = arith.constant 7 : i32
      %swap3A_798 = arith.index_cast %swap3A_797 : i32 to index
      %swap3A_799 = arith.constant 32 : index
      %swap3A_800 = tpu.vector_load %arg7[%swap3A_798, %swap3A_799] {strides = array<i32>} : memref<8x64xi32, #tpu.memory_space<vmem>>, vector<16xi32>,
      tpu.vector_store %arg7[%swap3A_798, %swap3A_799], %add3A_796 {strides = array<i32>} : memref<8x64xi32, #tpu.memory_space<vmem>>, vector<16xi32>,
      %add3A_801 = arith.constant 48 : i32
      %add3A_802 = arith.addi %add3A_758, %add3A_801 : i32
      %add3A_803 = vector.broadcast %add3A_802 : i32 to vector<16xi32>
      %add3A_804 = arith.addi %iota3A, %add3A_803 : vector<16xi32>
      %rem3A_805 = arith.remsi %add3A_804, %broadcast_in_dim3A : vector<16xi32>
      %gather3A_806 = tpu.vector_load_idx %arg6[%rem3A_805] : memref<4112xi32, #tpu.memory_space<vmem>>[vector<16xi32>], vector<16xi32>,
      %mul3A_807 = arith.constant 4096 : i32
      %mul3A_808 = arith.muli %select_n3A, %mul3A_807 : i32
      %add3A_809 = vector.broadcast %mul3A_808 : i32 to vector<16xi32>
      %add3A_810 = arith.addi %gather3A_806, %add3A_809 : vector<16xi32>
      %swap3A_811 = arith.constant 7 : i32
      %swap3A_812 = arith.index_cast %swap3A_811 : i32 to index
      %swap3A_813 = arith.constant 48 : index
      %swap3A_814 = tpu.vector_load %arg7[%swap3A_812, %swap3A_813] {strides = array<i32>} : memref<8x64xi32, #tpu.memory_space<vmem>>, vector<16xi32>,
      tpu.vector_store %arg7[%swap3A_812, %swap3A_813], %add3A_810 {strides = array<i32>} : memref<8x64xi32, #tpu.memory_space<vmem>>, vector<16xi32>,
      %dma_start3A_815 = arith.constant 7 : i32
      %dma_start3A_816 = arith.constant 7 : i32
      %dma_start3A_817 = arith.constant 0 : i32
      %dma_start3A_818 = arith.constant 0 : i32
      %dma_start3A_819 = tpu.memref_slice %arg8[%dma_start3A_816, %dma_start3A_817, %dma_start3A_818] : memref<8x64x128xf32, #tpu.memory_space<vmem>> -> memref<1x64x128xf32, #tpu.memory_space<vmem>>
      %dma_start3A_820 = tpu.memref_squeeze %dma_start3A_819 : memref<1x64x128xf32, #tpu.memory_space<vmem>> -> memref<64x128xf32, #tpu.memory_space<vmem>>
      %dma_start3A_821 = arith.constant 0 : i32
      %dma_start3A_822 = tpu.memref_slice %arg7[%dma_start3A_815, %dma_start3A_821] : memref<8x64xi32, #tpu.memory_space<vmem>> -> memref<1x64xi32, #tpu.memory_space<vmem>>
      %dma_start3A_823 = tpu.memref_squeeze %dma_start3A_822 : memref<1x64xi32, #tpu.memory_space<vmem>> -> memref<64xi32, #tpu.memory_space<vmem>>
      %dma_start3A_824 = arith.constant 0 : i32
      %dma_start3A_825 = arith.constant 0 : i32
      %dma_start3A_826 = tpu.memref_slice %arg2[%dma_start3A_824, %dma_start3A_825] : memref<65536x128xf32, #tpu.memory_space<hbm>> -> memref<65536x128xf32, #tpu.memory_space<hbm>>
      tpu.enqueue_indirect_dma source(%dma_start3A_826 : memref<65536x128xf32, #tpu.memory_space<hbm>>) target(%dma_start3A_820 : memref<64x128xf32, #tpu.memory_space<vmem>>) offsets(%dma_start3A_823 : memref<64xi32, #tpu.memory_space<vmem>>) semaphore(%arg17 : memref<!tpu.dma_semaphore, #tpu.memory_space<semaphore_mem>>)
      %dma_wait3A_827 = arith.constant 0 : i32
      %dma_wait3A_828 = arith.constant 0 : i32
      %dma_wait3A_829 = arith.constant 0 : i32
      %dma_wait3A_830 = arith.constant 0 : i32
      %dma_wait3A_831 = tpu.memref_slice %arg8[%dma_wait3A_828, %dma_wait3A_829, %dma_wait3A_830] : memref<8x64x128xf32, #tpu.memory_space<vmem>> -> memref<1x64x128xf32, #tpu.memory_space<vmem>>
      %dma_wait3A_832 = tpu.memref_squeeze %dma_wait3A_831 : memref<1x64x128xf32, #tpu.memory_space<vmem>> -> memref<64x128xf32, #tpu.memory_space<vmem>>
      %dma_wait3A_833 = arith.constant 0 : i32
      %dma_wait3A_834 = tpu.memref_slice %arg7[%dma_wait3A_827, %dma_wait3A_833] : memref<8x64xi32, #tpu.memory_space<vmem>> -> memref<1x64xi32, #tpu.memory_space<vmem>>
      %dma_wait3A_835 = tpu.memref_squeeze %dma_wait3A_834 : memref<1x64xi32, #tpu.memory_space<vmem>> -> memref<64xi32, #tpu.memory_space<vmem>>
      %dma_wait3A_836 = arith.constant 0 : i32
      %dma_wait3A_837 = arith.constant 0 : i32
      %dma_wait3A_838 = tpu.memref_slice %arg2[%dma_wait3A_836, %dma_wait3A_837] : memref<65536x128xf32, #tpu.memory_space<hbm>> -> memref<65536x128xf32, #tpu.memory_space<hbm>>
      tpu.wait_indirect_dma semaphore(%arg10 : memref<!tpu.dma_semaphore, #tpu.memory_space<semaphore_mem>>) src(%dma_wait3A_838 : memref<65536x128xf32, #tpu.memory_space<hbm>>) dst(%dma_wait3A_832 : memref<64x128xf32, #tpu.memory_space<vmem>>)
      %add3A_839 = arith.constant 0 : i32
      %add3A_840 = arith.addi %mul3A_184, %add3A_839 : i32
      %mul3A_841 = arith.constant 16 : i32
      %mul3A_842 = arith.muli %select_n3A_30, %mul3A_841 : i32
      %add3A_843 = arith.addi %add3A_840, %mul3A_842 : i32
      %rem3A_844 = arith.constant 32 : i32
      %rem3A_845 = arith.remsi %add3A_843, %rem3A_844 : i32
      %mul3A_846 = arith.constant 64 : i32
      %mul3A_847 = arith.muli %rem3A_845, %mul3A_846 : i32
      %add3A_848 = arith.addi %add3A_35, %mul3A_847 : i32
      %dma_start3A_849 = arith.constant 0 : i32
      %dma_start3A_850 = arith.constant 0 : i32
      %dma_start3A_851 = arith.constant 0 : i32
      %dma_start3A_852 = tpu.memref_slice %arg8[%dma_start3A_849, %dma_start3A_850, %dma_start3A_851] : memref<8x64x128xf32, #tpu.memory_space<vmem>> -> memref<1x64x128xf32, #tpu.memory_space<vmem>>
      %dma_start3A_853 = tpu.memref_squeeze %dma_start3A_852 : memref<1x64x128xf32, #tpu.memory_space<vmem>> -> memref<64x128xf32, #tpu.memory_space<vmem>>
      %dma_start3A_854 = arith.constant 0 : i32
      %dma_start3A_855 = tpu.memref_slice %arg4[%add3A_848, %dma_start3A_854] : memref<65536x128xf32, #tpu.memory_space<hbm>> -> memref<64x128xf32, #tpu.memory_space<hbm>>
      %dma_start3A_856 = arith.constant 0 : i32
      %dma_start3A_857 = tpu.memref_slice %arg4[%add3A_848, %dma_start3A_856] : memref<65536x128xf32, #tpu.memory_space<hbm>> -> memref<64x128xf32, #tpu.memory_space<hbm>>
      %dma_start3A_858 = arith.constant 0 : i32
      %dma_start3A_859 = arith.constant 0 : i32
      %dma_start3A_860 = tpu.memref_slice %arg8[%dma_start3A_849, %dma_start3A_858, %dma_start3A_859] : memref<8x64x128xf32, #tpu.memory_space<vmem>> -> memref<1x64x128xf32, #tpu.memory_space<vmem>>
      %dma_start3A_861 = tpu.memref_squeeze %dma_start3A_860 : memref<1x64x128xf32, #tpu.memory_space<vmem>> -> memref<64x128xf32, #tpu.memory_space<vmem>>
      tpu.enqueue_dma source(%dma_start3A_861 : memref<64x128xf32, #tpu.memory_space<vmem>>) target(%dma_start3A_857 : memref<64x128xf32, #tpu.memory_space<hbm>>) target_semaphore(%arg18 : memref<!tpu.dma_semaphore, #tpu.memory_space<semaphore_mem>>)
      %dma_wait3A_862 = arith.constant 1 : i32
      %dma_wait3A_863 = arith.constant 1 : i32
      %dma_wait3A_864 = arith.constant 0 : i32
      %dma_wait3A_865 = arith.constant 0 : i32
      %dma_wait3A_866 = tpu.memref_slice %arg8[%dma_wait3A_863, %dma_wait3A_864, %dma_wait3A_865] : memref<8x64x128xf32, #tpu.memory_space<vmem>> -> memref<1x64x128xf32, #tpu.memory_space<vmem>>
      %dma_wait3A_867 = tpu.memref_squeeze %dma_wait3A_866 : memref<1x64x128xf32, #tpu.memory_space<vmem>> -> memref<64x128xf32, #tpu.memory_space<vmem>>
      %dma_wait3A_868 = arith.constant 0 : i32
      %dma_wait3A_869 = tpu.memref_slice %arg7[%dma_wait3A_862, %dma_wait3A_868] : memref<8x64xi32, #tpu.memory_space<vmem>> -> memref<1x64xi32, #tpu.memory_space<vmem>>
      %dma_wait3A_870 = tpu.memref_squeeze %dma_wait3A_869 : memref<1x64xi32, #tpu.memory_space<vmem>> -> memref<64xi32, #tpu.memory_space<vmem>>
      %dma_wait3A_871 = arith.constant 0 : i32
      %dma_wait3A_872 = arith.constant 0 : i32
      %dma_wait3A_873 = tpu.memref_slice %arg2[%dma_wait3A_871, %dma_wait3A_872] : memref<65536x128xf32, #tpu.memory_space<hbm>> -> memref<65536x128xf32, #tpu.memory_space<hbm>>
      tpu.wait_indirect_dma semaphore(%arg11 : memref<!tpu.dma_semaphore, #tpu.memory_space<semaphore_mem>>) src(%dma_wait3A_873 : memref<65536x128xf32, #tpu.memory_space<hbm>>) dst(%dma_wait3A_867 : memref<64x128xf32, #tpu.memory_space<vmem>>)
      %add3A_874 = arith.constant 1 : i32
      %add3A_875 = arith.addi %mul3A_184, %add3A_874 : i32
      %mul3A_876 = arith.constant 16 : i32
      %mul3A_877 = arith.muli %select_n3A_30, %mul3A_876 : i32
      %add3A_878 = arith.addi %add3A_875, %mul3A_877 : i32
      %rem3A_879 = arith.constant 32 : i32
      %rem3A_880 = arith.remsi %add3A_878, %rem3A_879 : i32
      %mul3A_881 = arith.constant 64 : i32
      %mul3A_882 = arith.muli %rem3A_880, %mul3A_881 : i32
      %add3A_883 = arith.addi %add3A_35, %mul3A_882 : i32
      %dma_start3A_884 = arith.constant 1 : i32
      %dma_start3A_885 = arith.constant 0 : i32
      %dma_start3A_886 = arith.constant 0 : i32
      %dma_start3A_887 = tpu.memref_slice %arg8[%dma_start3A_884, %dma_start3A_885, %dma_start3A_886] : memref<8x64x128xf32, #tpu.memory_space<vmem>> -> memref<1x64x128xf32, #tpu.memory_space<vmem>>
      %dma_start3A_888 = tpu.memref_squeeze %dma_start3A_887 : memref<1x64x128xf32, #tpu.memory_space<vmem>> -> memref<64x128xf32, #tpu.memory_space<vmem>>
      %dma_start3A_889 = arith.constant 0 : i32
      %dma_start3A_890 = tpu.memref_slice %arg4[%add3A_883, %dma_start3A_889] : memref<65536x128xf32, #tpu.memory_space<hbm>> -> memref<64x128xf32, #tpu.memory_space<hbm>>
      %dma_start3A_891 = arith.constant 0 : i32
      %dma_start3A_892 = tpu.memref_slice %arg4[%add3A_883, %dma_start3A_891] : memref<65536x128xf32, #tpu.memory_space<hbm>> -> memref<64x128xf32, #tpu.memory_space<hbm>>
      %dma_start3A_893 = arith.constant 0 : i32
      %dma_start3A_894 = arith.constant 0 : i32
      %dma_start3A_895 = tpu.memref_slice %arg8[%dma_start3A_884, %dma_start3A_893, %dma_start3A_894] : memref<8x64x128xf32, #tpu.memory_space<vmem>> -> memref<1x64x128xf32, #tpu.memory_space<vmem>>
      %dma_start3A_896 = tpu.memref_squeeze %dma_start3A_895 : memref<1x64x128xf32, #tpu.memory_space<vmem>> -> memref<64x128xf32, #tpu.memory_space<vmem>>
      tpu.enqueue_dma source(%dma_start3A_896 : memref<64x128xf32, #tpu.memory_space<vmem>>) target(%dma_start3A_892 : memref<64x128xf32, #tpu.memory_space<hbm>>) target_semaphore(%arg19 : memref<!tpu.dma_semaphore, #tpu.memory_space<semaphore_mem>>)
      %dma_wait3A_897 = arith.constant 2 : i32
      %dma_wait3A_898 = arith.constant 2 : i32
      %dma_wait3A_899 = arith.constant 0 : i32
      %dma_wait3A_900 = arith.constant 0 : i32
      %dma_wait3A_901 = tpu.memref_slice %arg8[%dma_wait3A_898, %dma_wait3A_899, %dma_wait3A_900] : memref<8x64x128xf32, #tpu.memory_space<vmem>> -> memref<1x64x128xf32, #tpu.memory_space<vmem>>
      %dma_wait3A_902 = tpu.memref_squeeze %dma_wait3A_901 : memref<1x64x128xf32, #tpu.memory_space<vmem>> -> memref<64x128xf32, #tpu.memory_space<vmem>>
      %dma_wait3A_903 = arith.constant 0 : i32
      %dma_wait3A_904 = tpu.memref_slice %arg7[%dma_wait3A_897, %dma_wait3A_903] : memref<8x64xi32, #tpu.memory_space<vmem>> -> memref<1x64xi32, #tpu.memory_space<vmem>>
      %dma_wait3A_905 = tpu.memref_squeeze %dma_wait3A_904 : memref<1x64xi32, #tpu.memory_space<vmem>> -> memref<64xi32, #tpu.memory_space<vmem>>
      %dma_wait3A_906 = arith.constant 0 : i32
      %dma_wait3A_907 = arith.constant 0 : i32
      %dma_wait3A_908 = tpu.memref_slice %arg2[%dma_wait3A_906, %dma_wait3A_907] : memref<65536x128xf32, #tpu.memory_space<hbm>> -> memref<65536x128xf32, #tpu.memory_space<hbm>>
      tpu.wait_indirect_dma semaphore(%arg12 : memref<!tpu.dma_semaphore, #tpu.memory_space<semaphore_mem>>) src(%dma_wait3A_908 : memref<65536x128xf32, #tpu.memory_space<hbm>>) dst(%dma_wait3A_902 : memref<64x128xf32, #tpu.memory_space<vmem>>)
      %add3A_909 = arith.constant 2 : i32
      %add3A_910 = arith.addi %mul3A_184, %add3A_909 : i32
      %mul3A_911 = arith.constant 16 : i32
      %mul3A_912 = arith.muli %select_n3A_30, %mul3A_911 : i32
      %add3A_913 = arith.addi %add3A_910, %mul3A_912 : i32
      %rem3A_914 = arith.constant 32 : i32
      %rem3A_915 = arith.remsi %add3A_913, %rem3A_914 : i32
      %mul3A_916 = arith.constant 64 : i32
      %mul3A_917 = arith.muli %rem3A_915, %mul3A_916 : i32
      %add3A_918 = arith.addi %add3A_35, %mul3A_917 : i32
      %dma_start3A_919 = arith.constant 2 : i32
      %dma_start3A_920 = arith.constant 0 : i32
      %dma_start3A_921 = arith.constant 0 : i32
      %dma_start3A_922 = tpu.memref_slice %arg8[%dma_start3A_919, %dma_start3A_920, %dma_start3A_921] : memref<8x64x128xf32, #tpu.memory_space<vmem>> -> memref<1x64x128xf32, #tpu.memory_space<vmem>>
      %dma_start3A_923 = tpu.memref_squeeze %dma_start3A_922 : memref<1x64x128xf32, #tpu.memory_space<vmem>> -> memref<64x128xf32, #tpu.memory_space<vmem>>
      %dma_start3A_924 = arith.constant 0 : i32
      %dma_start3A_925 = tpu.memref_slice %arg4[%add3A_918, %dma_start3A_924] : memref<65536x128xf32, #tpu.memory_space<hbm>> -> memref<64x128xf32, #tpu.memory_space<hbm>>
      %dma_start3A_926 = arith.constant 0 : i32
      %dma_start3A_927 = tpu.memref_slice %arg4[%add3A_918, %dma_start3A_926] : memref<65536x128xf32, #tpu.memory_space<hbm>> -> memref<64x128xf32, #tpu.memory_space<hbm>>
      %dma_start3A_928 = arith.constant 0 : i32
      %dma_start3A_929 = arith.constant 0 : i32
      %dma_start3A_930 = tpu.memref_slice %arg8[%dma_start3A_919, %dma_start3A_928, %dma_start3A_929] : memref<8x64x128xf32, #tpu.memory_space<vmem>> -> memref<1x64x128xf32, #tpu.memory_space<vmem>>
      %dma_start3A_931 = tpu.memref_squeeze %dma_start3A_930 : memref<1x64x128xf32, #tpu.memory_space<vmem>> -> memref<64x128xf32, #tpu.memory_space<vmem>>
      tpu.enqueue_dma source(%dma_start3A_931 : memref<64x128xf32, #tpu.memory_space<vmem>>) target(%dma_start3A_927 : memref<64x128xf32, #tpu.memory_space<hbm>>) target_semaphore(%arg20 : memref<!tpu.dma_semaphore, #tpu.memory_space<semaphore_mem>>)
      %dma_wait3A_932 = arith.constant 3 : i32
      %dma_wait3A_933 = arith.constant 3 : i32
      %dma_wait3A_934 = arith.constant 0 : i32
      %dma_wait3A_935 = arith.constant 0 : i32
      %dma_wait3A_936 = tpu.memref_slice %arg8[%dma_wait3A_933, %dma_wait3A_934, %dma_wait3A_935] : memref<8x64x128xf32, #tpu.memory_space<vmem>> -> memref<1x64x128xf32, #tpu.memory_space<vmem>>
      %dma_wait3A_937 = tpu.memref_squeeze %dma_wait3A_936 : memref<1x64x128xf32, #tpu.memory_space<vmem>> -> memref<64x128xf32, #tpu.memory_space<vmem>>
      %dma_wait3A_938 = arith.constant 0 : i32
      %dma_wait3A_939 = tpu.memref_slice %arg7[%dma_wait3A_932, %dma_wait3A_938] : memref<8x64xi32, #tpu.memory_space<vmem>> -> memref<1x64xi32, #tpu.memory_space<vmem>>
      %dma_wait3A_940 = tpu.memref_squeeze %dma_wait3A_939 : memref<1x64xi32, #tpu.memory_space<vmem>> -> memref<64xi32, #tpu.memory_space<vmem>>
      %dma_wait3A_941 = arith.constant 0 : i32
      %dma_wait3A_942 = arith.constant 0 : i32
      %dma_wait3A_943 = tpu.memref_slice %arg2[%dma_wait3A_941, %dma_wait3A_942] : memref<65536x128xf32, #tpu.memory_space<hbm>> -> memref<65536x128xf32, #tpu.memory_space<hbm>>
      tpu.wait_indirect_dma semaphore(%arg13 : memref<!tpu.dma_semaphore, #tpu.memory_space<semaphore_mem>>) src(%dma_wait3A_943 : memref<65536x128xf32, #tpu.memory_space<hbm>>) dst(%dma_wait3A_937 : memref<64x128xf32, #tpu.memory_space<vmem>>)
      %add3A_944 = arith.constant 3 : i32
      %add3A_945 = arith.addi %mul3A_184, %add3A_944 : i32
      %mul3A_946 = arith.constant 16 : i32
      %mul3A_947 = arith.muli %select_n3A_30, %mul3A_946 : i32
      %add3A_948 = arith.addi %add3A_945, %mul3A_947 : i32
      %rem3A_949 = arith.constant 32 : i32
      %rem3A_950 = arith.remsi %add3A_948, %rem3A_949 : i32
      %mul3A_951 = arith.constant 64 : i32
      %mul3A_952 = arith.muli %rem3A_950, %mul3A_951 : i32
      %add3A_953 = arith.addi %add3A_35, %mul3A_952 : i32
      %dma_start3A_954 = arith.constant 3 : i32
      %dma_start3A_955 = arith.constant 0 : i32
      %dma_start3A_956 = arith.constant 0 : i32
      %dma_start3A_957 = tpu.memref_slice %arg8[%dma_start3A_954, %dma_start3A_955, %dma_start3A_956] : memref<8x64x128xf32, #tpu.memory_space<vmem>> -> memref<1x64x128xf32, #tpu.memory_space<vmem>>
      %dma_start3A_958 = tpu.memref_squeeze %dma_start3A_957 : memref<1x64x128xf32, #tpu.memory_space<vmem>> -> memref<64x128xf32, #tpu.memory_space<vmem>>
      %dma_start3A_959 = arith.constant 0 : i32
      %dma_start3A_960 = tpu.memref_slice %arg4[%add3A_953, %dma_start3A_959] : memref<65536x128xf32, #tpu.memory_space<hbm>> -> memref<64x128xf32, #tpu.memory_space<hbm>>
      %dma_start3A_961 = arith.constant 0 : i32
      %dma_start3A_962 = tpu.memref_slice %arg4[%add3A_953, %dma_start3A_961] : memref<65536x128xf32, #tpu.memory_space<hbm>> -> memref<64x128xf32, #tpu.memory_space<hbm>>
      %dma_start3A_963 = arith.constant 0 : i32
      %dma_start3A_964 = arith.constant 0 : i32
      %dma_start3A_965 = tpu.memref_slice %arg8[%dma_start3A_954, %dma_start3A_963, %dma_start3A_964] : memref<8x64x128xf32, #tpu.memory_space<vmem>> -> memref<1x64x128xf32, #tpu.memory_space<vmem>>
      %dma_start3A_966 = tpu.memref_squeeze %dma_start3A_965 : memref<1x64x128xf32, #tpu.memory_space<vmem>> -> memref<64x128xf32, #tpu.memory_space<vmem>>
      tpu.enqueue_dma source(%dma_start3A_966 : memref<64x128xf32, #tpu.memory_space<vmem>>) target(%dma_start3A_962 : memref<64x128xf32, #tpu.memory_space<hbm>>) target_semaphore(%arg21 : memref<!tpu.dma_semaphore, #tpu.memory_space<semaphore_mem>>)
      %dma_wait3A_967 = arith.constant 4 : i32
      %dma_wait3A_968 = arith.constant 4 : i32
      %dma_wait3A_969 = arith.constant 0 : i32
      %dma_wait3A_970 = arith.constant 0 : i32
      %dma_wait3A_971 = tpu.memref_slice %arg8[%dma_wait3A_968, %dma_wait3A_969, %dma_wait3A_970] : memref<8x64x128xf32, #tpu.memory_space<vmem>> -> memref<1x64x128xf32, #tpu.memory_space<vmem>>
      %dma_wait3A_972 = tpu.memref_squeeze %dma_wait3A_971 : memref<1x64x128xf32, #tpu.memory_space<vmem>> -> memref<64x128xf32, #tpu.memory_space<vmem>>
      %dma_wait3A_973 = arith.constant 0 : i32
      %dma_wait3A_974 = tpu.memref_slice %arg7[%dma_wait3A_967, %dma_wait3A_973] : memref<8x64xi32, #tpu.memory_space<vmem>> -> memref<1x64xi32, #tpu.memory_space<vmem>>
      %dma_wait3A_975 = tpu.memref_squeeze %dma_wait3A_974 : memref<1x64xi32, #tpu.memory_space<vmem>> -> memref<64xi32, #tpu.memory_space<vmem>>
      %dma_wait3A_976 = arith.constant 0 : i32
      %dma_wait3A_977 = arith.constant 0 : i32
      %dma_wait3A_978 = tpu.memref_slice %arg2[%dma_wait3A_976, %dma_wait3A_977] : memref<65536x128xf32, #tpu.memory_space<hbm>> -> memref<65536x128xf32, #tpu.memory_space<hbm>>
      tpu.wait_indirect_dma semaphore(%arg14 : memref<!tpu.dma_semaphore, #tpu.memory_space<semaphore_mem>>) src(%dma_wait3A_978 : memref<65536x128xf32, #tpu.memory_space<hbm>>) dst(%dma_wait3A_972 : memref<64x128xf32, #tpu.memory_space<vmem>>)
      %add3A_979 = arith.constant 4 : i32
      %add3A_980 = arith.addi %mul3A_184, %add3A_979 : i32
      %mul3A_981 = arith.constant 16 : i32
      %mul3A_982 = arith.muli %select_n3A_30, %mul3A_981 : i32
      %add3A_983 = arith.addi %add3A_980, %mul3A_982 : i32
      %rem3A_984 = arith.constant 32 : i32
      %rem3A_985 = arith.remsi %add3A_983, %rem3A_984 : i32
      %mul3A_986 = arith.constant 64 : i32
      %mul3A_987 = arith.muli %rem3A_985, %mul3A_986 : i32
      %add3A_988 = arith.addi %add3A_35, %mul3A_987 : i32
      %dma_start3A_989 = arith.constant 4 : i32
      %dma_start3A_990 = arith.constant 0 : i32
      %dma_start3A_991 = arith.constant 0 : i32
      %dma_start3A_992 = tpu.memref_slice %arg8[%dma_start3A_989, %dma_start3A_990, %dma_start3A_991] : memref<8x64x128xf32, #tpu.memory_space<vmem>> -> memref<1x64x128xf32, #tpu.memory_space<vmem>>
      %dma_start3A_993 = tpu.memref_squeeze %dma_start3A_992 : memref<1x64x128xf32, #tpu.memory_space<vmem>> -> memref<64x128xf32, #tpu.memory_space<vmem>>
      %dma_start3A_994 = arith.constant 0 : i32
      %dma_start3A_995 = tpu.memref_slice %arg4[%add3A_988, %dma_start3A_994] : memref<65536x128xf32, #tpu.memory_space<hbm>> -> memref<64x128xf32, #tpu.memory_space<hbm>>
      %dma_start3A_996 = arith.constant 0 : i32
      %dma_start3A_997 = tpu.memref_slice %arg4[%add3A_988, %dma_start3A_996] : memref<65536x128xf32, #tpu.memory_space<hbm>> -> memref<64x128xf32, #tpu.memory_space<hbm>>
      %dma_start3A_998 = arith.constant 0 : i32
      %dma_start3A_999 = arith.constant 0 : i32
      %dma_start3A_1000 = tpu.memref_slice %arg8[%dma_start3A_989, %dma_start3A_998, %dma_start3A_999] : memref<8x64x128xf32, #tpu.memory_space<vmem>> -> memref<1x64x128xf32, #tpu.memory_space<vmem>>
      %dma_start3A_1001 = tpu.memref_squeeze %dma_start3A_1000 : memref<1x64x128xf32, #tpu.memory_space<vmem>> -> memref<64x128xf32, #tpu.memory_space<vmem>>
      tpu.enqueue_dma source(%dma_start3A_1001 : memref<64x128xf32, #tpu.memory_space<vmem>>) target(%dma_start3A_997 : memref<64x128xf32, #tpu.memory_space<hbm>>) target_semaphore(%arg22 : memref<!tpu.dma_semaphore, #tpu.memory_space<semaphore_mem>>)
      %dma_wait3A_1002 = arith.constant 5 : i32
      %dma_wait3A_1003 = arith.constant 5 : i32
      %dma_wait3A_1004 = arith.constant 0 : i32
      %dma_wait3A_1005 = arith.constant 0 : i32
      %dma_wait3A_1006 = tpu.memref_slice %arg8[%dma_wait3A_1003, %dma_wait3A_1004, %dma_wait3A_1005] : memref<8x64x128xf32, #tpu.memory_space<vmem>> -> memref<1x64x128xf32, #tpu.memory_space<vmem>>
      %dma_wait3A_1007 = tpu.memref_squeeze %dma_wait3A_1006 : memref<1x64x128xf32, #tpu.memory_space<vmem>> -> memref<64x128xf32, #tpu.memory_space<vmem>>
      %dma_wait3A_1008 = arith.constant 0 : i32
      %dma_wait3A_1009 = tpu.memref_slice %arg7[%dma_wait3A_1002, %dma_wait3A_1008] : memref<8x64xi32, #tpu.memory_space<vmem>> -> memref<1x64xi32, #tpu.memory_space<vmem>>
      %dma_wait3A_1010 = tpu.memref_squeeze %dma_wait3A_1009 : memref<1x64xi32, #tpu.memory_space<vmem>> -> memref<64xi32, #tpu.memory_space<vmem>>
      %dma_wait3A_1011 = arith.constant 0 : i32
      %dma_wait3A_1012 = arith.constant 0 : i32
      %dma_wait3A_1013 = tpu.memref_slice %arg2[%dma_wait3A_1011, %dma_wait3A_1012] : memref<65536x128xf32, #tpu.memory_space<hbm>> -> memref<65536x128xf32, #tpu.memory_space<hbm>>
      tpu.wait_indirect_dma semaphore(%arg15 : memref<!tpu.dma_semaphore, #tpu.memory_space<semaphore_mem>>) src(%dma_wait3A_1013 : memref<65536x128xf32, #tpu.memory_space<hbm>>) dst(%dma_wait3A_1007 : memref<64x128xf32, #tpu.memory_space<vmem>>)
      %add3A_1014 = arith.constant 5 : i32
      %add3A_1015 = arith.addi %mul3A_184, %add3A_1014 : i32
      %mul3A_1016 = arith.constant 16 : i32
      %mul3A_1017 = arith.muli %select_n3A_30, %mul3A_1016 : i32
      %add3A_1018 = arith.addi %add3A_1015, %mul3A_1017 : i32
      %rem3A_1019 = arith.constant 32 : i32
      %rem3A_1020 = arith.remsi %add3A_1018, %rem3A_1019 : i32
      %mul3A_1021 = arith.constant 64 : i32
      %mul3A_1022 = arith.muli %rem3A_1020, %mul3A_1021 : i32
      %add3A_1023 = arith.addi %add3A_35, %mul3A_1022 : i32
      %dma_start3A_1024 = arith.constant 5 : i32
      %dma_start3A_1025 = arith.constant 0 : i32
      %dma_start3A_1026 = arith.constant 0 : i32
      %dma_start3A_1027 = tpu.memref_slice %arg8[%dma_start3A_1024, %dma_start3A_1025, %dma_start3A_1026] : memref<8x64x128xf32, #tpu.memory_space<vmem>> -> memref<1x64x128xf32, #tpu.memory_space<vmem>>
      %dma_start3A_1028 = tpu.memref_squeeze %dma_start3A_1027 : memref<1x64x128xf32, #tpu.memory_space<vmem>> -> memref<64x128xf32, #tpu.memory_space<vmem>>
      %dma_start3A_1029 = arith.constant 0 : i32
      %dma_start3A_1030 = tpu.memref_slice %arg4[%add3A_1023, %dma_start3A_1029] : memref<65536x128xf32, #tpu.memory_space<hbm>> -> memref<64x128xf32, #tpu.memory_space<hbm>>
      %dma_start3A_1031 = arith.constant 0 : i32
      %dma_start3A_1032 = tpu.memref_slice %arg4[%add3A_1023, %dma_start3A_1031] : memref<65536x128xf32, #tpu.memory_space<hbm>> -> memref<64x128xf32, #tpu.memory_space<hbm>>
      %dma_start3A_1033 = arith.constant 0 : i32
      %dma_start3A_1034 = arith.constant 0 : i32
      %dma_start3A_1035 = tpu.memref_slice %arg8[%dma_start3A_1024, %dma_start3A_1033, %dma_start3A_1034] : memref<8x64x128xf32, #tpu.memory_space<vmem>> -> memref<1x64x128xf32, #tpu.memory_space<vmem>>
      %dma_start3A_1036 = tpu.memref_squeeze %dma_start3A_1035 : memref<1x64x128xf32, #tpu.memory_space<vmem>> -> memref<64x128xf32, #tpu.memory_space<vmem>>
      tpu.enqueue_dma source(%dma_start3A_1036 : memref<64x128xf32, #tpu.memory_space<vmem>>) target(%dma_start3A_1032 : memref<64x128xf32, #tpu.memory_space<hbm>>) target_semaphore(%arg23 : memref<!tpu.dma_semaphore, #tpu.memory_space<semaphore_mem>>)
      %dma_wait3A_1037 = arith.constant 6 : i32
      %dma_wait3A_1038 = arith.constant 6 : i32
      %dma_wait3A_1039 = arith.constant 0 : i32
      %dma_wait3A_1040 = arith.constant 0 : i32
      %dma_wait3A_1041 = tpu.memref_slice %arg8[%dma_wait3A_1038, %dma_wait3A_1039, %dma_wait3A_1040] : memref<8x64x128xf32, #tpu.memory_space<vmem>> -> memref<1x64x128xf32, #tpu.memory_space<vmem>>
      %dma_wait3A_1042 = tpu.memref_squeeze %dma_wait3A_1041 : memref<1x64x128xf32, #tpu.memory_space<vmem>> -> memref<64x128xf32, #tpu.memory_space<vmem>>
      %dma_wait3A_1043 = arith.constant 0 : i32
      %dma_wait3A_1044 = tpu.memref_slice %arg7[%dma_wait3A_1037, %dma_wait3A_1043] : memref<8x64xi32, #tpu.memory_space<vmem>> -> memref<1x64xi32, #tpu.memory_space<vmem>>
      %dma_wait3A_1045 = tpu.memref_squeeze %dma_wait3A_1044 : memref<1x64xi32, #tpu.memory_space<vmem>> -> memref<64xi32, #tpu.memory_space<vmem>>
      %dma_wait3A_1046 = arith.constant 0 : i32
      %dma_wait3A_1047 = arith.constant 0 : i32
      %dma_wait3A_1048 = tpu.memref_slice %arg2[%dma_wait3A_1046, %dma_wait3A_1047] : memref<65536x128xf32, #tpu.memory_space<hbm>> -> memref<65536x128xf32, #tpu.memory_space<hbm>>
      tpu.wait_indirect_dma semaphore(%arg16 : memref<!tpu.dma_semaphore, #tpu.memory_space<semaphore_mem>>) src(%dma_wait3A_1048 : memref<65536x128xf32, #tpu.memory_space<hbm>>) dst(%dma_wait3A_1042 : memref<64x128xf32, #tpu.memory_space<vmem>>)
      %add3A_1049 = arith.constant 6 : i32
      %add3A_1050 = arith.addi %mul3A_184, %add3A_1049 : i32
      %mul3A_1051 = arith.constant 16 : i32
      %mul3A_1052 = arith.muli %select_n3A_30, %mul3A_1051 : i32
      %add3A_1053 = arith.addi %add3A_1050, %mul3A_1052 : i32
      %rem3A_1054 = arith.constant 32 : i32
      %rem3A_1055 = arith.remsi %add3A_1053, %rem3A_1054 : i32
      %mul3A_1056 = arith.constant 64 : i32
      %mul3A_1057 = arith.muli %rem3A_1055, %mul3A_1056 : i32
      %add3A_1058 = arith.addi %add3A_35, %mul3A_1057 : i32
      %dma_start3A_1059 = arith.constant 6 : i32
      %dma_start3A_1060 = arith.constant 0 : i32
      %dma_start3A_1061 = arith.constant 0 : i32
      %dma_start3A_1062 = tpu.memref_slice %arg8[%dma_start3A_1059, %dma_start3A_1060, %dma_start3A_1061] : memref<8x64x128xf32, #tpu.memory_space<vmem>> -> memref<1x64x128xf32, #tpu.memory_space<vmem>>
      %dma_start3A_1063 = tpu.memref_squeeze %dma_start3A_1062 : memref<1x64x128xf32, #tpu.memory_space<vmem>> -> memref<64x128xf32, #tpu.memory_space<vmem>>
      %dma_start3A_1064 = arith.constant 0 : i32
      %dma_start3A_1065 = tpu.memref_slice %arg4[%add3A_1058, %dma_start3A_1064] : memref<65536x128xf32, #tpu.memory_space<hbm>> -> memref<64x128xf32, #tpu.memory_space<hbm>>
      %dma_start3A_1066 = arith.constant 0 : i32
      %dma_start3A_1067 = tpu.memref_slice %arg4[%add3A_1058, %dma_start3A_1066] : memref<65536x128xf32, #tpu.memory_space<hbm>> -> memref<64x128xf32, #tpu.memory_space<hbm>>
      %dma_start3A_1068 = arith.constant 0 : i32
      %dma_start3A_1069 = arith.constant 0 : i32
      %dma_start3A_1070 = tpu.memref_slice %arg8[%dma_start3A_1059, %dma_start3A_1068, %dma_start3A_1069] : memref<8x64x128xf32, #tpu.memory_space<vmem>> -> memref<1x64x128xf32, #tpu.memory_space<vmem>>
      %dma_start3A_1071 = tpu.memref_squeeze %dma_start3A_1070 : memref<1x64x128xf32, #tpu.memory_space<vmem>> -> memref<64x128xf32, #tpu.memory_space<vmem>>
      tpu.enqueue_dma source(%dma_start3A_1071 : memref<64x128xf32, #tpu.memory_space<vmem>>) target(%dma_start3A_1067 : memref<64x128xf32, #tpu.memory_space<hbm>>) target_semaphore(%arg24 : memref<!tpu.dma_semaphore, #tpu.memory_space<semaphore_mem>>)
      %dma_wait3A_1072 = arith.constant 7 : i32
      %dma_wait3A_1073 = arith.constant 7 : i32
      %dma_wait3A_1074 = arith.constant 0 : i32
      %dma_wait3A_1075 = arith.constant 0 : i32
      %dma_wait3A_1076 = tpu.memref_slice %arg8[%dma_wait3A_1073, %dma_wait3A_1074, %dma_wait3A_1075] : memref<8x64x128xf32, #tpu.memory_space<vmem>> -> memref<1x64x128xf32, #tpu.memory_space<vmem>>
      %dma_wait3A_1077 = tpu.memref_squeeze %dma_wait3A_1076 : memref<1x64x128xf32, #tpu.memory_space<vmem>> -> memref<64x128xf32, #tpu.memory_space<vmem>>
      %dma_wait3A_1078 = arith.constant 0 : i32
      %dma_wait3A_1079 = tpu.memref_slice %arg7[%dma_wait3A_1072, %dma_wait3A_1078] : memref<8x64xi32, #tpu.memory_space<vmem>> -> memref<1x64xi32, #tpu.memory_space<vmem>>
      %dma_wait3A_1080 = tpu.memref_squeeze %dma_wait3A_1079 : memref<1x64xi32, #tpu.memory_space<vmem>> -> memref<64xi32, #tpu.memory_space<vmem>>
      %dma_wait3A_1081 = arith.constant 0 : i32
      %dma_wait3A_1082 = arith.constant 0 : i32
      %dma_wait3A_1083 = tpu.memref_slice %arg2[%dma_wait3A_1081, %dma_wait3A_1082] : memref<65536x128xf32, #tpu.memory_space<hbm>> -> memref<65536x128xf32, #tpu.memory_space<hbm>>
      tpu.wait_indirect_dma semaphore(%arg17 : memref<!tpu.dma_semaphore, #tpu.memory_space<semaphore_mem>>) src(%dma_wait3A_1083 : memref<65536x128xf32, #tpu.memory_space<hbm>>) dst(%dma_wait3A_1077 : memref<64x128xf32, #tpu.memory_space<vmem>>)
      %add3A_1084 = arith.constant 7 : i32
      %add3A_1085 = arith.addi %mul3A_184, %add3A_1084 : i32
      %mul3A_1086 = arith.constant 16 : i32
      %mul3A_1087 = arith.muli %select_n3A_30, %mul3A_1086 : i32
      %add3A_1088 = arith.addi %add3A_1085, %mul3A_1087 : i32
      %rem3A_1089 = arith.constant 32 : i32
      %rem3A_1090 = arith.remsi %add3A_1088, %rem3A_1089 : i32
      %mul3A_1091 = arith.constant 64 : i32
      %mul3A_1092 = arith.muli %rem3A_1090, %mul3A_1091 : i32
      %add3A_1093 = arith.addi %add3A_35, %mul3A_1092 : i32
      %dma_start3A_1094 = arith.constant 7 : i32
      %dma_start3A_1095 = arith.constant 0 : i32
      %dma_start3A_1096 = arith.constant 0 : i32
      %dma_start3A_1097 = tpu.memref_slice %arg8[%dma_start3A_1094, %dma_start3A_1095, %dma_start3A_1096] : memref<8x64x128xf32, #tpu.memory_space<vmem>> -> memref<1x64x128xf32, #tpu.memory_space<vmem>>
      %dma_start3A_1098 = tpu.memref_squeeze %dma_start3A_1097 : memref<1x64x128xf32, #tpu.memory_space<vmem>> -> memref<64x128xf32, #tpu.memory_space<vmem>>
      %dma_start3A_1099 = arith.constant 0 : i32
      %dma_start3A_1100 = tpu.memref_slice %arg4[%add3A_1093, %dma_start3A_1099] : memref<65536x128xf32, #tpu.memory_space<hbm>> -> memref<64x128xf32, #tpu.memory_space<hbm>>
      %dma_start3A_1101 = arith.constant 0 : i32
      %dma_start3A_1102 = tpu.memref_slice %arg4[%add3A_1093, %dma_start3A_1101] : memref<65536x128xf32, #tpu.memory_space<hbm>> -> memref<64x128xf32, #tpu.memory_space<hbm>>
      %dma_start3A_1103 = arith.constant 0 : i32
      %dma_start3A_1104 = arith.constant 0 : i32
      %dma_start3A_1105 = tpu.memref_slice %arg8[%dma_start3A_1094, %dma_start3A_1103, %dma_start3A_1104] : memref<8x64x128xf32, #tpu.memory_space<vmem>> -> memref<1x64x128xf32, #tpu.memory_space<vmem>>
      %dma_start3A_1106 = tpu.memref_squeeze %dma_start3A_1105 : memref<1x64x128xf32, #tpu.memory_space<vmem>> -> memref<64x128xf32, #tpu.memory_space<vmem>>
      tpu.enqueue_dma source(%dma_start3A_1106 : memref<64x128xf32, #tpu.memory_space<vmem>>) target(%dma_start3A_1102 : memref<64x128xf32, #tpu.memory_space<hbm>>) target_semaphore(%arg25 : memref<!tpu.dma_semaphore, #tpu.memory_space<semaphore_mem>>)
    }
    %scan3A_61 = arith.constant 4 : i32
    %dma_wait3A_62 = arith.constant 0 : i32
    %dma_wait3A_63 = arith.constant 0 : i32
    %dma_wait3A_64 = arith.constant 0 : i32
    %dma_wait3A_65 = tpu.memref_slice %arg8[%dma_wait3A_62, %dma_wait3A_63, %dma_wait3A_64] : memref<8x64x128xf32, #tpu.memory_space<vmem>> -> memref<1x64x128xf32, #tpu.memory_space<vmem>>
    %dma_wait3A_66 = tpu.memref_squeeze %dma_wait3A_65 : memref<1x64x128xf32, #tpu.memory_space<vmem>> -> memref<64x128xf32, #tpu.memory_space<vmem>>
    %dma_wait3A_67 = arith.constant 0 : i32
    %dma_wait3A_68 = arith.constant 0 : i32
    %dma_wait3A_69 = tpu.memref_slice %arg4[%dma_wait3A_67, %dma_wait3A_68] : memref<65536x128xf32, #tpu.memory_space<hbm>> -> memref<64x128xf32, #tpu.memory_space<hbm>>
    %dma_wait3A_70 = arith.constant 0 : i32
    %dma_wait3A_71 = arith.constant 0 : i32
    %dma_wait3A_72 = tpu.memref_slice %arg4[%dma_wait3A_70, %dma_wait3A_71] : memref<65536x128xf32, #tpu.memory_space<hbm>> -> memref<64x128xf32, #tpu.memory_space<hbm>>
    %dma_wait3A_73 = arith.constant 0 : i32
    %dma_wait3A_74 = arith.constant 0 : i32
    %dma_wait3A_75 = tpu.memref_slice %arg8[%dma_wait3A_62, %dma_wait3A_73, %dma_wait3A_74] : memref<8x64x128xf32, #tpu.memory_space<vmem>> -> memref<1x64x128xf32, #tpu.memory_space<vmem>>
    %dma_wait3A_76 = tpu.memref_squeeze %dma_wait3A_75 : memref<1x64x128xf32, #tpu.memory_space<vmem>> -> memref<64x128xf32, #tpu.memory_space<vmem>>
    tpu.wait_dma2 semaphore(%arg18 : memref<!tpu.dma_semaphore, #tpu.memory_space<semaphore_mem>>) src(%dma_wait3A_76 : memref<64x128xf32, #tpu.memory_space<vmem>>) dst(%dma_wait3A_72 : memref<64x128xf32, #tpu.memory_space<hbm>>)
    %dma_wait3A_77 = arith.constant 1 : i32
    %dma_wait3A_78 = arith.constant 0 : i32
    %dma_wait3A_79 = arith.constant 0 : i32
    %dma_wait3A_80 = tpu.memref_slice %arg8[%dma_wait3A_77, %dma_wait3A_78, %dma_wait3A_79] : memref<8x64x128xf32, #tpu.memory_space<vmem>> -> memref<1x64x128xf32, #tpu.memory_space<vmem>>
    %dma_wait3A_81 = tpu.memref_squeeze %dma_wait3A_80 : memref<1x64x128xf32, #tpu.memory_space<vmem>> -> memref<64x128xf32, #tpu.memory_space<vmem>>
    %dma_wait3A_82 = arith.constant 0 : i32
    %dma_wait3A_83 = arith.constant 0 : i32
    %dma_wait3A_84 = tpu.memref_slice %arg4[%dma_wait3A_82, %dma_wait3A_83] : memref<65536x128xf32, #tpu.memory_space<hbm>> -> memref<64x128xf32, #tpu.memory_space<hbm>>
    %dma_wait3A_85 = arith.constant 0 : i32
    %dma_wait3A_86 = arith.constant 0 : i32
    %dma_wait3A_87 = tpu.memref_slice %arg4[%dma_wait3A_85, %dma_wait3A_86] : memref<65536x128xf32, #tpu.memory_space<hbm>> -> memref<64x128xf32, #tpu.memory_space<hbm>>
    %dma_wait3A_88 = arith.constant 0 : i32
    %dma_wait3A_89 = arith.constant 0 : i32
    %dma_wait3A_90 = tpu.memref_slice %arg8[%dma_wait3A_77, %dma_wait3A_88, %dma_wait3A_89] : memref<8x64x128xf32, #tpu.memory_space<vmem>> -> memref<1x64x128xf32, #tpu.memory_space<vmem>>
    %dma_wait3A_91 = tpu.memref_squeeze %dma_wait3A_90 : memref<1x64x128xf32, #tpu.memory_space<vmem>> -> memref<64x128xf32, #tpu.memory_space<vmem>>
    tpu.wait_dma2 semaphore(%arg19 : memref<!tpu.dma_semaphore, #tpu.memory_space<semaphore_mem>>) src(%dma_wait3A_91 : memref<64x128xf32, #tpu.memory_space<vmem>>) dst(%dma_wait3A_87 : memref<64x128xf32, #tpu.memory_space<hbm>>)
    %dma_wait3A_92 = arith.constant 2 : i32
    %dma_wait3A_93 = arith.constant 0 : i32
    %dma_wait3A_94 = arith.constant 0 : i32
    %dma_wait3A_95 = tpu.memref_slice %arg8[%dma_wait3A_92, %dma_wait3A_93, %dma_wait3A_94] : memref<8x64x128xf32, #tpu.memory_space<vmem>> -> memref<1x64x128xf32, #tpu.memory_space<vmem>>
    %dma_wait3A_96 = tpu.memref_squeeze %dma_wait3A_95 : memref<1x64x128xf32, #tpu.memory_space<vmem>> -> memref<64x128xf32, #tpu.memory_space<vmem>>
    %dma_wait3A_97 = arith.constant 0 : i32
    %dma_wait3A_98 = arith.constant 0 : i32
    %dma_wait3A_99 = tpu.memref_slice %arg4[%dma_wait3A_97, %dma_wait3A_98] : memref<65536x128xf32, #tpu.memory_space<hbm>> -> memref<64x128xf32, #tpu.memory_space<hbm>>
    %dma_wait3A_100 = arith.constant 0 : i32
    %dma_wait3A_101 = arith.constant 0 : i32
    %dma_wait3A_102 = tpu.memref_slice %arg4[%dma_wait3A_100, %dma_wait3A_101] : memref<65536x128xf32, #tpu.memory_space<hbm>> -> memref<64x128xf32, #tpu.memory_space<hbm>>
    %dma_wait3A_103 = arith.constant 0 : i32
    %dma_wait3A_104 = arith.constant 0 : i32
    %dma_wait3A_105 = tpu.memref_slice %arg8[%dma_wait3A_92, %dma_wait3A_103, %dma_wait3A_104] : memref<8x64x128xf32, #tpu.memory_space<vmem>> -> memref<1x64x128xf32, #tpu.memory_space<vmem>>
    %dma_wait3A_106 = tpu.memref_squeeze %dma_wait3A_105 : memref<1x64x128xf32, #tpu.memory_space<vmem>> -> memref<64x128xf32, #tpu.memory_space<vmem>>
    tpu.wait_dma2 semaphore(%arg20 : memref<!tpu.dma_semaphore, #tpu.memory_space<semaphore_mem>>) src(%dma_wait3A_106 : memref<64x128xf32, #tpu.memory_space<vmem>>) dst(%dma_wait3A_102 : memref<64x128xf32, #tpu.memory_space<hbm>>)
    %dma_wait3A_107 = arith.constant 3 : i32
    %dma_wait3A_108 = arith.constant 0 : i32
    %dma_wait3A_109 = arith.constant 0 : i32
    %dma_wait3A_110 = tpu.memref_slice %arg8[%dma_wait3A_107, %dma_wait3A_108, %dma_wait3A_109] : memref<8x64x128xf32, #tpu.memory_space<vmem>> -> memref<1x64x128xf32, #tpu.memory_space<vmem>>
    %dma_wait3A_111 = tpu.memref_squeeze %dma_wait3A_110 : memref<1x64x128xf32, #tpu.memory_space<vmem>> -> memref<64x128xf32, #tpu.memory_space<vmem>>
    %dma_wait3A_112 = arith.constant 0 : i32
    %dma_wait3A_113 = arith.constant 0 : i32
    %dma_wait3A_114 = tpu.memref_slice %arg4[%dma_wait3A_112, %dma_wait3A_113] : memref<65536x128xf32, #tpu.memory_space<hbm>> -> memref<64x128xf32, #tpu.memory_space<hbm>>
    %dma_wait3A_115 = arith.constant 0 : i32
    %dma_wait3A_116 = arith.constant 0 : i32
    %dma_wait3A_117 = tpu.memref_slice %arg4[%dma_wait3A_115, %dma_wait3A_116] : memref<65536x128xf32, #tpu.memory_space<hbm>> -> memref<64x128xf32, #tpu.memory_space<hbm>>
    %dma_wait3A_118 = arith.constant 0 : i32
    %dma_wait3A_119 = arith.constant 0 : i32
    %dma_wait3A_120 = tpu.memref_slice %arg8[%dma_wait3A_107, %dma_wait3A_118, %dma_wait3A_119] : memref<8x64x128xf32, #tpu.memory_space<vmem>> -> memref<1x64x128xf32, #tpu.memory_space<vmem>>
    %dma_wait3A_121 = tpu.memref_squeeze %dma_wait3A_120 : memref<1x64x128xf32, #tpu.memory_space<vmem>> -> memref<64x128xf32, #tpu.memory_space<vmem>>
    tpu.wait_dma2 semaphore(%arg21 : memref<!tpu.dma_semaphore, #tpu.memory_space<semaphore_mem>>) src(%dma_wait3A_121 : memref<64x128xf32, #tpu.memory_space<vmem>>) dst(%dma_wait3A_117 : memref<64x128xf32, #tpu.memory_space<hbm>>)
    %dma_wait3A_122 = arith.constant 4 : i32
    %dma_wait3A_123 = arith.constant 0 : i32
    %dma_wait3A_124 = arith.constant 0 : i32
    %dma_wait3A_125 = tpu.memref_slice %arg8[%dma_wait3A_122, %dma_wait3A_123, %dma_wait3A_124] : memref<8x64x128xf32, #tpu.memory_space<vmem>> -> memref<1x64x128xf32, #tpu.memory_space<vmem>>
    %dma_wait3A_126 = tpu.memref_squeeze %dma_wait3A_125 : memref<1x64x128xf32, #tpu.memory_space<vmem>> -> memref<64x128xf32, #tpu.memory_space<vmem>>
    %dma_wait3A_127 = arith.constant 0 : i32
    %dma_wait3A_128 = arith.constant 0 : i32
    %dma_wait3A_129 = tpu.memref_slice %arg4[%dma_wait3A_127, %dma_wait3A_128] : memref<65536x128xf32, #tpu.memory_space<hbm>> -> memref<64x128xf32, #tpu.memory_space<hbm>>
    %dma_wait3A_130 = arith.constant 0 : i32
    %dma_wait3A_131 = arith.constant 0 : i32
    %dma_wait3A_132 = tpu.memref_slice %arg4[%dma_wait3A_130, %dma_wait3A_131] : memref<65536x128xf32, #tpu.memory_space<hbm>> -> memref<64x128xf32, #tpu.memory_space<hbm>>
    %dma_wait3A_133 = arith.constant 0 : i32
    %dma_wait3A_134 = arith.constant 0 : i32
    %dma_wait3A_135 = tpu.memref_slice %arg8[%dma_wait3A_122, %dma_wait3A_133, %dma_wait3A_134] : memref<8x64x128xf32, #tpu.memory_space<vmem>> -> memref<1x64x128xf32, #tpu.memory_space<vmem>>
    %dma_wait3A_136 = tpu.memref_squeeze %dma_wait3A_135 : memref<1x64x128xf32, #tpu.memory_space<vmem>> -> memref<64x128xf32, #tpu.memory_space<vmem>>
    tpu.wait_dma2 semaphore(%arg22 : memref<!tpu.dma_semaphore, #tpu.memory_space<semaphore_mem>>) src(%dma_wait3A_136 : memref<64x128xf32, #tpu.memory_space<vmem>>) dst(%dma_wait3A_132 : memref<64x128xf32, #tpu.memory_space<hbm>>)
    %dma_wait3A_137 = arith.constant 5 : i32
    %dma_wait3A_138 = arith.constant 0 : i32
    %dma_wait3A_139 = arith.constant 0 : i32
    %dma_wait3A_140 = tpu.memref_slice %arg8[%dma_wait3A_137, %dma_wait3A_138, %dma_wait3A_139] : memref<8x64x128xf32, #tpu.memory_space<vmem>> -> memref<1x64x128xf32, #tpu.memory_space<vmem>>
    %dma_wait3A_141 = tpu.memref_squeeze %dma_wait3A_140 : memref<1x64x128xf32, #tpu.memory_space<vmem>> -> memref<64x128xf32, #tpu.memory_space<vmem>>
    %dma_wait3A_142 = arith.constant 0 : i32
    %dma_wait3A_143 = arith.constant 0 : i32
    %dma_wait3A_144 = tpu.memref_slice %arg4[%dma_wait3A_142, %dma_wait3A_143] : memref<65536x128xf32, #tpu.memory_space<hbm>> -> memref<64x128xf32, #tpu.memory_space<hbm>>
    %dma_wait3A_145 = arith.constant 0 : i32
    %dma_wait3A_146 = arith.constant 0 : i32
    %dma_wait3A_147 = tpu.memref_slice %arg4[%dma_wait3A_145, %dma_wait3A_146] : memref<65536x128xf32, #tpu.memory_space<hbm>> -> memref<64x128xf32, #tpu.memory_space<hbm>>
    %dma_wait3A_148 = arith.constant 0 : i32
    %dma_wait3A_149 = arith.constant 0 : i32
    %dma_wait3A_150 = tpu.memref_slice %arg8[%dma_wait3A_137, %dma_wait3A_148, %dma_wait3A_149] : memref<8x64x128xf32, #tpu.memory_space<vmem>> -> memref<1x64x128xf32, #tpu.memory_space<vmem>>
    %dma_wait3A_151 = tpu.memref_squeeze %dma_wait3A_150 : memref<1x64x128xf32, #tpu.memory_space<vmem>> -> memref<64x128xf32, #tpu.memory_space<vmem>>
    tpu.wait_dma2 semaphore(%arg23 : memref<!tpu.dma_semaphore, #tpu.memory_space<semaphore_mem>>) src(%dma_wait3A_151 : memref<64x128xf32, #tpu.memory_space<vmem>>) dst(%dma_wait3A_147 : memref<64x128xf32, #tpu.memory_space<hbm>>)
    %dma_wait3A_152 = arith.constant 6 : i32
    %dma_wait3A_153 = arith.constant 0 : i32
    %dma_wait3A_154 = arith.constant 0 : i32
    %dma_wait3A_155 = tpu.memref_slice %arg8[%dma_wait3A_152, %dma_wait3A_153, %dma_wait3A_154] : memref<8x64x128xf32, #tpu.memory_space<vmem>> -> memref<1x64x128xf32, #tpu.memory_space<vmem>>
    %dma_wait3A_156 = tpu.memref_squeeze %dma_wait3A_155 : memref<1x64x128xf32, #tpu.memory_space<vmem>> -> memref<64x128xf32, #tpu.memory_space<vmem>>
    %dma_wait3A_157 = arith.constant 0 : i32
    %dma_wait3A_158 = arith.constant 0 : i32
    %dma_wait3A_159 = tpu.memref_slice %arg4[%dma_wait3A_157, %dma_wait3A_158] : memref<65536x128xf32, #tpu.memory_space<hbm>> -> memref<64x128xf32, #tpu.memory_space<hbm>>
    %dma_wait3A_160 = arith.constant 0 : i32
    %dma_wait3A_161 = arith.constant 0 : i32
    %dma_wait3A_162 = tpu.memref_slice %arg4[%dma_wait3A_160, %dma_wait3A_161] : memref<65536x128xf32, #tpu.memory_space<hbm>> -> memref<64x128xf32, #tpu.memory_space<hbm>>
    %dma_wait3A_163 = arith.constant 0 : i32
    %dma_wait3A_164 = arith.constant 0 : i32
    %dma_wait3A_165 = tpu.memref_slice %arg8[%dma_wait3A_152, %dma_wait3A_163, %dma_wait3A_164] : memref<8x64x128xf32, #tpu.memory_space<vmem>> -> memref<1x64x128xf32, #tpu.memory_space<vmem>>
    %dma_wait3A_166 = tpu.memref_squeeze %dma_wait3A_165 : memref<1x64x128xf32, #tpu.memory_space<vmem>> -> memref<64x128xf32, #tpu.memory_space<vmem>>
    tpu.wait_dma2 semaphore(%arg24 : memref<!tpu.dma_semaphore, #tpu.memory_space<semaphore_mem>>) src(%dma_wait3A_166 : memref<64x128xf32, #tpu.memory_space<vmem>>) dst(%dma_wait3A_162 : memref<64x128xf32, #tpu.memory_space<hbm>>)
    %dma_wait3A_167 = arith.constant 7 : i32
    %dma_wait3A_168 = arith.constant 0 : i32
    %dma_wait3A_169 = arith.constant 0 : i32
    %dma_wait3A_170 = tpu.memref_slice %arg8[%dma_wait3A_167, %dma_wait3A_168, %dma_wait3A_169] : memref<8x64x128xf32, #tpu.memory_space<vmem>> -> memref<1x64x128xf32, #tpu.memory_space<vmem>>
    %dma_wait3A_171 = tpu.memref_squeeze %dma_wait3A_170 : memref<1x64x128xf32, #tpu.memory_space<vmem>> -> memref<64x128xf32, #tpu.memory_space<vmem>>
    %dma_wait3A_172 = arith.constant 0 : i32
    %dma_wait3A_173 = arith.constant 0 : i32
    %dma_wait3A_174 = tpu.memref_slice %arg4[%dma_wait3A_172, %dma_wait3A_173] : memref<65536x128xf32, #tpu.memory_space<hbm>> -> memref<64x128xf32, #tpu.memory_space<hbm>>
    %dma_wait3A_175 = arith.constant 0 : i32
    %dma_wait3A_176 = arith.constant 0 : i32
    %dma_wait3A_177 = tpu.memref_slice %arg4[%dma_wait3A_175, %dma_wait3A_176] : memref<65536x128xf32, #tpu.memory_space<hbm>> -> memref<64x128xf32, #tpu.memory_space<hbm>>
    %dma_wait3A_178 = arith.constant 0 : i32
    %dma_wait3A_179 = arith.constant 0 : i32
    %dma_wait3A_180 = tpu.memref_slice %arg8[%dma_wait3A_167, %dma_wait3A_178, %dma_wait3A_179] : memref<8x64x128xf32, #tpu.memory_space<vmem>> -> memref<1x64x128xf32, #tpu.memory_space<vmem>>
    %dma_wait3A_181 = tpu.memref_squeeze %dma_wait3A_180 : memref<1x64x128xf32, #tpu.memory_space<vmem>> -> memref<64x128xf32, #tpu.memory_space<vmem>>
    tpu.wait_dma2 semaphore(%arg25 : memref<!tpu.dma_semaphore, #tpu.memory_space<semaphore_mem>>) src(%dma_wait3A_181 : memref<64x128xf32, #tpu.memory_space<vmem>>) dst(%dma_wait3A_177 : memref<64x128xf32, #tpu.memory_space<hbm>>)
    return
  }
}

module attributes {stable_mosaic.version = 14 : i64} {
  func.func @_ctx_body(%arg0: i32, %arg1: memref<16x128xf32, #tpu.memory_space<vmem>>, %arg2: memref<8192x128xf32, #tpu.memory_space<vmem>>) attributes {dimension_semantics = [#tpu.dimension_semantics<arbitrary>], iteration_bounds = array<i64: 8>, scalar_prefetch = 0 : i64, scratch_operands = 0 : i64, tpu.core_type = #tpu.core_type<tc>, window_params = [{pipeline_mode = #tpu.pipeline_mode<synchronous>, transform_indices = @transform_0, window_bounds = array<i64: 16, 128>}, {transform_indices = @transform_1, window_bounds = array<i64: 8192, 128>}]} {
    %mul3A = arith.constant 2 : i32
    %mul3A_0 = arith.muli %arg0, %mul3A : i32
    %add3A = arith.constant 0 : i32
    %add3A_1 = arith.addi %mul3A_0, %add3A : i32
    %get3A = arith.index_cast %add3A_1 : i32 to index
    %get3A_2 = arith.constant 0 : index
    %get3A_3 = vector.load %arg1[%get3A, %get3A_2] : memref<16x128xf32, #tpu.memory_space<vmem>>, vector<1x128xf32>
    %broadcast_in_dim3A = vector.shape_cast %get3A_3 : vector<1x128xf32> to vector<1x128xf32>
    %broadcast_in_dim3A_4 = vector.broadcast %broadcast_in_dim3A : vector<1x128xf32> to vector<4096x128xf32>
    %swap3A = arith.constant 0 : index
    %swap3A_5 = arith.constant 0 : index
    %swap3A_6 = vector.load %arg2[%swap3A, %swap3A_5] : memref<8192x128xf32, #tpu.memory_space<vmem>>, vector<4096x128xf32>
    tpu.vector_store %arg2[%swap3A, %swap3A_5], %broadcast_in_dim3A_4 {strides = array<i32>} : memref<8192x128xf32, #tpu.memory_space<vmem>>, vector<4096x128xf32>,
    %mul3A_7 = arith.constant 2 : i32
    %mul3A_8 = arith.muli %arg0, %mul3A_7 : i32
    %add3A_9 = arith.constant 1 : i32
    %add3A_10 = arith.addi %mul3A_8, %add3A_9 : i32
    %get3A_11 = arith.index_cast %add3A_10 : i32 to index
    %get3A_12 = arith.constant 0 : index
    %get3A_13 = vector.load %arg1[%get3A_11, %get3A_12] : memref<16x128xf32, #tpu.memory_space<vmem>>, vector<1x128xf32>
    %broadcast_in_dim3A_14 = vector.shape_cast %get3A_13 : vector<1x128xf32> to vector<1x128xf32>
    %broadcast_in_dim3A_15 = vector.broadcast %broadcast_in_dim3A_14 : vector<1x128xf32> to vector<4096x128xf32>
    %swap3A_16 = arith.constant 4096 : index
    %swap3A_17 = arith.constant 0 : index
    %swap3A_18 = vector.load %arg2[%swap3A_16, %swap3A_17] : memref<8192x128xf32, #tpu.memory_space<vmem>>, vector<4096x128xf32>
    tpu.vector_store %arg2[%swap3A_16, %swap3A_17], %broadcast_in_dim3A_15 {strides = array<i32>} : memref<8192x128xf32, #tpu.memory_space<vmem>>, vector<4096x128xf32>,
    return
  }
  func.func @transform_0(%arg0: i32) -> (i32, i32) {
    %c0_i32 = arith.constant 0 : i32
    %c0_i32_0 = arith.constant 0 : i32
    %c0_i32_1 = arith.constant 0 : i32
    return %c0_i32, %c0_i32_0 : i32, i32
  }
  func.func @transform_1(%arg0: i32) -> (i32, i32) {
    %c0_i32 = arith.constant 0 : i32
    %c0_i32_0 = arith.constant 0 : i32
    return %arg0, %c0_i32 : i32, i32
  }
}

</mosaic_0001>

<sc_bundles>
// kernel: kernel.4.cloned.1.call-start
scs
__scs_entry_jumppad:
0x0: {  	(pc) =	sbr.rel $0x88, $3  }
0x1: {  	(tag) =	ssettag $0x0;
	lr =	simm.s32 $0x1  }
0x2: {  	[smem:$0x3F9E] =	sst lr;
	_ =	strace $0xD0000000  }
0x3: {  	_ = 	snop  }
0x4: {  	_ = 	snop  }
0x5: {  	_ = 	snop  }
0x6: {  	_ = 	snop  }
0x7: {  	_ = 	snop  }
__scs_overlays_trampoline_lowered:
0x8: {  	[smem:$0x3FAD] =	sst s0  }
0x9: {  	[smem:$0x3FAE] =	sst s1  }
0xa: {  	[smem:$0x3FAF] =	sst s2  }
0xb: {  	[smem:$0x3FB0] =	sst s3  }
0xc: {  	[smem:$0x3FB1] =	sst s4  }
0xd: {  	[smem:$0x3FB2] =	sst s5  }
0xe: {  	[smem:$0x3FB3] =	sst s6  }
0xf: {  	[smem:$0x3FB4] =	sst s7  }
0x10: {  	[smem:$0x3FB5] =	sst s8  }
0x11: {  	[smem:$0x3FB6] =	sst s9;
	s0 =	simm.s32 @!p0 $0x0  }
0x12: {  	s1 =	sld [smem:$0x3F9C];
	s0 =	simm.s32 @p0 $0x1  }
0x13: {  	[smem:$0x3FB7] =	sst s0;
	s0 =	simm.s32 @!p1 $0x0  }
0x14: {  	s2 =	sld [smem:$0x3F9B];
	s0 =	simm.s32 @p1 $0x1  }
0x15: {  	[smem:$0x3FB8] =	sst s0;
	s0 =	simm.s32 @!p2 $0x0  }
0x16: {  	s3 =	sld [smem:$0x3FDB];
	s0 =	simm.s32 @p2 $0x1  }
0x17: {  	s4 =	simm.s32 $0x1BF5;
	[smem:$0x3FBA] =	sst s0  }
0x18: {  	s0 =	sld [smem:$0x3F9D];
	_ =	swait.ge [sflag:s4], $0x0  }
0x19: {  	s7 =	sld [smem:$0x3F9E]  }
0x1a: {  	s8 =	sadd.s32 $0xFFFFE003, lr  }
0x1b: {  	s9 =	sadd.s32 $0xFFFFFEF7, lr;
	s5 =	simm.s32 $0xFFFFFFFF;
	p2 =	slt.u32 s8, $0xFFFFF086  }
0x1c: {  	p1 =	slt.u32 s9, $0xF7A;
	s5 =	simm.s32 @!p2 $0x0  }
0x1d: {  	s5 =	simm.s32 @p1 $0x1;
	p0 =	seq.s32 s7, s2  }
0x1e: {  	s7 =	smul.u32 @!p0 $0xF7A, s2;
	p2 =	seq.s32 @!p0 s5, $0x0  }
0x1f: {  	s9 =	smul.u32 $0xF7A, s1;
	s8 =	simm.s32 @!p0 $0x1BF5;
	p2 =	por !p2, p0  }
0x20: {  	[sflag:s8] =	ssyncset.s32 @!p0 $0xFFFFF086;
	s6 =	sadd.s32 @!p0 s3, s7;
	s7 =	simm.s32 @!p0 $0x108  }
0x21: {  	s3 =	sadd.s32 s3, s9;
	s6 =	sadd.s32 @!p0 $0x88, s6;
	s7 =	simm.s32 @p2 $0x1082  }
0x22: {  	[simem:s7], [sflag:s8] =	dma.local @!p0 [hbm:s6], $0xF7A  }
0x23: {  	s9 =	sor.u32 $0xD0000000, s2;
	s6 =	simm.s32 $0x108;
	_ =	swait.ge @!p0 [sflag:s8], $0x0  }
0x24: {  	s3 =	sadd.s32 $0x88, s3;
	s6 =	simm.s32 @!p1 $0x1082;
	[sflag:s4] =	ssyncset.s32 $0xFFFFF086  }
0x25: {  	[simem:s6], [sflag:s4] =	dma.local [hbm:s3], $0xF7A  }
0x26: {  	[smem:$0x3F9E] =	sst s1;
	(tag) =	ssettag s2;
	_ =	strace s9  }
0x27: {  	s1 =	sld [smem:$0x3FAE]  }
0x28: {  	s2 =	sld [smem:$0x3FAF]  }
0x29: {  	s4 =	sld [smem:$0x3FB1]  }
0x2a: {  	p0 =	seq.s32 s5, $0x0;
	s5 =	sld [smem:$0x3FB2]  }
0x2b: {  	s6 =	sld [smem:$0x3FB3]  }
0x2c: {  	s7 =	sld [smem:$0x3FB4]  }
0x2d: {  	s3 =	simm.s32 $0x108;
	s8 =	sld [smem:$0x3FB5]  }
0x2e: {  	s3 =	simm.s32 @!p0 $0x1082;
	s9 =	sld [smem:$0x3FB6]  }
0x2f: {  	lr =	sadd.s32 s0, s3;
	s0 =	sld [smem:$0x3FAD]  }
0x30: {  	s3 =	sld [smem:$0x3FB0]  }
0x31: {  	[smem:$0x3FB9] =	sst s10  }
0x32: {  	s10 =	sld [smem:$0x3FB7];
	_ =	sdelay $0x3  }
0x33: {  	p0 =	seq.s32 s10, $0x1;
	s10 =	sld [smem:$0x3FB9];
	_ =	sdelay $0x3  }
0x34: {  	[smem:$0x3FB9] =	sst s10  }
0x35: {  	s10 =	sld [smem:$0x3FB8];
	_ =	sdelay $0x3  }
0x36: {  	p1 =	seq.s32 s10, $0x1;
	s10 =	sld [smem:$0x3FB9];
	_ =	sdelay $0x3  }
0x37: {  	[smem:$0x3FB9] =	sst s10  }
0x38: {  	s10 =	sld [smem:$0x3FBA]  }
0x39: {  	_ = 	snop;
	(pc) =	sbr.ind lr, $3  }
0x3a: {  	_ = 	snop  }
0x3b: {  	_ = 	snop  }
0x3c: {  	p2 =	seq.s32 s10, $0x1;
	s10 =	sld [smem:$0x3FB9]  }
0x3d: {  	_ =	shalt  }
0x3e: {  	_ =	shalt  }
0x3f: {  	_ =	shalt  }
0x40: {  	_ =	shalt  }
0x41: {  	_ =	shalt  }
0x42: {  	_ =	shalt  }
0x43: {  	_ =	shalt  }
0x44: {  	_ =	shalt  }
0x45: {  	_ =	shalt  }
0x46: {  	_ =	shalt  }
0x47: {  	_ =	shalt  }
0x48: {  	_ =	shalt  }
0x49: {  	_ =	shalt  }
0x4a: {  	_ =	shalt  }
0x4b: {  	_ =	shalt  }
0x4c: {  	_ =	shalt  }
0x4d: {  	_ =	shalt  }
0x4e: {  	_ =	shalt  }
0x4f: {  	_ =	shalt  }
0x50: {  	_ =	shalt  }
0x51: {  	_ =	shalt  }
0x52: {  	_ =	shalt  }
0x53: {  	_ =	shalt  }
0x54: {  	_ =	shalt  }
0x55: {  	_ =	shalt  }
0x56: {  	_ =	shalt  }
0x57: {  	_ =	shalt  }
0x58: {  	_ =	shalt  }
0x59: {  	_ =	shalt  }
0x5a: {  	_ =	shalt  }
0x5b: {  	_ =	shalt  }
0x5c: {  	_ =	shalt  }
0x5d: {  	_ =	shalt  }
0x5e: {  	_ =	shalt  }
0x5f: {  	_ =	shalt  }
0x60: {  	_ =	shalt  }
0x61: {  	_ =	shalt  }
0x62: {  	_ =	shalt  }
0x63: {  	_ =	shalt  }
0x64: {  	_ =	shalt  }
0x65: {  	_ =	shalt  }
0x66: {  	_ =	shalt  }
0x67: {  	_ =	shalt  }
0x68: {  	_ =	shalt  }
0x69: {  	_ =	shalt  }
0x6a: {  	_ =	shalt  }
0x6b: {  	_ =	shalt  }
0x6c: {  	_ =	shalt  }
0x6d: {  	_ =	shalt  }
0x6e: {  	_ =	shalt  }
0x6f: {  	_ =	shalt  }
0x70: {  	_ =	shalt  }
0x71: {  	_ =	shalt  }
0x72: {  	_ =	shalt  }
0x73: {  	_ =	shalt  }
0x74: {  	_ =	shalt  }
0x75: {  	_ =	shalt  }
0x76: {  	_ =	shalt  }
0x77: {  	_ =	shalt  }
0x78: {  	_ =	shalt  }
0x79: {  	_ =	shalt  }
0x7a: {  	_ =	shalt  }
0x7b: {  	_ =	shalt  }
0x7c: {  	_ =	shalt  }
0x7d: {  	_ =	shalt  }
0x7e: {  	_ =	shalt  }
0x7f: {  	_ =	shalt  }
0x80: {  	_ =	shalt  }
0x81: {  	_ =	shalt  }
0x82: {  	_ =	shalt  }
0x83: {  	_ =	shalt  }
0x84: {  	_ =	shalt  }
0x85: {  	_ =	shalt  }
0x86: {  	_ =	shalt  }
0x87: {  	_ =	shalt  }
.Lfunc_end0:
.L_simem_size_0:
called_computation_lowered:
.L_overlay_start_0:
0x88: {  	s2 =	sld [smem:$0x3FD9]  }
0x89: {  	s3 =	sld [smem:$0x3FFE];
	_ =	sdelay $0x1  }
0x8a: {  	s1 =	srdreg.scid  }
0x8b: {  	s0 =	sand.u32 $0x1, s1  }
0x8c: {  	s14 =	sshll.u32 s0, $0xA;
	s2 =	sadd.s32 s3, s2  }
0x8d: {  	s2 =	sadd.s32 s2, s14  }
0x8e: {  	[smem:$0x3FC5] =	sst s2  }
0x8f: {  	_ = 	snop  }
0x90: {  	s2 =	sld [smem:$0x3FD0];
	_ =	sdelay $0x2  }
0x91: {  	s4 =	simm.s32 $0xA;
	s5 =	simm.s32 $0x10;
	s15 =	sld [smem:$0x3FC8]  }
0x92: {  	[smem:s5], [sflag:s4] =	dma.local [hbm:s2], $0x1  }
0x93: {  	_ =	swait.eq [sflag:s4], $0x1  }
0x94: {  	[sflag:s4] =	ssyncset.done $0x0  }
0x95: {  	[sflag:s4] =	ssyncadd.s32 $0xFFFFFFFF  }
0x96: {  	s16 =	sld [smem:$0x11];
	(tm) =	ssettm $0x1  }
0x97: {  	s17 =	sld [smem:$0x3FFB];
	_ =	sdelay $0x3  }
0x98: {  	_ =	strace s17  }
0x99: {  	s4 =	sld [smem:$0x3FFC];
	_ =	sdelay $0x3  }
0x9a: {  	_ =	strace s4  }
0x9b: {  	s4 =	sld [smem:$0x3FFD];
	_ =	sdelay $0x3  }
0x9c: {  	_ =	strace s4  }
0x9d: {  	_ =	strace $0x8FFFFFFF  }
0x9e: {  	s18 =	sld [smem:$0x3FDB];
	_ =	sdelay $0x1  }
0x9f: {  	s19 =	simm.s32 $_scs_section_size  }
0xa0: {  	s6 =	simm.s32 $_size__tile_overlayer_lowered;
	s7 =	simm.s32 $_tile_overlayer_lowered  }
0xa1: {  	s22 =	simm.s32 $0x1BFF;
	s21 =	sshll.u32 s7, $0x1;
	s4 =	sadd.s32 s19, s18  }
0xa2: {  	s8 =	simm.s32 $0x0;
	s20 =	sshll.u32 s6, $0x1;
	s6 =	sadd.s32 s21, s4  }
0xa3: {  	[timem:s8], [sflag:s22] =	dma.local [hbm:s6], s20  }
0xa4: {  	_ =	swait.ge [sflag:s22], s20  }
0xa5: {  	s5 =	ssub.s32 $0x0, s20;
	[sflag:s22] =	ssyncset.done $0x0  }
0xa6: {  	[sflag:s22] =	ssyncadd.s32 s5;
	_ =	sdelay $0x1  }
0xa7: {  	s23 =	simm.s32 $0x1B8B  }
0xa8: {  	_ =	swait.ge [sflag:s23], $0x1  }
0xa9: {  	[sflag:s23] =	ssyncset.done $0x0  }
0xaa: {  	s25 =	simm.s32 $0x1B8E;
	s24 =	sld [smem:$0x3FFE];
	[sflag:s23] =	ssyncadd.s32 $0xFFFFFFFF  }
0xab: {  	s26 =	simm.s32 $execute0_lowered;
	[smem:$0x3FD2] =	sst s25  }
0xac: {  	s6 =	sshll.u32 s26, $0x1;
	_ =	strace $0x80000046;
	[dreg:$0x1] =	wrdreg $0xFFFFFFFF  }
0xad: {  	s28 =	simm.s32 $_size_execute0_lowered;
	s4 =	sadd.s32 s4, s6;
	[dreg:$0x0] =	wrdreg $0x0  }
0xae: {  	s6 =	sshll.u32 s28, $0x1;
	[dreg:$0x2] =	wrdreg s4  }
0xaf: {  	[dreg:$0x3] =	wrdreg s6  }
0xb0: {  	[dreg:$0x4] =	wrdreg $0xC0  }
0xb1: {  	_ =	task [dreg:s8], $0x5FFFF  }
0xb2: {  	[dreg:$0x1] =	wrdreg $0xFFFFFFFF  }
0xb3: {  	[dreg:$0x0] =	wrdreg $0x60  }
0xb4: {  	[dreg:$0x2] =	wrdreg s15  }
0xb5: {  	[dreg:$0x3] =	wrdreg s24  }
0xb6: {  	[dreg:$0x4] =	wrdreg s16  }
0xb7: {  	[dreg:$0x5] =	wrdreg $0x9  }
0xb8: {  	_ =	task.clear_ibuf [dreg:s8], $0x6FFFF;
	_ =	strace $0x90000046  }
0xb9: {  	s29 =	simm.s32 $0x9;
	_ =	strace $0x80000048  }
0xba: {  	_ =	swait.ge [sflag:s29], $0x1  }
0xbb: {  	[sflag:s29] =	ssyncadd.s32 $0xFFFFFFFF  }
0xbc: {  	_ =	strace $0x90000048  }
0xbd: {  	_ =	sfence  }
0xbe: {  	s30 =	sld [smem:$0x0];
	_ =	sdelay $0x2  }
0xbf: {  	s31 =	sshll.u32 s1, $0xD;
	s1 =	sshrl.u32 s1, $0x2  }
0xc0: {  	s3 =	sand.u32 $0x4000, s31;
	s1 =	sadd.s32 s1, s30  }
0xc1: {  	s0 =	sor.u32 s3, s0;
	s1 =	sshll.u32 s1, $0x11  }
0xc2: {  	s0 =	sor.u32 s1, s0  }
0xc3: {  	s0 =	sadd.s32 $0x8F2B, s0  }
0xc4: {  	[sflag:s0] =	ssyncadd.remote.s32 $0x1  }
0xc5: {  	_ =	sfence.sel $0xFFFF  }
0xc6: {  	[dreg:$0x0] =	wrdreg $0xFFFFFFFF;
	(pc) =	sbr.abs _section_cstart, $3  }
0xc7: {  	[dreg:$0x1] =	wrdreg $0xFFFFFFFF  }
0xc8: {  	_ =	task.clear_ibuf [dreg:s8], $0x2FFFF;
	_ =	strace $0x9FFFFFFF  }
0xc9: {  	(tm) =	ssettm $0x7FFFFFFF  }
tec
execute0_lowered:
.L_overlay_start_1:
0x0: {  	(tag) =	ssettag $0x1  }
0x1: {  	s0 =	srdreg.scid  }
0x2: {  	s2 =	stileid.u32;
	s3 =	rddreg [dreg:$0x1];
	s4 =	simm.s32 $0x1  }
0x3: {  	s6 =	simm.s32 $0x0;
	s23 =	simm.s32 $0x2080;
	s24 =	simm.s32 $0x2100  }
0x4: {  	s25 =	simm.s32 $0x2180;
	s26 =	simm.s32 $0x2200;
	[smem:$0x7FF] =	sst s6  }
0x5: {  	s28 =	simm.s32 $0x2280;
	_ =	strace $0x80000047;
	[dreg:$0x5] =	wrdreg s23  }
0x6: {  	s29 =	simm.s32 $0x2300;
	s0 =	sand.u32 $0x1, s0;
	[dreg:$0x6] =	wrdreg s24  }
0x7: {  	s30 =	simm.s32 $0x2380;
	s1 =	sshll.u32 s0, $0x4;
	[dreg:$0x7] =	wrdreg s25  }
0x8: {  	[dreg:$0x8] =	wrdreg s26;
	s1 =	sor.u32 s2, s1;
	s2 =	sand.u32 $0x1, s2  }
0x9: {  	[dreg:$0x9] =	wrdreg s28;
	p0 =	seq.s32 s1, $0x0;
	p1 =	seq.s32 s2, $0x1  }
0xa: {  	s31 =	simm.s32 $0x2400;
	[dreg:$0xa] =	wrdreg s29;
	p0 =	por !p0, !p1  }
0xb: {  	s0 =	ssub.s32 $0x2, s0;
	[dreg:$0xb] =	wrdreg s30;
	p0 =	por !p0, !p0  }
0xc: {  	[dreg:$0xc] =	wrdreg s31;
	s1 =	sshrl.u32 s1, $0x1;
	s4 =	simm.s32 @!p0 $0x0  }
0xd: {  	s21 =	sshrl.u32 s0, $0x1;
	s22 =	sshll.u32 s2, $0xB;
	s1 =	ssub.s32 s1, s4  }
0xe: {  	s0 =	ssub.s32 s0, s21;
	s4 =	sshll.u32 s1, $0xC;
	s1 =	sshll.u32 s1, $0x7  }
0xf: {  	v0 =	vlaneseq.u32;
	vm1 =	vcmask $0x704;
	s2 =	sshll.u32 s2, $0xA;
	s5 =	sand.u32 $0xFFFF8000, s4;
	s1 =	sand.u32 $0x380, s1  }
0x10: {  	vm2 =	vcmask $0xB08;
	vm3 =	vcmask $0xF0C;
	vm4 =	vcmask $0x1310;
	s0 =	smax.u32 s0, $0x1;
	[dreg:$0x4] =	wrdreg s2;
	s1 =	sor.u32 s1, s5  }
0x11: {  	vm5 =	vcmask $0x1714;
	vm6 =	vcmask $0x1B18;
	vm7 =	vcmask $0x1F1C;
	s15 =	smov.u32 s22;
	[dreg:$0x10] =	wrdreg s0;
	s1 =	sshrl.u32 s1, $0x3  }
0x12: {  	vm8 =	vcmask $0x2320;
	vm9 =	vcmask $0x2724;
	vm10 =	vcmask $0x2B28;
	[dreg:$0xd] =	wrdreg s15;
	s7 =	sor.u32 s22, s4;
	s1 =	sadd.s32 s1, s3  }
0x13: {  	vm11 =	vcmask $0x2F2C;
	vm12 =	vcmask $0x3330;
	vm13 =	vcmask $0x3734;
	[dreg:$0xe] =	wrdreg s7;
	s1 =	sadd.s32 $0x600, s1  }
0x14: {  	vm14 =	vcmask $0x3B38;
	v2 =	vor.u32 $0x10, v0;
	s2 =	simm.s32 $0x0;
	v1 =	vmov s4;
	[dreg:$0xf] =	wrdreg s1  }
.LBB2_1:
0x15: {  	[dreg:$0x11] =	wrdreg s2  }
0x16: {  	s0 =	rddreg [dreg:$0xf]  }
0x17: {  	s1 =	simm.s32 $0x80;
	s28 =	simm.s32 $0x400;
	s29 =	simm.s32 $0x1  }
0x18: {  	[tilespmem:s6], [sflag:$0x1] =	stream.strided.gather [hbm4b:s0+s1], $0x1000, s28, s1, $0x38;
	[tilespmem:$0x12480] =	vst v63  }
0x19: {  	_ =	swait.ge [sflag:s29], $0x1000  }
0x1a: {  	[sflag:s29] =	ssyncset.done $0x0  }
0x1b: {  	s0 =	simm.s32 $0x20;
	[sflag:s29] =	ssyncadd.s32 $0xFFFFF000  }
0x1c: {  	v6 =	vld [tilespmem:s0+$0xFFFFFFF0]  }
0x1d: {  	v8 =	vld [tilespmem:s0+$0xFFFFFFE0]  }
0x1e: {  	v10 =	vld [tilespmem:s0+$0x0];
	_ =	sdelay $0x2  }
0x1f: {  	v4 =	vor.u32 s6, v0;
	s30 =	simm.s32 $0x10;
	v5 =	vld [tilespmem:s0+$0x10]  }
0x20: {  	v3 =	vor.u32 s30, v0;
	v7 =	vshll.u32 v6, $0x4;
	vm0 =	vgt.s32 v6, $0x0  }
0x21: {  	s31 =	simm.s32 $0x20;
	v11 =	vshll.u32 v8, $0x4;
	vm15 =	vgt.s32 v8, $0x0;
	v8 =	vshll.u32 v10, $0x4  }
0x22: {  	v6 =	vor.u32 s31, v0;
	v9 =	vmpcnt.ones.xlane vm0;
	v13 =	vmpcnt.ones.xlane vm15  }
0x23: {  	v12 =	vsub.s32 v2, v11;
	v8 =	vsub.s32 v2, v8;
	vm15 =	vgt.s32 v10, $0x0  }
0x24: {  	s3 =	simm.s32 $0x40;
	s2 =	simm.s32 $0x0;
	s1 =	simm.s32 $0x0;
	v10 =	vshll.u32 v5, $0x4;
	v11 =	vmpcnt.ones.xlane vm15;
	(v2sf) =	vpush v13, $0x0  }
.LBB2_2:
0x25: {  	p0 =	sne.s32 s3, $0xFC0  }
0x26: {  	v12 =	vxor.u32 $0x80000000, v12;
	v7 =	vsub.s32 v2, v7;
	s0 =	sadd.s32 $0x40, s0;
	(v2sf) =	vpush v9, $0x0;
	s4 =	smov.u32 s3;
	s3 =	sadd.s32 $0x40, s3  }
0x27: {  	v8 =	vxor.u32 $0x80000000, v8;
	v7 =	vxor.u32 $0x80000000, v7;
	(xrf1) =	vsort.ascd.msk.u32 $0xffff, v12, v4;
	(v2sf) =	vpush v11, $0x0  }
0x28: {  	s5 =	sadd.s32 $0x30, s1;
	vm15 =	vgt.s32 v5, $0x0;
	v4 =	vsub.s32 v2, v10;
	s1 =	smov.u32 s4;
	(xrf1) =	vsort.ascd.msk.u32 $0xffff, v7, v3  }
0x29: {  	v5 =	vmpcnt.ones.xlane vm15;
	v3 =	vor.u32 s5, v0;
	v4 =	vxor.u32 $0x80000000, v4;
	(xrf1) =	vsort.ascd.msk.u32 $0xffff, v8, v6  }
0x2a: {  	(xrf1) =	vsort.ascd.msk.u32 $0xffff, v4, v3  }
0x2b: {  	(v2sf) =	vpush v5, $0x0;
	_ =	sdelay $0x4  }
0x2c: {  	v4 =	vor.u32 s1, v0;
	_ =	sdelay $0x2  }
0x2d: {  	s4 =	sadd.s32 $0x10, s1  }
0x2e: {  	v3 =	vor.u32 s4, v0;
	s4 =	spop (v2sf)  }
0x2f: {  	_, v5, _ =	vpop (xrf1);
	s5 =	spop (v2sf)  }
0x30: {  	[tilespmem:s2+$0x1000] =	vst v5;
	s2 =	sadd.s32 s2, s4;
	_, v5, _ =	vpop (xrf1);
	s4 =	spop (v2sf)  }
0x31: {  	[tilespmem:s2+$0x1000] =	vst v5;
	s2 =	sadd.s32 s2, s5;
	_, v5, _ =	vpop (xrf1)  }
0x32: {  	[tilespmem:s2+$0x1000] =	vst v5;
	s2 =	sadd.s32 s2, s4;
	_, v5, _ =	vpop (xrf1)  }
0x33: {  	[tilespmem:s2+$0x1000] =	vst v5  }
0x34: {  	v6 =	vld [tilespmem:s0+$0xFFFFFFF0];
	s4 =	spop (v2sf)  }
0x35: {  	v8 =	vld [tilespmem:s0+$0xFFFFFFE0];
	s2 =	sadd.s32 s2, s4  }
0x36: {  	v10 =	vld [tilespmem:s0+$0x0];
	_ =	sdelay $0x1  }
0x37: {  	v5 =	vld [tilespmem:s0+$0x10]  }
.Ltmp0:
0x38: {  	s4 =	sadd.s32 $0x20, s1;
	v7 =	vshll.u32 v6, $0x4;
	vm15 =	vgt.s32 v6, $0x0;
	(pc) =	sbr.rel @p0 .LBB2_2-.Ltmp0, $4  }
0x39: {  	v11 =	vshll.u32 v8, $0x4;
	vm0 =	vgt.s32 v8, $0x0;
	v9 =	vmpcnt.ones.xlane vm15  }
0x3a: {  	v6 =	vor.u32 s4, v0;
	v13 =	vmpcnt.ones.xlane vm0;
	v8 =	vshll.u32 v10, $0x4  }
0x3b: {  	v12 =	vsub.s32 v2, v11;
	vm0 =	vgt.s32 v10, $0x0;
	v8 =	vsub.s32 v2, v8  }
0x3c: {  	v11 =	vmpcnt.ones.xlane vm0;
	v10 =	vshll.u32 v5, $0x4;
	(v2sf) =	vpush v13, $0x0  }
0x3d: {  	vm0 =	vgt.s32 v5, $0x0  }
0x3e: {  	(v2sf) =	vpush v9, $0x0;
	v5 =	vmpcnt.ones.xlane vm0  }
0x3f: {  	v63 =	vxor.u32 $0x80000000, v12;
	v7 =	vsub.s32 v2, v7;
	(v2sf) =	vpush v11, $0x0  }
0x40: {  	v7 =	vxor.u32 $0x80000000, v7;
	(xrf1) =	vsort.ascd.msk.u32 $0xffff, v63, v4;
	(v2sf) =	vpush v5, $0x0  }
0x41: {  	s0 =	sadd.s32 $0x30, s1;
	v4 =	vxor.u32 $0x80000000, v8;
	(xrf1) =	vsort.ascd.msk.u32 $0xffff, v7, v3;
	v5 =	vsub.s32 v2, v10  }
0x42: {  	v3 =	vor.u32 s0, v0;
	(xrf1) =	vsort.ascd.msk.u32 $0xffff, v4, v6;
	v5 =	vxor.u32 $0x80000000, v5  }
0x43: {  	(xrf1) =	vsort.ascd.msk.u32 $0xffff, v5, v3;
	_ =	sdelay $0x8  }
0x44: {  	s28 =	spop (v2sf)  }
0x45: {  	s29 =	spop (v2sf);
	s0 =	sadd.s32 s2, s28  }
0x46: {  	_, v3, _ =	vpop (xrf1);
	s3 =	spop (v2sf);
	s1 =	sadd.s32 s0, s29  }
0x47: {  	[tilespmem:s2+$0x1000] =	vst v3;
	_, v3, _ =	vpop (xrf1);
	s30 =	sadd.s32 s1, s3;
	s31 =	spop (v2sf)  }
0x48: {  	[tilespmem:s0+$0x1000] =	vst v3;
	_, v3, _ =	vpop (xrf1);
	s0 =	sadd.s32 s30, s31  }
0x49: {  	[tilespmem:s1+$0x1000] =	vst v3;
	_, v3, _ =	vpop (xrf1);
	p0 =	sne.s32 s0, $0x0;
	p1 =	sgt.s32 s0, $0x1  }
0x4a: {  	[tilespmem:s30+$0x1000] =	vst v3;
	s0 =	simm.s32 @!p1 $0x1;
	v3 =	vimm.s32 @!p0 $0x0  }
0x4b: {  	vm0 =	vcmask $0x300;
	[tilespmem:$0x1000] =	vst @!p0 v3;
	v3 =	vmov s0;
	s0 =	simm.s32 $0x0  }
.LBB2_4:
0x4c: {  	p0 =	seq.s32 s0, $0x0  }
0x4d: {  	[dreg:$0x12] =	wrdreg s0;
	s0 =	simm.s32 @!p0 $0xA  }
0x4e: {  	_ =	swait.ge @!p0 [sflag:s0], $0x2000  }
0x4f: {  	[sflag:s0] =	ssyncset.done @!p0 $0x0  }
0x50: {  	[sflag:s0] =	ssyncadd.s32 @!p0 $0xFFFFE000;
	s0 =	simm.s32 @!p0 $0xB  }
0x51: {  	_ =	swait.ge @!p0 [sflag:s0], $0x2000  }
0x52: {  	[sflag:s0] =	ssyncset.done @!p0 $0x0  }
0x53: {  	[sflag:s0] =	ssyncadd.s32 @!p0 $0xFFFFE000;
	s0 =	simm.s32 @!p0 $0xC  }
0x54: {  	_ =	swait.ge @!p0 [sflag:s0], $0x2000  }
0x55: {  	[sflag:s0] =	ssyncset.done @!p0 $0x0  }
0x56: {  	[sflag:s0] =	ssyncadd.s32 @!p0 $0xFFFFE000;
	s0 =	simm.s32 @!p0 $0xD  }
0x57: {  	_ =	swait.ge @!p0 [sflag:s0], $0x2000  }
0x58: {  	[sflag:s0] =	ssyncset.done @!p0 $0x0  }
0x59: {  	[sflag:s0] =	ssyncadd.s32 @!p0 $0xFFFFE000;
	s0 =	simm.s32 @!p0 $0xE  }
0x5a: {  	_ =	swait.ge @!p0 [sflag:s0], $0x2000  }
0x5b: {  	[sflag:s0] =	ssyncset.done @!p0 $0x0  }
0x5c: {  	[sflag:s0] =	ssyncadd.s32 @!p0 $0xFFFFE000;
	s0 =	simm.s32 @!p0 $0xF  }
0x5d: {  	_ =	swait.ge @!p0 [sflag:s0], $0x2000  }
0x5e: {  	[sflag:s0] =	ssyncset.done @!p0 $0x0  }
0x5f: {  	[sflag:s0] =	ssyncadd.s32 @!p0 $0xFFFFE000;
	s0 =	simm.s32 @!p0 $0x10  }
0x60: {  	_ =	swait.ge @!p0 [sflag:s0], $0x2000  }
0x61: {  	[sflag:s0] =	ssyncset.done @!p0 $0x0  }
0x62: {  	[sflag:s0] =	ssyncadd.s32 @!p0 $0xFFFFE000;
	s0 =	simm.s32 @!p0 $0x11  }
0x63: {  	_ =	swait.ge @!p0 [sflag:s0], $0x2000  }
0x64: {  	s0 =	rddreg [dreg:$0x4]  }
0x65: {  	s2 =	rddreg [dreg:$0x12]  }
0x66: {  	s0 =	sadd.s32 s2, s0  }
0x67: {  	[dreg:$0x18] =	wrdreg s0;
	s0 =	sand.u32 $0x600, s0  }
0x68: {  	[dreg:$0x13] =	wrdreg s0;
	s0 =	sor.u32 s15, s0  }
0x69: {  	v4 =	vor.u32 s0, v0  }
0x6a: {  	(v2sf) =	vpush v4, $0x0  }
0x6b: {  	(v2sf) =	vpush v3, $0x0  }
0x6c: {  	(v2sf) =	vpush v4, $0xF;
	_ =	sdelay $0x1  }
0x6d: {  	(v2sf) =	vpush v3, $0xF;
	_ =	sdelay $0x7  }
0x6e: {  	(v2sf) =	vpush v4, $0x1;
	_ =	sdelay $0x2  }
0x6f: {  	s12 =	spop (v2sf);
	(v2sf) =	vpush v3, $0x1  }
0x70: {  	s23 =	spop (v2sf);
	(v2sf) =	vpush v4, $0x2  }
0x71: {  	s3 =	spop (v2sf);
	(v2sf) =	vpush v3, $0x2  }
0x72: {  	(v2sf) =	vpush v4, $0x3  }
0x73: {  	(drf) =	srem.u32 s12, s23;
	s22 =	spop (v2sf);
	(v2sf) =	vpush v3, $0x3  }
0x74: {  	(drf) =	srem.u32 s3, s22;
	(v2sf) =	vpush v4, $0x4  }
0x75: {  	(v2sf) =	vpush v3, $0x4  }
0x76: {  	(v2sf) =	vpush v4, $0x5  }
0x77: {  	(v2sf) =	vpush v3, $0x5  }
0x78: {  	(v2sf) =	vpush v4, $0x6  }
0x79: {  	(v2sf) =	vpush v3, $0x6  }
0x7a: {  	(v2sf) =	vpush v4, $0x7  }
0x7b: {  	s4 =	spop (v2sf);
	(v2sf) =	vpush v3, $0x7  }
0x7c: {  	s2 =	spop (drf);
	(v2sf) =	vpush v4, $0x8  }
0x7d: {  	s3 =	spop (drf);
	(v2sf) =	vpush v3, $0x8  }
0x7e: {  	s19 =	spop (v2sf);
	(v2sf) =	vpush v4, $0x9  }
0x7f: {  	s5 =	spop (v2sf);
	(v2sf) =	vpush v3, $0x9  }
0x80: {  	s21 =	spop (v2sf);
	(v2sf) =	vpush v4, $0xA  }
0x81: {  	s6 =	spop (v2sf);
	(v2sf) =	vpush v3, $0xA  }
0x82: {  	s1 =	spop (v2sf)  }
0x83: {  	s7 =	spop (v2sf)  }
0x84: {  	s20 =	spop (v2sf)  }
0x85: {  	s8 =	spop (v2sf)  }
0x86: {  	s29 =	spop (v2sf)  }
0x87: {  	s9 =	spop (v2sf)  }
0x88: {  	(drf) =	srem.u32 s4, s19;
	s10 =	spop (v2sf)  }
0x89: {  	(drf) =	srem.u32 s5, s21;
	s13 =	spop (v2sf)  }
0x8a: {  	(drf) =	srem.u32 s6, s1;
	s28 =	spop (v2sf)  }
0x8b: {  	(drf) =	srem.u32 s7, s20;
	s14 =	spop (v2sf)  }
0x8c: {  	(drf) =	srem.u32 s8, s29;
	s12 =	spop (v2sf);
	(v2sf) =	vpush v4, $0xB  }
0x8d: {  	(drf) =	srem.u32 s9, s10;
	s15 =	spop (v2sf);
	(v2sf) =	vpush v3, $0xB  }
0x8e: {  	(drf) =	srem.u32 s13, s28;
	s8 =	spop (v2sf);
	(v2sf) =	vpush v4, $0xC  }
0x8f: {  	(drf) =	srem.u32 s14, s12;
	s16 =	spop (v2sf);
	(v2sf) =	vpush v3, $0xC  }
0x90: {  	(drf) =	srem.u32 s15, s8;
	s17 =	spop (v2sf);
	(v2sf) =	vpush v4, $0xD  }
0x91: {  	s13 =	spop (drf);
	(drf) =	srem.u32 s16, s17;
	(v2sf) =	vpush v3, $0xD  }
0x92: {  	s18 =	sor.u32 $0x10, s0;
	s6 =	spop (drf);
	(v2sf) =	vpush v4, $0xE  }
0x93: {  	s9 =	spop (drf);
	v4 =	vor.u32 s18, v0;
	(v2sf) =	vpush v3, $0xE  }
0x94: {  	s25 =	spop (drf);
	(v2sf) =	vpush v4, $0x0  }
0x95: {  	s30 =	spop (drf);
	(v2sf) =	vpush v4, $0xF  }
0x96: {  	s31 =	spop (drf);
	(v2sf) =	vpush v4, $0x1  }
0x97: {  	s24 =	spop (drf);
	(v2sf) =	vpush v4, $0x2  }
0x98: {  	s26 =	spop (drf)  }
0x99: {  	(v2sf) =	vpush v4, $0x3;
	s5 =	spop (drf)  }
0x9a: {  	[dreg:$0x1c] =	wrdreg s23;
	(v2sf) =	vpush v4, $0x4;
	s7 =	spop (drf)  }
0x9b: {  	[dreg:$0x1d] =	wrdreg s22;
	s14 =	spop (v2sf)  }
0x9c: {  	[smem:$0x709] =	sst s26;
	s26 =	spop (v2sf)  }
0x9d: {  	[smem:$0x7B8] =	sst s1;
	s11 =	spop (v2sf)  }
0x9e: {  	(drf) =	srem.u32 s14, s26;
	s18 =	spop (v2sf)  }
0x9f: {  	[smem:$0x7BE] =	sst s17;
	s16 =	spop (v2sf)  }
0xa0: {  	[smem:$0x70A] =	sst s5;
	(v2sf) =	vpush v4, $0x5;
	s4 =	spop (v2sf)  }
0xa1: {  	(drf) =	srem.u32 s11, s18;
	s15 =	spop (v2sf)  }
0xa2: {  	(v2sf) =	vpush v4, $0x6;
	(drf) =	srem.u32 s16, s4;
	s5 =	spop (v2sf)  }
0xa3: {  	(drf) =	srem.u32 s15, s5;
	s16 =	spop (v2sf)  }
0xa4: {  	(v2sf) =	vpush v4, $0x7;
	(drf) =	srem.u32 s16, s23;
	s17 =	spop (v2sf)  }
0xa5: {  	(drf) =	srem.u32 s17, s22;
	s22 =	spop (v2sf)  }
0xa6: {  	[smem:$0x708] =	sst s24;
	(v2sf) =	vpush v4, $0x8;
	s23 =	spop (v2sf)  }
0xa7: {  	(drf) =	srem.u32 s22, s19;
	s16 =	spop (drf)  }
0xa8: {  	(v2sf) =	vpush v4, $0x9;
	(drf) =	srem.u32 s23, s21;
	s24 =	spop (v2sf)  }
0xa9: {  	(v2sf) =	vpush v4, $0xA;
	(drf) =	srem.u32 s24, s1;
	s1 =	spop (v2sf)  }
0xaa: {  	(v2sf) =	vpush v4, $0xB;
	s17 =	spop (drf)  }
0xab: {  	(v2sf) =	vpush v4, $0xC;
	s15 =	spop (drf)  }
0xac: {  	[dreg:$0x1e] =	wrdreg s19;
	s14 =	spop (drf)  }
0xad: {  	(v2sf) =	vpush v4, $0xD;
	(drf) =	srem.u32 s1, s20;
	s1 =	spop (drf)  }
0xae: {  	[dreg:$0x1f] =	wrdreg s21;
	(v2sf) =	vpush v4, $0xE;
	s19 =	spop (drf)  }
0xaf: {  	[smem:$0x7B9] =	sst s20;
	s24 =	spop (v2sf)  }
0xb0: {  	[smem:$0x7B0] =	sst s10;
	v4 =	vmov s3;
	s20 =	spop (drf)  }
0xb1: {  	[smem:$0x70B] =	sst s7;
	v4 =	vsel vm0, s2, v4;
	s7 =	spop (v2sf)  }
0xb2: {  	v4 =	vsel vm1, s13, v4;
	s13 =	sor.u32 $0x20, s0;
	(drf) =	srem.u32 s24, s29;
	s21 =	spop (drf)  }
0xb3: {  	v5 =	vor.u32 s13, v0;
	(drf) =	srem.u32 s7, s10;
	s10 =	spop (v2sf)  }
0xb4: {  	(v2sf) =	vpush v5, $0x0;
	s7 =	sld [smem:$0x7BE];
	s22 =	spop (drf)  }
0xb5: {  	(drf) =	srem.u32 s10, s28;
	s11 =	spop (v2sf)  }
0xb6: {  	(v2sf) =	vpush v5, $0xF;
	s23 =	spop (drf);
	(drf) =	srem.u32 s11, s12  }
0xb7: {  	s24 =	spop (v2sf);
	s11 =	sld [smem:$0x708]  }
0xb8: {  	v4 =	vsel vm2, s6, v4;
	(v2sf) =	vpush v5, $0x1;
	s10 =	smov.u32 s0;
	(drf) =	srem.u32 s24, s8;
	s0 =	spop (v2sf)  }
0xb9: {  	v4 =	vsel vm3, s9, v4;
	(drf) =	srem.u32 s0, s7;
	s3 =	spop (v2sf)  }
0xba: {  	v4 =	vsel vm4, s25, v4;
	(drf) =	srem.u32 s3, s26;
	s6 =	spop (v2sf)  }
0xbb: {  	s25 =	smov.u32 s18;
	v4 =	vsel vm5, s30, v4;
	(drf) =	srem.u32 s6, s18;
	s18 =	sld [smem:$0x709]  }
0xbc: {  	v4 =	vsel vm6, s31, v4;
	v6 =	vmov s19;
	(v2sf) =	vpush v5, $0x2;
	s24 =	sld [smem:$0x70A];
	s9 =	spop (v2sf)  }
0xbd: {  	s31 =	sld [smem:$0x70B];
	v6 =	vsel vm0, s1, v6;
	(v2sf) =	vpush v5, $0x3;
	v4 =	vsel vm7, s11, v4;
	s13 =	spop (v2sf)  }
0xbe: {  	v6 =	vsel vm1, s20, v6;
	(v2sf) =	vpush v5, $0x4;
	s20 =	spop (drf);
	v4 =	vsel vm8, s18, v4  }
0xbf: {  	v6 =	vsel vm2, s21, v6;
	s30 =	spop (drf);
	v4 =	vsel vm9, s24, v4  }
0xc0: {  	(v2sf) =	vpush v5, $0x5;
	v6 =	vsel vm3, s22, v6;
	(drf) =	srem.u32 s9, s4;
	s0 =	spop (drf);
	v4 =	vsel vm10, s31, v4  }
0xc1: {  	(v2sf) =	vpush v5, $0x6;
	v6 =	vsel vm4, s23, v6;
	(drf) =	srem.u32 s13, s5;
	s1 =	spop (drf);
	v4 =	vsel vm11, s16, v4  }
0xc2: {  	(v2sf) =	vpush v5, $0x7;
	v6 =	vsel vm5, s20, v6;
	s6 =	spop (drf);
	v4 =	vsel vm12, s17, v4  }
0xc3: {  	(v2sf) =	vpush v5, $0x8;
	v6 =	vsel vm6, s30, v6;
	s16 =	spop (v2sf);
	v4 =	vsel vm13, s15, v4  }
0xc4: {  	(v2sf) =	vpush v5, $0x9;
	v6 =	vsel vm7, s0, v6;
	s9 =	spop (drf);
	v4 =	vsel vm14, s14, v4  }
0xc5: {  	v6 =	vsel vm8, s1, v6;
	s21 =	spop (v2sf)  }
0xc6: {  	(v2sf) =	vpush v5, $0xA;
	s0 =	simm.s32 @!p0 $0x11;
	v6 =	vsel vm9, s6, v6;
	s11 =	spop (drf)  }
0xc7: {  	(v2sf) =	vpush v5, $0xB;
	[sflag:s0] =	ssyncset.done @!p0 $0x0;
	v6 =	vsel vm10, s9, v6;
	s22 =	spop (v2sf)  }
0xc8: {  	[sflag:s0] =	ssyncadd.s32 @!p0 $0xFFFFE000;
	s17 =	simm.s32 $0x1000;
	s13 =	spop (drf);
	v6 =	vsel vm11, s11, v6  }
0xc9: {  	s14 =	spop (drf);
	v6 =	vsel vm12, s13, v6;
	v4 =	vld.idx.msk [tilespmem:v4+s17+$0x0], $0xffff  }
0xca: {  	s31 =	rddreg [dreg:$0x1d];
	s15 =	spop (drf);
	v6 =	vsel vm13, s14, v6  }
0xcb: {  	s23 =	spop (v2sf);
	(v2sf) =	vpush v5, $0xC;
	s13 =	sld [smem:$0x7B8];
	v6 =	vsel vm14, s15, v6  }
0xcc: {  	s24 =	spop (v2sf);
	s14 =	rddreg [dreg:$0x1f]  }
0xcd: {  	(v2sf) =	vpush v5, $0xD;
	s1 =	spop (v2sf);
	s17 =	rddreg [dreg:$0x1c]  }
0xce: {  	s19 =	smov.u32 s4;
	s15 =	rddreg [dreg:$0x1e];
	(drf) =	srem.u32 s16, s17;
	v4 =	vadd.s32 v1, v4  }
0xcf: {  	s20 =	simm.s32 $0x1000;
	(v2sf) =	vpush v5, $0xE;
	s4 =	spop (v2sf);
	(drf) =	srem.u32 s21, s31;
	[tilespmem:$0x2080] =	vst v4  }
0xd0: {  	s9 =	spop (v2sf);
	(drf) =	srem.u32 s22, s15;
	v4 =	vld.idx.msk [tilespmem:v6+s20+$0x0], $0xffff  }
0xd1: {  	s11 =	spop (v2sf);
	s16 =	sld [smem:$0x7B9]  }
0xd2: {  	s21 =	spop (v2sf);
	(drf) =	srem.u32 s23, s14  }
0xd3: {  	(drf) =	srem.u32 s24, s13;
	s24 =	spop (v2sf)  }
0xd4: {  	(drf) =	srem.u32 s1, s16;
	s1 =	sld [smem:$0x7B0]  }
0xd5: {  	s23 =	sor.u32 $0x30, s10;
	(drf) =	srem.u32 s4, s29;
	s4 =	spop (v2sf);
	v4 =	vadd.s32 v1, v4  }
0xd6: {  	s6 =	spop (v2sf);
	[tilespmem:$0x2090] =	vst v4;
	v4 =	vor.u32 s23, v0  }
0xd7: {  	(drf) =	srem.u32 s9, s1;
	s2 =	spop (drf);
	(v2sf) =	vpush v4, $0x0  }
0xd8: {  	s18 =	smov.u32 s5;
	(drf) =	srem.u32 s11, s28;
	s5 =	spop (drf);
	(v2sf) =	vpush v4, $0xF  }
0xd9: {  	(drf) =	srem.u32 s21, s12;
	s3 =	spop (drf);
	(v2sf) =	vpush v4, $0x1  }
0xda: {  	(drf) =	srem.u32 s24, s8;
	s24 =	spop (v2sf);
	(v2sf) =	vpush v4, $0x2  }
0xdb: {  	s30 =	spop (drf);
	(v2sf) =	vpush v4, $0x3  }
0xdc: {  	(drf) =	srem.u32 s4, s7;
	s4 =	spop (v2sf);
	(v2sf) =	vpush v4, $0x4  }
0xdd: {  	s20 =	spop (drf)  }
0xde: {  	(drf) =	srem.u32 s6, s26;
	s6 =	spop (v2sf)  }
0xdf: {  	s9 =	spop (drf)  }
0xe0: {  	s10 =	spop (drf)  }
0xe1: {  	s11 =	spop (drf)  }
0xe2: {  	s0 =	spop (drf)  }
0xe3: {  	[smem:$0x70C] =	sst s30;
	s30 =	smov.u32 s8;
	s8 =	spop (drf)  }
0xe4: {  	s23 =	smov.u32 s7;
	(drf) =	srem.u32 s24, s25;
	s7 =	spop (drf)  }
0xe5: {  	(drf) =	srem.u32 s4, s19;
	(v2sf) =	vpush v4, $0x5;
	s21 =	spop (drf)  }
0xe6: {  	(drf) =	srem.u32 s6, s18;
	s6 =	smov.u32 s18;
	(v2sf) =	vpush v4, $0x6;
	s18 =	spop (v2sf)  }
0xe7: {  	s4 =	smov.u32 s19;
	(v2sf) =	vpush v4, $0x7;
	(drf) =	srem.u32 s18, s17;
	s19 =	spop (v2sf)  }
0xe8: {  	(v2sf) =	vpush v4, $0x8;
	(drf) =	srem.u32 s19, s31;
	s24 =	spop (v2sf)  }
0xe9: {  	(drf) =	srem.u32 s24, s15;
	s17 =	spop (v2sf)  }
0xea: {  	(drf) =	srem.u32 s17, s14;
	s18 =	spop (v2sf)  }
0xeb: {  	(v2sf) =	vpush v4, $0x9;
	(drf) =	srem.u32 s18, s13;
	s19 =	spop (v2sf)  }
0xec: {  	(v2sf) =	vpush v4, $0xA;
	(drf) =	srem.u32 s19, s16  }
0xed: {  	s22 =	smov.u32 s29;
	s29 =	smov.u32 s12;
	s12 =	spop (drf)  }
0xee: {  	s13 =	spop (drf)  }
0xef: {  	(v2sf) =	vpush v4, $0xB;
	s14 =	spop (drf)  }
0xf0: {  	(v2sf) =	vpush v4, $0xC;
	s15 =	spop (drf)  }
0xf1: {  	(v2sf) =	vpush v4, $0xD;
	s16 =	spop (drf)  }
0xf2: {  	s24 =	sld [smem:$0x70C];
	(v2sf) =	vpush v4, $0xE;
	v4 =	vmov s5;
	s17 =	spop (drf)  }
0xf3: {  	v4 =	vsel vm0, s2, v4;
	s18 =	spop (drf)  }
0xf4: {  	v4 =	vsel vm1, s3, v4;
	s3 =	spop (v2sf)  }
0xf5: {  	v4 =	vsel vm2, s24, v4;
	(drf) =	srem.u32 s3, s22;
	s24 =	smov.u32 s22;
	s22 =	spop (v2sf)  }
0xf6: {  	v4 =	vsel vm3, s20, v4;
	(drf) =	srem.u32 s22, s1;
	s3 =	spop (v2sf)  }
0xf7: {  	v4 =	vsel vm4, s9, v4;
	(drf) =	srem.u32 s3, s28;
	s9 =	spop (v2sf)  }
0xf8: {  	(drf) =	srem.u32 s9, s29;
	s9 =	rddreg [dreg:$0x18]  }
0xf9: {  	s19 =	spop (drf);
	v4 =	vsel vm5, s10, v4;
	s3 =	sadd.s32 $0x40, s9  }
0xfa: {  	v5 =	vmov s17;
	s17 =	rddreg [dreg:$0xd];
	s5 =	spop (drf);
	v4 =	vsel vm6, s11, v4;
	s3 =	sand.u32 $0x640, s3  }
0xfb: {  	s20 =	smov.u32 s28;
	s28 =	spop (v2sf);
	v4 =	vsel vm7, s0, v4;
	s0 =	sor.u32 s17, s3  }
0xfc: {  	(drf) =	srem.u32 s28, s30;
	s11 =	spop (v2sf);
	v34 =	vor.u32 s0, v0  }
0xfd: {  	s2 =	spop (drf);
	(drf) =	srem.u32 s11, s23;
	(v2sf) =	vpush v34, $0x0  }
0xfe: {  	v5 =	vsel vm0, s16, v5;
	[dreg:$0x14] =	wrdreg s3;
	s16 =	spop (v2sf);
	(v2sf) =	vpush v34, $0xF  }
0xff: {  	v5 =	vsel vm1, s18, v5;
	v4 =	vsel vm8, s8, v4;
	(drf) =	srem.u32 s16, s26;
	s18 =	spop (v2sf)  }
0x100: {  	v5 =	vsel vm2, s19, v5;
	v4 =	vsel vm9, s7, v4;
	(v2sf) =	vpush v34, $0x1;
	(drf) =	srem.u32 s18, s25;
	s19 =	spop (v2sf)  }
0x101: {  	v5 =	vsel vm3, s5, v5;
	v4 =	vsel vm10, s21, v4;
	(drf) =	srem.u32 s19, s4;
	s28 =	spop (v2sf)  }
0x102: {  	v5 =	vsel vm4, s2, v5;
	v4 =	vsel vm11, s12, v4;
	s3 =	spop (drf);
	(v2sf) =	vpush v34, $0x2;
	(drf) =	srem.u32 s28, s6  }
0x103: {  	s11 =	smov.u32 s4;
	v4 =	vsel vm12, s13, v4;
	v5 =	vsel vm5, s3, v5;
	s4 =	spop (drf)  }
0x104: {  	v4 =	vsel vm13, s14, v4;
	(v2sf) =	vpush v34, $0x3;
	v5 =	vsel vm6, s4, v5;
	s5 =	spop (drf)  }
0x105: {  	s8 =	smov.u32 s6;
	v4 =	vsel vm14, s15, v4;
	(v2sf) =	vpush v34, $0x4;
	v5 =	vsel vm7, s5, v5;
	s6 =	spop (drf)  }
0x106: {  	(v2sf) =	vpush v34, $0x5;
	v5 =	vsel vm8, s6, v5;
	s7 =	spop (drf)  }
0x107: {  	v5 =	vsel vm9, s7, v5;
	s9 =	spop (drf)  }
0x108: {  	v5 =	vsel vm10, s9, v5;
	s12 =	spop (drf)  }
0x109: {  	s14 =	simm.s32 $0x1000;
	v5 =	vsel vm11, s12, v5;
	s13 =	spop (drf)  }
0x10a: {  	v4 =	vld.idx.msk [tilespmem:v4+s14+$0x0], $0xffff;
	v5 =	vsel vm12, s13, v5;
	s15 =	spop (drf)  }
0x10b: {  	(v2sf) =	vpush v34, $0x6;
	v5 =	vsel vm13, s15, v5;
	s17 =	spop (drf)  }
0x10c: {  	s9 =	rddreg [dreg:$0x1c];
	v5 =	vsel vm14, s17, v5;
	s18 =	spop (v2sf)  }
0x10d: {  	(v2sf) =	vpush v34, $0x7;
	(drf) =	srem.u32 s18, s9;
	s19 =	spop (v2sf)  }
0x10e: {  	(v2sf) =	vpush v34, $0x8;
	(drf) =	srem.u32 s19, s31  }
0x10f: {  	s28 =	rddreg [dreg:$0x1e];
	v4 =	vadd.s32 v1, v4;
	s21 =	spop (v2sf)  }
0x110: {  	(v2sf) =	vpush v34, $0x9;
	[tilespmem:$0x20A0] =	vst v4;
	(drf) =	srem.u32 s21, s28  }
0x111: {  	s5 =	rddreg [dreg:$0x1f];
	(v2sf) =	vpush v34, $0xA;
	s2 =	spop (v2sf);
	v4 =	vld.idx.msk [tilespmem:v5+s14+$0x0], $0xffff  }
0x112: {  	(v2sf) =	vpush v34, $0xB;
	s19 =	sld [smem:$0x7B8];
	(drf) =	srem.u32 s2, s5  }
0x113: {  	s3 =	rddreg [dreg:$0x5];
	(v2sf) =	vpush v34, $0xC;
	s17 =	spop (v2sf)  }
0x114: {  	s4 =	rddreg [dreg:$0x0];
	s18 =	spop (v2sf)  }
0x115: {  	(drf) =	srem.u32 s17, s19;
	s2 =	spop (v2sf)  }
0x116: {  	s21 =	sld [smem:$0x7B9];
	(v2sf) =	vpush v34, $0xD;
	v4 =	vadd.s32 v1, v4;
	s12 =	spop (drf)  }
0x117: {  	s6 =	simm.s32 $0x2480;
	s7 =	simm.s32 $0x40;
	(v2sf) =	vpush v34, $0xE;
	[tilespmem:$0x20B0] =	vst v4;
	s13 =	spop (drf)  }
0x118: {  	[tilespmem:s6], [sflag:$0x2] =	stream.indirect.gather [hbm4b:s4+s7], $0x80, s3, s7, $0xb8;
	[tilespmem:$0x12480] =	vst v63  }
0x119: {  	(drf) =	srem.u32 s18, s21;
	s14 =	spop (drf)  }
0x11a: {  	(drf) =	srem.u32 s2, s24;
	s3 =	spop (v2sf)  }
0x11b: {  	[smem:$0x70E] =	sst s12;
	s15 =	spop (drf)  }
0x11c: {  	s22 =	smov.u32 s1;
	[smem:$0x70F] =	sst s14;
	s4 =	spop (v2sf)  }
0x11d: {  	s7 =	sor.u32 $0x10, s0;
	(drf) =	srem.u32 s3, s22;
	s6 =	spop (v2sf)  }
0x11e: {  	v4 =	vor.u32 s7, v0;
	[smem:$0x710] =	sst s15;
	s18 =	spop (drf)  }
0x11f: {  	(drf) =	srem.u32 s4, s20;
	(v2sf) =	vpush v4, $0x0;
	s12 =	spop (v2sf)  }
0x120: {  	(drf) =	srem.u32 s6, s29;
	s14 =	spop (v2sf)  }
0x121: {  	(v2sf) =	vpush v4, $0xF;
	(drf) =	srem.u32 s12, s30;
	s15 =	spop (v2sf)  }
0x122: {  	(drf) =	srem.u32 s14, s23;
	s17 =	spop (v2sf)  }
0x123: {  	s6 =	smov.u32 s26;
	(v2sf) =	vpush v4, $0x1;
	(drf) =	srem.u32 s15, s26;
	s26 =	spop (drf)  }
0x124: {  	s10 =	smov.u32 s29;
	(v2sf) =	vpush v4, $0x2;
	(drf) =	srem.u32 s17, s25;
	s29 =	spop (drf)  }
0x125: {  	[smem:$0x711] =	sst s18;
	(v2sf) =	vpush v4, $0x3;
	s17 =	spop (v2sf)  }
0x126: {  	(v2sf) =	vpush v4, $0x4;
	(drf) =	srem.u32 s17, s11;
	s18 =	spop (v2sf)  }
0x127: {  	[smem:$0x70D] =	sst s13;
	(v2sf) =	vpush v4, $0x5;
	s2 =	spop (drf)  }
0x128: {  	(v2sf) =	vpush v4, $0x6;
	(drf) =	srem.u32 s18, s8;
	s3 =	spop (drf)  }
0x129: {  	[smem:$0x712] =	sst s26;
	(v2sf) =	vpush v4, $0x7;
	s4 =	spop (drf)  }
0x12a: {  	[smem:$0x713] =	sst s29;
	(v2sf) =	vpush v4, $0x8;
	s7 =	spop (drf)  }
0x12b: {  	[smem:$0x714] =	sst s2;
	s12 =	spop (drf)  }
0x12c: {  	[smem:$0x715] =	sst s3;
	(v2sf) =	vpush v4, $0x9;
	s14 =	spop (drf)  }
0x12d: {  	[smem:$0x716] =	sst s4;
	s15 =	spop (drf)  }
0x12e: {  	s16 =	smov.u32 s25;
	[smem:$0x717] =	sst s7;
	s25 =	spop (v2sf)  }
0x12f: {  	[smem:$0x719] =	sst s14;
	s14 =	spop (drf)  }
0x130: {  	[smem:$0x71B] =	sst s15;
	s26 =	spop (v2sf)  }
0x131: {  	(drf) =	srem.u32 s25, s9;
	s15 =	spop (drf)  }
0x132: {  	[smem:$0x718] =	sst s12;
	(v2sf) =	vpush v4, $0xA;
	s29 =	spop (v2sf)  }
0x133: {  	(drf) =	srem.u32 s26, s31;
	s2 =	spop (v2sf)  }
0x134: {  	(drf) =	srem.u32 s29, s28;
	s7 =	spop (v2sf)  }
0x135: {  	s3 =	smov.u32 s8;
	(v2sf) =	vpush v4, $0xB;
	(drf) =	srem.u32 s2, s5;
	s8 =	spop (v2sf)  }
0x136: {  	s4 =	smov.u32 s11;
	(v2sf) =	vpush v4, $0xC;
	(drf) =	srem.u32 s7, s19;
	s11 =	spop (v2sf)  }
0x137: {  	s13 =	smov.u32 s20;
	(drf) =	srem.u32 s8, s21;
	s12 =	spop (v2sf)  }
0x138: {  	[smem:$0x7BA] =	sst s13;
	(v2sf) =	vpush v4, $0xD;
	s2 =	spop (v2sf)  }
0x139: {  	(drf) =	srem.u32 s11, s24;
	s7 =	spop (v2sf)  }
0x13a: {  	s17 =	sor.u32 $0x20, s0;
	(v2sf) =	vpush v4, $0xE;
	(drf) =	srem.u32 s12, s22;
	s11 =	spop (drf)  }
0x13b: {  	v5 =	vor.u32 s17, v0;
	(drf) =	srem.u32 s2, s13;
	s13 =	spop (v2sf)  }
0x13c: {  	(v2sf) =	vpush v5, $0x0;
	s8 =	spop (drf)  }
0x13d: {  	[smem:$0x71D] =	sst s14;
	(v2sf) =	vpush v5, $0xF;
	s12 =	spop (drf)  }
0x13e: {  	[smem:$0x71F] =	sst s15;
	(v2sf) =	vpush v5, $0x1;
	s14 =	spop (drf)  }
0x13f: {  	(drf) =	srem.u32 s7, s10;
	s15 =	spop (drf)  }
0x140: {  	(v2sf) =	vpush v5, $0x2;
	s18 =	spop (drf)  }
0x141: {  	(drf) =	srem.u32 s13, s30;
	s17 =	spop (v2sf)  }
0x142: {  	s25 =	smov.u32 s22;
	s22 =	spop (drf)  }
0x143: {  	[smem:$0x71A] =	sst s18;
	s26 =	spop (drf)  }
0x144: {  	(v2sf) =	vpush v5, $0x3;
	(drf) =	srem.u32 s17, s23;
	s18 =	spop (v2sf)  }
0x145: {  	[smem:$0x71C] =	sst s22;
	s22 =	spop (v2sf)  }
0x146: {  	(v2sf) =	vpush v5, $0x4;
	[smem:$0x71E] =	sst s26;
	s17 =	spop (drf)  }
0x147: {  	(drf) =	srem.u32 s18, s6;
	s26 =	spop (v2sf)  }
0x148: {  	(drf) =	srem.u32 s22, s16;
	s18 =	spop (drf)  }
0x149: {  	(v2sf) =	vpush v5, $0x5;
	(drf) =	srem.u32 s26, s4;
	s2 =	spop (v2sf)  }
0x14a: {  	(v2sf) =	vpush v5, $0x6;
	s22 =	spop (drf)  }
0x14b: {  	(v2sf) =	vpush v5, $0x7;
	(drf) =	srem.u32 s2, s3;
	s7 =	spop (v2sf)  }
0x14c: {  	(v2sf) =	vpush v5, $0x8;
	[smem:$0x723] =	sst s22;
	s13 =	spop (v2sf)  }
0x14d: {  	(v2sf) =	vpush v5, $0x9;
	(drf) =	srem.u32 s7, s9;
	s22 =	spop (v2sf)  }
0x14e: {  	(drf) =	srem.u32 s13, s31;
	s26 =	spop (drf)  }
0x14f: {  	(v2sf) =	vpush v5, $0xA;
	[smem:$0x724] =	sst s26;
	s26 =	spop (v2sf)  }
0x150: {  	[smem:$0x720] =	sst s17;
	s2 =	spop (drf)  }
0x151: {  	[smem:$0x722] =	sst s18;
	(v2sf) =	vpush v5, $0xB;
	s7 =	spop (drf)  }
0x152: {  	(drf) =	srem.u32 s22, s28;
	s13 =	spop (drf)  }
0x153: {  	[smem:$0x726] =	sst s7;
	s7 =	spop (v2sf)  }
0x154: {  	(drf) =	srem.u32 s26, s5;
	s17 =	spop (drf)  }
0x155: {  	[smem:$0x727] =	sst s13;
	s13 =	spop (v2sf)  }
0x156: {  	(drf) =	srem.u32 s7, s19;
	s18 =	spop (drf)  }
0x157: {  	[smem:$0x728] =	sst s17;
	s1 =	spop (drf)  }
0x158: {  	(drf) =	srem.u32 s13, s21;
	s17 =	spop (v2sf)  }
0x159: {  	[smem:$0x721] =	sst s18;
	s18 =	spop (v2sf)  }
0x15a: {  	(v2sf) =	vpush v5, $0xC;
	(drf) =	srem.u32 s17, s24;
	s22 =	spop (v2sf)  }
0x15b: {  	s29 =	smov.u32 s24;
	(v2sf) =	vpush v5, $0xD;
	(drf) =	srem.u32 s18, s25;
	s24 =	spop (v2sf)  }
0x15c: {  	s7 =	smov.u32 s25;
	(drf) =	srem.u32 s22, s20;
	s25 =	spop (v2sf)  }
0x15d: {  	s0 =	sor.u32 $0x30, s0;
	(v2sf) =	vpush v5, $0xE;
	(drf) =	srem.u32 s24, s10;
	s24 =	spop (drf)  }
0x15e: {  	v4 =	vor.u32 s0, v0;
	(drf) =	srem.u32 s25, s30;
	s26 =	spop (v2sf)  }
0x15f: {  	(v2sf) =	vpush v4, $0x0;
	(drf) =	srem.u32 s26, s23;
	s23 =	spop (drf)  }
0x160: {  	s26 =	spop (v2sf)  }
0x161: {  	(v2sf) =	vpush v4, $0xF;
	s22 =	spop (drf)  }
0x162: {  	(v2sf) =	vpush v4, $0x1;
	s0 =	spop (drf)  }
0x163: {  	[smem:$0x725] =	sst s2;
	s2 =	smov.u32 s10;
	s10 =	spop (drf)  }
0x164: {  	(v2sf) =	vpush v4, $0x2;
	s13 =	spop (drf)  }
0x165: {  	s18 =	spop (drf)  }
0x166: {  	[smem:$0x7BC] =	sst s30;
	(v2sf) =	vpush v4, $0x3;
	s17 =	spop (drf)  }
0x167: {  	(drf) =	srem.u32 s26, s6;
	s30 =	spop (drf)  }
0x168: {  	(v2sf) =	vpush v4, $0x4;
	[smem:$0x729] =	sst s30;
	s20 =	spop (drf)  }
0x169: {  	s30 =	spop (v2sf);
	[smem:$0x72A] =	sst s20  }
0x16a: {  	(drf) =	srem.u32 s30, s16;
	s20 =	spop (v2sf)  }
0x16b: {  	[smem:$0x7FD] =	sst s3;
	(drf) =	srem.u32 s20, s4  }
0x16c: {  	s26 =	spop (v2sf);
	s20 =	sld [smem:$0x70D]  }
0x16d: {  	s30 =	smov.u32 s4;
	s4 =	sld [smem:$0x712];
	(drf) =	srem.u32 s26, s3  }
0x16e: {  	s26 =	spop (v2sf);
	s3 =	sld [smem:$0x70E]  }
0x16f: {  	(drf) =	srem.u32 s26, s9;
	s26 =	sld [smem:$0x70F]  }
0x170: {  	s9 =	sld [smem:$0x710];
	v5 =	vmov s20;
	s20 =	spop (v2sf)  }
0x171: {  	v5 =	vsel vm0, s3, v5;
	(drf) =	srem.u32 s20, s31;
	s3 =	spop (v2sf)  }
0x172: {  	v5 =	vsel vm1, s26, v5;
	(drf) =	srem.u32 s3, s28;
	s26 =	sld [smem:$0x711]  }
0x173: {  	(v2sf) =	vpush v4, $0x5;
	s20 =	spop (v2sf);
	s3 =	sld [smem:$0x719]  }
0x174: {  	v5 =	vsel vm2, s9, v5;
	(drf) =	srem.u32 s20, s5;
	s9 =	sld [smem:$0x713]  }
0x175: {  	s28 =	spop (v2sf);
	s20 =	sld [smem:$0x715]  }
0x176: {  	(v2sf) =	vpush v4, $0x6;
	(drf) =	srem.u32 s28, s19;
	s19 =	sld [smem:$0x714]  }
0x177: {  	(v2sf) =	vpush v4, $0x7;
	s5 =	spop (v2sf);
	s28 =	sld [smem:$0x718];
	v5 =	vsel vm3, s26, v5  }
0x178: {  	(v2sf) =	vpush v4, $0x8;
	(drf) =	srem.u32 s5, s21;
	s21 =	sld [smem:$0x716];
	v5 =	vsel vm4, s4, v5  }
0x179: {  	s25 =	spop (drf);
	(v2sf) =	vpush v4, $0x9;
	s26 =	sld [smem:$0x717];
	v5 =	vsel vm5, s9, v5  }
0x17a: {  	v35 =	vmov s8;
	(v2sf) =	vpush v4, $0xA;
	s8 =	spop (drf);
	s5 =	sld [smem:$0x71A];
	v5 =	vsel vm6, s19, v5  }
0x17b: {  	v6 =	vsel vm0, s11, v35;
	(v2sf) =	vpush v4, $0xB;
	s11 =	spop (drf);
	s4 =	sld [smem:$0x71F];
	v5 =	vsel vm7, s20, v5  }
0x17c: {  	v6 =	vsel vm1, s12, v6;
	(v2sf) =	vpush v4, $0xC;
	s12 =	spop (drf);
	s9 =	sld [smem:$0x71B];
	v5 =	vsel vm8, s21, v5  }
0x17d: {  	v6 =	vsel vm2, s14, v6;
	(v2sf) =	vpush v4, $0xD;
	s14 =	spop (drf);
	s19 =	sld [smem:$0x71C];
	v5 =	vsel vm9, s26, v5  }
0x17e: {  	(v2sf) =	vpush v4, $0xE;
	s20 =	sld [smem:$0x71D];
	v4 =	vsel vm10, s28, v5;
	v5 =	vsel vm3, s15, v6;
	s15 =	spop (drf)  }
0x17f: {  	s21 =	sld [smem:$0x71E];
	s26 =	spop (drf)  }
0x180: {  	v4 =	vsel vm11, s3, v4;
	v5 =	vsel vm4, s5, v5;
	s5 =	sld [smem:$0x720];
	s28 =	spop (drf)  }
0x181: {  	v36 =	vmov s1;
	v4 =	vsel vm12, s9, v4;
	s9 =	sld [smem:$0x721];
	s1 =	spop (drf)  }
0x182: {  	v5 =	vsel vm5, s19, v5;
	s19 =	sld [smem:$0x722];
	v4 =	vsel vm13, s20, v4;
	s20 =	spop (v2sf)  }
0x183: {  	v5 =	vsel vm6, s21, v5;
	s21 =	sld [smem:$0x723];
	s3 =	spop (drf)  }
0x184: {  	v5 =	vsel vm7, s5, v5;
	(drf) =	srem.u32 s20, s29;
	s5 =	sld [smem:$0x7BA];
	v6 =	vsel vm0, s9, v36  }
0x185: {  	s9 =	smov.u32 s29;
	s29 =	sld [smem:$0x724];
	v6 =	vsel vm1, s24, v6;
	s24 =	spop (v2sf)  }
0x186: {  	v5 =	vsel vm8, s19, v5;
	(drf) =	srem.u32 s24, s7;
	s19 =	spop (v2sf)  }
0x187: {  	s20 =	sld [smem:$0x725];
	v6 =	vsel vm2, s23, v6;
	(drf) =	srem.u32 s19, s5  }
0x188: {  	v4 =	vsel vm14, s4, v4;
	v5 =	vsel vm9, s21, v5;
	v6 =	vsel vm3, s22, v6;
	s21 =	spop (v2sf);
	s22 =	sld [smem:$0x726]  }
0x189: {  	v5 =	vsel vm10, s29, v5;
	s29 =	smov.u32 s2;
	(drf) =	srem.u32 s21, s2;
	s2 =	sld [smem:$0x727]  }
0x18a: {  	v5 =	vsel vm11, s20, v5;
	v6 =	vsel vm4, s0, v6;
	s20 =	sld [smem:$0x7BC]  }
0x18b: {  	s24 =	spop (v2sf);
	s21 =	sld [smem:$0x7BE];
	v6 =	vsel vm5, s10, v6  }
0x18c: {  	s23 =	simm.s32 $0x1000;
	s10 =	spop (v2sf);
	v6 =	vsel vm6, s13, v6;
	s13 =	sld [smem:$0x728]  }
0x18d: {  	v7 =	vmov s15;
	v4 =	vld.idx.msk [tilespmem:v4+s23+$0x0], $0xffff;
	v5 =	vsel vm12, s22, v5;
	s15 =	spop (v2sf);
	s22 =	sld [smem:$0x72A]  }
0x18e: {  	v5 =	vsel vm13, s2, v5;
	(drf) =	srem.u32 s24, s20;
	v6 =	vsel vm7, s18, v6;
	s18 =	sld [smem:$0x729]  }
0x18f: {  	v7 =	vsel vm0, s14, v7;
	(drf) =	srem.u32 s10, s21;
	v6 =	vsel vm8, s17, v6;
	s17 =	spop (v2sf);
	v5 =	vsel vm14, s13, v5  }
0x190: {  	v7 =	vsel vm1, s26, v7;
	(drf) =	srem.u32 s15, s6;
	s13 =	sld [smem:$0x7FD]  }
0x191: {  	v7 =	vsel vm2, s28, v7;
	s19 =	spop (v2sf);
	v6 =	vsel vm9, s18, v6;
	(drf) =	srem.u32 s17, s16  }
0x192: {  	v7 =	vsel vm3, s1, v7;
	v4 =	vadd.s32 v1, v4;
	s24 =	spop (v2sf);
	v6 =	vsel vm10, s22, v6;
	(drf) =	srem.u32 s19, s30  }
0x193: {  	s26 =	simm.s32 $0x1000;
	v37 =	vsel vm4, s3, v7;
	[tilespmem:$0x2100] =	vst v4;
	v4 =	vsel vm11, s25, v6;
	s25 =	spop (drf);
	(drf) =	srem.u32 s24, s13  }
0x194: {  	v4 =	vsel vm12, s8, v4;
	v6 =	vsel vm5, s25, v37;
	s28 =	spop (drf);
	v5 =	vld.idx.msk [tilespmem:v5+s26+$0x0], $0xffff  }
0x195: {  	s22 =	smov.u32 s30;
	v4 =	vsel vm13, s11, v4;
	v6 =	vsel vm6, s28, v6;
	s30 =	spop (drf)  }
0x196: {  	s3 =	rddreg [dreg:$0x18];
	v4 =	vsel vm14, s12, v4;
	v6 =	vsel vm7, s30, v6;
	s1 =	spop (drf)  }
0x197: {  	s23 =	smov.u32 s6;
	v6 =	vsel vm8, s1, v6;
	s2 =	spop (drf);
	s1 =	sadd.s32 $0x80, s3  }
0x198: {  	s10 =	rddreg [dreg:$0xd];
	v6 =	vsel vm9, s2, v6;
	s4 =	spop (drf);
	s6 =	sand.u32 $0x680, s1  }
0x199: {  	v6 =	vsel vm10, s4, v6;
	s8 =	spop (drf);
	s0 =	sor.u32 s10, s6;
	v5 =	vadd.s32 v1, v5  }
0x19a: {  	s12 =	simm.s32 $0x1000;
	s11 =	spop (drf);
	v38 =	vor.u32 s0, v0;
	[tilespmem:$0x2110] =	vst v5;
	v5 =	vsel vm11, s8, v6  }
0x19b: {  	s15 =	spop (drf);
	(v2sf) =	vpush v38, $0x0;
	v4 =	vld.idx.msk [tilespmem:v4+s12+$0x0], $0xffff;
	v5 =	vsel vm12, s11, v5  }
0x19c: {  	s14 =	smov.u32 s16;
	s16 =	spop (drf);
	(v2sf) =	vpush v38, $0xF;
	v5 =	vsel vm13, s15, v5  }
0x19d: {  	(v2sf) =	vpush v38, $0x1;
	v5 =	vsel vm14, s16, v5  }
0x19e: {  	(v2sf) =	vpush v38, $0x2  }
0x19f: {  	(v2sf) =	vpush v38, $0x3  }
0x1a0: {  	(v2sf) =	vpush v38, $0x4;
	v4 =	vadd.s32 v1, v4  }
0x1a1: {  	s17 =	simm.s32 $0x1000;
	(v2sf) =	vpush v38, $0x5;
	[tilespmem:$0x2120] =	vst v4  }
0x1a2: {  	(v2sf) =	vpush v38, $0x6;
	v4 =	vld.idx.msk [tilespmem:v5+s17+$0x0], $0xffff  }
0x1a3: {  	(v2sf) =	vpush v38, $0x7  }
0x1a4: {  	s18 =	rddreg [dreg:$0x6];
	(v2sf) =	vpush v38, $0x8  }
0x1a5: {  	s19 =	rddreg [dreg:$0x0]  }
0x1a6: {  	s30 =	rddreg [dreg:$0x1c];
	(v2sf) =	vpush v38, $0x9  }
0x1a7: {  	[dreg:$0x15] =	wrdreg s6;
	v4 =	vadd.s32 v1, v4  }
0x1a8: {  	s24 =	simm.s32 $0x4480;
	s25 =	simm.s32 $0x40;
	s11 =	rddreg [dreg:$0x1e];
	(v2sf) =	vpush v38, $0xA;
	[tilespmem:$0x2130] =	vst v4  }
0x1a9: {  	[tilespmem:s24], [sflag:$0x3] =	stream.indirect.gather [hbm4b:s19+s25], $0x80, s18, s25, $0xb8;
	[tilespmem:$0x12480] =	vst v63  }
0x1aa: {  	s17 =	sld [smem:$0x7B9];
	s26 =	spop (v2sf)  }
0x1ab: {  	(drf) =	srem.u32 s26, s30;
	s28 =	spop (v2sf)  }
0x1ac: {  	s19 =	rddreg [dreg:$0x1f];
	s2 =	spop (v2sf)  }
0x1ad: {  	(drf) =	srem.u32 s28, s31;
	s3 =	spop (v2sf)  }
0x1ae: {  	s24 =	sld [smem:$0x7B8];
	s4 =	spop (v2sf)  }
0x1af: {  	(v2sf) =	vpush v38, $0xB;
	(drf) =	srem.u32 s2, s11;
	s6 =	spop (v2sf)  }
0x1b0: {  	(drf) =	srem.u32 s3, s19;
	s8 =	spop (v2sf)  }
0x1b1: {  	(v2sf) =	vpush v38, $0xC;
	(drf) =	srem.u32 s4, s24;
	s10 =	spop (v2sf)  }
0x1b2: {  	s15 =	sor.u32 $0x10, s0;
	(v2sf) =	vpush v38, $0xD;
	(drf) =	srem.u32 s6, s17;
	s12 =	spop (v2sf)  }
0x1b3: {  	v4 =	vor.u32 s15, v0;
	(v2sf) =	vpush v38, $0xE;
	(drf) =	srem.u32 s8, s9;
	s16 =	spop (v2sf)  }
0x1b4: {  	(v2sf) =	vpush v4, $0x0;
	(drf) =	srem.u32 s10, s7;
	s2 =	spop (drf)  }
0x1b5: {  	(v2sf) =	vpush v4, $0xF;
	s28 =	spop (v2sf)  }
0x1b6: {  	(drf) =	srem.u32 s12, s5;
	s1 =	spop (drf)  }
0x1b7: {  	s15 =	smov.u32 s29;
	(v2sf) =	vpush v4, $0x1;
	(drf) =	srem.u32 s16, s29;
	s29 =	spop (v2sf)  }
0x1b8: {  	s3 =	spop (drf)  }
0x1b9: {  	s4 =	spop (drf)  }
0x1ba: {  	s25 =	smov.u32 s5;
	s5 =	spop (drf)  }
0x1bb: {  	s6 =	spop (drf)  }
0x1bc: {  	s18 =	smov.u32 s7;
	s7 =	spop (drf)  }
0x1bd: {  	s8 =	spop (drf)  }
0x1be: {  	(drf) =	srem.u32 s28, s20;
	s12 =	spop (v2sf)  }
0x1bf: {  	s26 =	smov.u32 s9;
	(drf) =	srem.u32 s29, s21;
	s9 =	spop (drf)  }
0x1c0: {  	(v2sf) =	vpush v4, $0x2;
	(drf) =	srem.u32 s12, s23;
	s28 =	spop (v2sf)  }
0x1c1: {  	(drf) =	srem.u32 s28, s14;
	s29 =	spop (v2sf)  }
0x1c2: {  	s16 =	smov.u32 s23;
	(v2sf) =	vpush v4, $0x3;
	v5 =	vmov s1;
	(drf) =	srem.u32 s29, s22;
	s12 =	spop (v2sf)  }
0x1c3: {  	(v2sf) =	vpush v4, $0x4;
	v5 =	vsel vm0, s2, v5;
	s29 =	smov.u32 s13;
	(drf) =	srem.u32 s12, s13;
	s13 =	spop (v2sf)  }
0x1c4: {  	(v2sf) =	vpush v4, $0x5;
	v5 =	vsel vm1, s3, v5;
	s23 =	smov.u32 s14;
	(drf) =	srem.u32 s13, s30;
	s14 =	spop (v2sf)  }
0x1c5: {  	v5 =	vsel vm2, s4, v5;
	(v2sf) =	vpush v4, $0x6;
	s10 =	spop (drf);
	(drf) =	srem.u32 s14, s31  }
0x1c6: {  	v5 =	vsel vm3, s5, v5;
	s28 =	spop (v2sf)  }
0x1c7: {  	v5 =	vsel vm4, s6, v5;
	(drf) =	srem.u32 s28, s11;
	s11 =	spop (drf)  }
0x1c8: {  	v5 =	vsel vm5, s7, v5;
	s12 =	spop (drf)  }
0x1c9: {  	v5 =	vsel vm6, s8, v5;
	s13 =	spop (drf)  }
0x1ca: {  	v5 =	vsel vm7, s9, v5;
	s1 =	spop (drf)  }
0x1cb: {  	(v2sf) =	vpush v4, $0x7;
	v5 =	vsel vm8, s10, v5;
	s2 =	spop (drf)  }
0x1cc: {  	(v2sf) =	vpush v4, $0x8;
	v5 =	vsel vm9, s11, v5;
	s14 =	spop (drf)  }
0x1cd: {  	(v2sf) =	vpush v4, $0x9;
	v5 =	vsel vm10, s12, v5;
	s4 =	spop (drf)  }
0x1ce: {  	(v2sf) =	vpush v4, $0xA;
	v5 =	vsel vm11, s13, v5;
	[smem:$0x72C] =	sst s4;
	s5 =	spop (drf)  }
0x1cf: {  	(v2sf) =	vpush v4, $0xB;
	s3 =	spop (v2sf);
	v5 =	vsel vm12, s1, v5;
	[smem:$0x72B] =	sst s5  }
0x1d0: {  	v5 =	vsel vm13, s2, v5;
	s28 =	spop (drf);
	(drf) =	srem.u32 s3, s19  }
0x1d1: {  	v5 =	vsel vm14, s14, v5;
	s5 =	spop (v2sf);
	[smem:$0x72D] =	sst s28  }
0x1d2: {  	(drf) =	srem.u32 s5, s24;
	s6 =	spop (v2sf)  }
0x1d3: {  	(drf) =	srem.u32 s6, s17;
	s7 =	spop (v2sf)  }
0x1d4: {  	(drf) =	srem.u32 s7, s26;
	s8 =	spop (v2sf)  }
0x1d5: {  	s13 =	simm.s32 $0x1000;
	(drf) =	srem.u32 s8, s18  }
0x1d6: {  	(v2sf) =	vpush v4, $0xC;
	v5 =	vld.idx.msk [tilespmem:v5+s13+$0x0], $0xffff  }
0x1d7: {  	(v2sf) =	vpush v4, $0xD  }
0x1d8: {  	(v2sf) =	vpush v4, $0xE;
	_ =	sdelay $0x1  }
0x1d9: {  	s4 =	spop (v2sf)  }
0x1da: {  	s5 =	sor.u32 $0x20, s0;
	(drf) =	srem.u32 s4, s25;
	s9 =	spop (v2sf);
	v5 =	vadd.s32 v1, v5  }
0x1db: {  	s10 =	spop (v2sf);
	[tilespmem:$0x2180] =	vst v5;
	v5 =	vor.u32 s5, v0  }
0x1dc: {  	s11 =	spop (v2sf);
	(v2sf) =	vpush v5, $0x0  }
0x1dd: {  	s12 =	spop (v2sf);
	(v2sf) =	vpush v5, $0xF  }
0x1de: {  	(drf) =	srem.u32 s9, s15;
	s8 =	spop (drf);
	(v2sf) =	vpush v5, $0x1  }
0x1df: {  	(drf) =	srem.u32 s10, s20;
	s10 =	spop (drf)  }
0x1e0: {  	(drf) =	srem.u32 s11, s21;
	s9 =	spop (drf)  }
0x1e1: {  	(drf) =	srem.u32 s12, s16;
	s12 =	spop (drf)  }
0x1e2: {  	s11 =	spop (drf);
	(v2sf) =	vpush v5, $0x2  }
0x1e3: {  	[smem:$0x7BB] =	sst s15;
	s14 =	spop (drf);
	(v2sf) =	vpush v5, $0x3  }
0x1e4: {  	[smem:$0x72E] =	sst s14;
	(v2sf) =	vpush v5, $0x4;
	s4 =	spop (v2sf)  }
0x1e5: {  	(v2sf) =	vpush v5, $0x5;
	(drf) =	srem.u32 s4, s23;
	s6 =	spop (v2sf)  }
0x1e6: {  	s2 =	smov.u32 s16;
	(v2sf) =	vpush v5, $0x6;
	(drf) =	srem.u32 s6, s22;
	s14 =	spop (v2sf)  }
0x1e7: {  	s7 =	smov.u32 s15;
	s15 =	spop (drf);
	(drf) =	srem.u32 s14, s29  }
0x1e8: {  	s3 =	smov.u32 s19;
	s19 =	smov.u32 s24;
	s16 =	spop (drf)  }
0x1e9: {  	s24 =	smov.u32 s17;
	[smem:$0x72F] =	sst s15;
	s17 =	spop (drf);
	(v2sf) =	vpush v5, $0x7  }
0x1ea: {  	[smem:$0x730] =	sst s16;
	s28 =	spop (drf);
	(v2sf) =	vpush v5, $0x8  }
0x1eb: {  	[smem:$0x731] =	sst s17;
	(v2sf) =	vpush v5, $0x9;
	s16 =	spop (v2sf)  }
0x1ec: {  	[smem:$0x732] =	sst s28;
	(v2sf) =	vpush v5, $0xA;
	s17 =	spop (v2sf)  }
0x1ed: {  	(drf) =	srem.u32 s16, s30;
	s1 =	spop (v2sf)  }
0x1ee: {  	s28 =	smov.u32 s22;
	(drf) =	srem.u32 s17, s31;
	s22 =	spop (drf)  }
0x1ef: {  	s13 =	smov.u32 s23;
	[smem:$0x733] =	sst s22;
	s23 =	spop (drf)  }
0x1f0: {  	s15 =	smov.u32 s29;
	[smem:$0x734] =	sst s23;
	s29 =	spop (drf)  }
0x1f1: {  	s6 =	spop (v2sf);
	[smem:$0x735] =	sst s29  }
0x1f2: {  	s14 =	spop (v2sf);
	s29 =	rddreg [dreg:$0x1e]  }
0x1f3: {  	s17 =	spop (v2sf);
	(drf) =	srem.u32 s1, s29  }
0x1f4: {  	s22 =	spop (v2sf);
	(drf) =	srem.u32 s6, s3  }
0x1f5: {  	s23 =	spop (v2sf);
	(drf) =	srem.u32 s14, s19  }
0x1f6: {  	s5 =	spop (drf);
	(drf) =	srem.u32 s17, s24  }
0x1f7: {  	(v2sf) =	vpush v5, $0xB;
	s4 =	spop (drf);
	(drf) =	srem.u32 s22, s26  }
0x1f8: {  	s1 =	smov.u32 s26;
	s26 =	spop (v2sf);
	(drf) =	srem.u32 s23, s18  }
0x1f9: {  	s0 =	sor.u32 $0x30, s0;
	(v2sf) =	vpush v5, $0xC;
	s6 =	spop (v2sf);
	(drf) =	srem.u32 s26, s25  }
0x1fa: {  	(v2sf) =	vpush v5, $0xD;
	s17 =	smov.u32 s18;
	s18 =	spop (v2sf);
	(drf) =	srem.u32 s6, s7  }
0x1fb: {  	v4 =	vor.u32 s0, v0;
	(v2sf) =	vpush v5, $0xE;
	s22 =	spop (v2sf);
	(drf) =	srem.u32 s18, s20  }
0x1fc: {  	(v2sf) =	vpush v4, $0x0;
	(drf) =	srem.u32 s22, s21;
	s26 =	spop (drf)  }
0x1fd: {  	(v2sf) =	vpush v4, $0xF;
	s14 =	smov.u32 s25;
	s25 =	spop (drf)  }
0x1fe: {  	(v2sf) =	vpush v4, $0x1;
	s22 =	spop (drf)  }
0x1ff: {  	(v2sf) =	vpush v4, $0x2;
	s21 =	spop (drf)  }
0x200: {  	(v2sf) =	vpush v4, $0x3;
	s0 =	spop (drf)  }
0x201: {  	(v2sf) =	vpush v4, $0x4;
	s7 =	spop (drf)  }
0x202: {  	s18 =	spop (drf)  }
0x203: {  	s23 =	spop (drf)  }
0x204: {  	s16 =	spop (drf)  }
0x205: {  	[smem:$0x736] =	sst s23;
	s23 =	spop (drf)  }
0x206: {  	[smem:$0x737] =	sst s16;
	s16 =	spop (v2sf)  }
0x207: {  	[smem:$0x738] =	sst s23;
	(drf) =	srem.u32 s16, s2  }
0x208: {  	s6 =	spop (v2sf);
	s23 =	sld [smem:$0x72B]  }
0x209: {  	s16 =	smov.u32 s13;
	(drf) =	srem.u32 s6, s13;
	s13 =	spop (v2sf)  }
0x20a: {  	(drf) =	srem.u32 s13, s28;
	s13 =	smov.u32 s28;
	s28 =	spop (v2sf)  }
0x20b: {  	(drf) =	srem.u32 s28, s15;
	s6 =	spop (v2sf)  }
0x20c: {  	(v2sf) =	vpush v4, $0x5;
	(drf) =	srem.u32 s6, s30;
	s28 =	spop (v2sf)  }
0x20d: {  	(drf) =	srem.u32 s28, s31;
	s30 =	spop (v2sf)  }
0x20e: {  	(drf) =	srem.u32 s30, s29;
	s31 =	spop (v2sf)  }
0x20f: {  	(v2sf) =	vpush v4, $0x6;
	(drf) =	srem.u32 s31, s3;
	s6 =	spop (v2sf)  }
0x210: {  	(v2sf) =	vpush v4, $0x7;
	(drf) =	srem.u32 s6, s19;
	s19 =	spop (v2sf)  }
0x211: {  	(v2sf) =	vpush v4, $0x8;
	s30 =	smov.u32 s24;
	(drf) =	srem.u32 s19, s24;
	s24 =	sld [smem:$0x72C]  }
0x212: {  	(v2sf) =	vpush v4, $0x9;
	s29 =	sld [smem:$0x72D]  }
0x213: {  	v5 =	vmov s23;
	(v2sf) =	vpush v4, $0xA;
	s28 =	spop (drf)  }
0x214: {  	(v2sf) =	vpush v4, $0xB;
	s31 =	smov.u32 s3;
	s3 =	spop (drf);
	v5 =	vsel vm0, s24, v5  }
0x215: {  	(v2sf) =	vpush v4, $0xC;
	s23 =	spop (drf);
	v5 =	vsel vm1, s29, v5  }
0x216: {  	(v2sf) =	vpush v4, $0xD;
	s24 =	spop (drf);
	v5 =	vsel vm2, s8, v5  }
0x217: {  	(v2sf) =	vpush v4, $0xE;
	s29 =	spop (drf);
	v4 =	vsel vm3, s10, v5  }
0x218: {  	s10 =	spop (drf);
	v4 =	vsel vm4, s9, v4  }
0x219: {  	v5 =	vmov s4;
	s9 =	spop (drf);
	v4 =	vsel vm5, s12, v4;
	s12 =	sld [smem:$0x72E]  }
0x21a: {  	s19 =	sld [smem:$0x72F];
	v5 =	vsel vm0, s5, v5;
	s8 =	spop (drf)  }
0x21b: {  	s4 =	sld [smem:$0x731];
	v5 =	vsel vm1, s26, v5;
	s26 =	spop (v2sf);
	v4 =	vsel vm6, s11, v4  }
0x21c: {  	s5 =	sld [smem:$0x734];
	s11 =	spop (drf);
	v4 =	vsel vm7, s12, v4  }
0x21d: {  	s12 =	spop (drf);
	v4 =	vsel vm8, s19, v4;
	s19 =	sld [smem:$0x730]  }
0x21e: {  	v5 =	vsel vm2, s25, v5;
	(drf) =	srem.u32 s26, s1;
	s26 =	spop (v2sf)  }
0x21f: {  	v5 =	vsel vm3, s22, v5;
	s22 =	sld [smem:$0x732];
	(drf) =	srem.u32 s26, s17  }
0x220: {  	s26 =	sld [smem:$0x733];
	v4 =	vsel vm9, s19, v4;
	s19 =	spop (v2sf)  }
0x221: {  	v39 =	vmov s10;
	(drf) =	srem.u32 s19, s14;
	s19 =	sld [smem:$0x7BB]  }
0x222: {  	v6 =	vsel vm0, s29, v39;
	s29 =	sld [smem:$0x736];
	v4 =	vsel vm10, s4, v4;
	s25 =	spop (v2sf)  }
0x223: {  	v5 =	vsel vm4, s21, v5;
	s21 =	sld [smem:$0x735];
	v4 =	vsel vm11, s22, v4;
	s4 =	spop (v2sf)  }
0x224: {  	v5 =	vsel vm5, s0, v5;
	v4 =	vsel vm12, s26, v4;
	s26 =	sld [smem:$0x7BE];
	(drf) =	srem.u32 s25, s19  }
0x225: {  	v5 =	vsel vm6, s7, v5;
	s7 =	sld [smem:$0x738];
	(drf) =	srem.u32 s4, s20  }
0x226: {  	s22 =	smov.u32 s20;
	v4 =	vsel vm13, s5, v4;
	s20 =	spop (v2sf);
	s4 =	sld [smem:$0x737]  }
0x227: {  	v5 =	vsel vm7, s18, v5;
	v4 =	vsel vm14, s21, v4;
	(drf) =	srem.u32 s20, s26;
	s25 =	spop (v2sf)  }
0x228: {  	v6 =	vsel vm1, s9, v6;
	s18 =	smov.u32 s2;
	v5 =	vsel vm8, s29, v5;
	(drf) =	srem.u32 s25, s2;
	s2 =	spop (v2sf)  }
0x229: {  	v6 =	vsel vm2, s8, v6;
	v5 =	vsel vm9, s4, v5;
	(drf) =	srem.u32 s2, s16;
	s5 =	spop (v2sf)  }
0x22a: {  	v6 =	vsel vm3, s11, v6;
	v5 =	vsel vm10, s7, v5;
	(drf) =	srem.u32 s5, s13;
	s8 =	spop (v2sf)  }
0x22b: {  	s10 =	simm.s32 $0x1000;
	v6 =	vsel vm4, s12, v6;
	s9 =	spop (drf);
	v5 =	vsel vm11, s28, v5;
	(drf) =	srem.u32 s8, s15  }
0x22c: {  	v6 =	vsel vm5, s9, v6;
	s11 =	spop (drf);
	v4 =	vld.idx.msk [tilespmem:v4+s10+$0x0], $0xffff;
	s10 =	rddreg [dreg:$0x18];
	v5 =	vsel vm12, s3, v5  }
0x22d: {  	s21 =	smov.u32 s13;
	v6 =	vsel vm6, s11, v6;
	s12 =	spop (drf);
	v5 =	vsel vm13, s23, v5;
	s23 =	sadd.s32 $0xC0, s10  }
0x22e: {  	s9 =	rddreg [dreg:$0xd];
	v6 =	vsel vm7, s12, v6;
	v5 =	vsel vm14, s24, v5;
	s13 =	spop (drf);
	s25 =	sand.u32 $0x6C0, s23  }
0x22f: {  	v6 =	vsel vm8, s13, v6;
	s20 =	spop (drf);
	s0 =	sor.u32 s9, s25  }
0x230: {  	v6 =	vsel vm9, s20, v6;
	s24 =	spop (drf);
	v40 =	vor.u32 s0, v0  }
0x231: {  	v4 =	vadd.s32 v1, v4;
	v6 =	vsel vm10, s24, v6;
	s28 =	spop (drf);
	(v2sf) =	vpush v40, $0x0  }
0x232: {  	s3 =	simm.s32 $0x1000;
	[tilespmem:$0x2190] =	vst v4;
	v4 =	vsel vm11, s28, v6;
	s29 =	spop (drf)  }
0x233: {  	v5 =	vld.idx.msk [tilespmem:v5+s3+$0x0], $0xffff;
	v4 =	vsel vm12, s29, v4;
	s4 =	spop (drf)  }
0x234: {  	(v2sf) =	vpush v40, $0xF;
	v4 =	vsel vm13, s4, v4;
	s5 =	spop (drf)  }
0x235: {  	(v2sf) =	vpush v40, $0x1;
	v4 =	vsel vm14, s5, v4  }
0x236: {  	(v2sf) =	vpush v40, $0x2  }
0x237: {  	(v2sf) =	vpush v40, $0x3  }
0x238: {  	(v2sf) =	vpush v40, $0x4;
	v5 =	vadd.s32 v1, v5  }
0x239: {  	s7 =	simm.s32 $0x1000;
	(v2sf) =	vpush v40, $0x5;
	[tilespmem:$0x21A0] =	vst v5  }
0x23a: {  	(v2sf) =	vpush v40, $0x6;
	v4 =	vld.idx.msk [tilespmem:v4+s7+$0x0], $0xffff  }
0x23b: {  	(v2sf) =	vpush v40, $0x7  }
0x23c: {  	s11 =	rddreg [dreg:$0x0];
	(v2sf) =	vpush v40, $0x8  }
0x23d: {  	s8 =	rddreg [dreg:$0x7]  }
0x23e: {  	[dreg:$0x16] =	wrdreg s25;
	(v2sf) =	vpush v40, $0x9  }
0x23f: {  	s12 =	simm.s32 $0x6480;
	s3 =	rddreg [dreg:$0x1c];
	v4 =	vadd.s32 v1, v4  }
0x240: {  	s13 =	simm.s32 $0x40;
	s4 =	rddreg [dreg:$0x1d];
	[tilespmem:$0x21B0] =	vst v4;
	s20 =	spop (v2sf)  }
0x241: {  	[tilespmem:s12], [sflag:$0x4] =	stream.indirect.gather [hbm4b:s11+s13], $0x80, s8, s13, $0xb8;
	[tilespmem:$0x12480] =	vst v63  }
0x242: {  	s5 =	rddreg [dreg:$0x1e];
	(drf) =	srem.u32 s20, s3  }
0x243: {  	s23 =	spop (v2sf);
	s13 =	sld [smem:$0x7B8]  }
0x244: {  	(v2sf) =	vpush v40, $0xA;
	(drf) =	srem.u32 s23, s4;
	s24 =	spop (v2sf)  }
0x245: {  	(drf) =	srem.u32 s24, s5;
	s25 =	spop (v2sf)  }
0x246: {  	(v2sf) =	vpush v40, $0xB;
	(drf) =	srem.u32 s25, s31;
	s28 =	spop (v2sf)  }
0x247: {  	(drf) =	srem.u32 s28, s13;
	s29 =	spop (v2sf)  }
0x248: {  	s6 =	smov.u32 s1;
	(drf) =	srem.u32 s29, s30;
	s2 =	spop (v2sf)  }
0x249: {  	s20 =	smov.u32 s6;
	(v2sf) =	vpush v40, $0xC;
	(drf) =	srem.u32 s2, s6;
	s6 =	spop (v2sf)  }
0x24a: {  	s7 =	spop (v2sf)  }
0x24b: {  	(v2sf) =	vpush v40, $0xD;
	(drf) =	srem.u32 s6, s17;
	s8 =	spop (v2sf)  }
0x24c: {  	s11 =	sor.u32 $0x10, s0;
	(v2sf) =	vpush v40, $0xE;
	(drf) =	srem.u32 s7, s14;
	s12 =	spop (drf)  }
0x24d: {  	v4 =	vor.u32 s11, v0;
	(drf) =	srem.u32 s8, s19;
	s8 =	spop (v2sf)  }
0x24e: {  	(v2sf) =	vpush v4, $0x0;
	s23 =	spop (drf)  }
0x24f: {  	(v2sf) =	vpush v4, $0xF;
	[smem:$0x73A] =	sst s12;
	s24 =	spop (drf)  }
0x250: {  	(v2sf) =	vpush v4, $0x1;
	(drf) =	srem.u32 s8, s22;
	s28 =	spop (drf)  }
0x251: {  	(v2sf) =	vpush v4, $0x2;
	[smem:$0x739] =	sst s23;
	s29 =	spop (drf)  }
0x252: {  	s25 =	smov.u32 s30;
	[smem:$0x73B] =	sst s24;
	s30 =	spop (drf)  }
0x253: {  	(v2sf) =	vpush v4, $0x3;
	[smem:$0x73C] =	sst s28;
	s11 =	spop (v2sf)  }
0x254: {  	[smem:$0x73D] =	sst s29;
	s2 =	spop (drf)  }
0x255: {  	(v2sf) =	vpush v4, $0x4;
	[smem:$0x73E] =	sst s30;
	s12 =	spop (v2sf)  }
0x256: {  	(drf) =	srem.u32 s11, s26;
	s6 =	spop (drf)  }
0x257: {  	[smem:$0x73F] =	sst s2;
	s7 =	spop (drf)  }
0x258: {  	[smem:$0x740] =	sst s6;
	s6 =	smov.u32 s22;
	s22 =	spop (v2sf)  }
0x259: {  	(drf) =	srem.u32 s12, s18;
	s24 =	spop (drf)  }
0x25a: {  	[smem:$0x741] =	sst s7;
	s23 =	spop (v2sf)  }
0x25b: {  	(v2sf) =	vpush v4, $0x5;
	(drf) =	srem.u32 s22, s16;
	s28 =	spop (v2sf)  }
0x25c: {  	(drf) =	srem.u32 s23, s21;
	s12 =	spop (drf)  }
0x25d: {  	(v2sf) =	vpush v4, $0x6;
	(drf) =	srem.u32 s28, s15;
	s29 =	spop (v2sf)  }
0x25e: {  	[smem:$0x742] =	sst s12;
	s2 =	spop (v2sf)  }
0x25f: {  	(v2sf) =	vpush v4, $0x7;
	(drf) =	srem.u32 s29, s3;
	s7 =	spop (v2sf)  }
0x260: {  	(v2sf) =	vpush v4, $0x8;
	(drf) =	srem.u32 s2, s4;
	s11 =	spop (v2sf)  }
0x261: {  	s8 =	smov.u32 s18;
	(drf) =	srem.u32 s7, s5;
	s18 =	spop (drf)  }
0x262: {  	(v2sf) =	vpush v4, $0x9;
	(drf) =	srem.u32 s11, s31;
	s12 =	spop (v2sf)  }
0x263: {  	[smem:$0x744] =	sst s18;
	s22 =	spop (drf)  }
0x264: {  	(v2sf) =	vpush v4, $0xA;
	(drf) =	srem.u32 s12, s13;
	s18 =	smov.u32 s13;
	s13 =	spop (v2sf)  }
0x265: {  	(v2sf) =	vpush v4, $0xB;
	[smem:$0x746] =	sst s22;
	s28 =	spop (drf)  }
0x266: {  	(v2sf) =	vpush v4, $0xC;
	(drf) =	srem.u32 s13, s25;
	s29 =	spop (drf)  }
0x267: {  	s30 =	smov.u32 s16;
	[smem:$0x748] =	sst s28;
	s22 =	spop (drf)  }
0x268: {  	s16 =	smov.u32 s31;
	[smem:$0x74A] =	sst s29;
	s31 =	spop (drf)  }
0x269: {  	[smem:$0x745] =	sst s31;
	s2 =	spop (drf)  }
0x26a: {  	(v2sf) =	vpush v4, $0xD;
	s31 =	smov.u32 s25;
	s25 =	spop (v2sf);
	[smem:$0x743] =	sst s2  }
0x26b: {  	s7 =	spop (drf);
	(drf) =	srem.u32 s25, s20  }
0x26c: {  	(v2sf) =	vpush v4, $0xE;
	s28 =	spop (v2sf);
	[smem:$0x747] =	sst s7  }
0x26d: {  	s11 =	spop (drf);
	(drf) =	srem.u32 s28, s17  }
0x26e: {  	s29 =	spop (v2sf);
	[smem:$0x749] =	sst s11  }
0x26f: {  	s7 =	sor.u32 $0x20, s0;
	(drf) =	srem.u32 s29, s14;
	s2 =	spop (v2sf)  }
0x270: {  	v5 =	vor.u32 s7, v0;
	s28 =	spop (drf);
	(drf) =	srem.u32 s2, s19  }
0x271: {  	s11 =	spop (v2sf);
	(v2sf) =	vpush v5, $0x0;
	[smem:$0x74B] =	sst s28  }
0x272: {  	s29 =	spop (drf);
	(drf) =	srem.u32 s11, s6;
	(v2sf) =	vpush v5, $0xF  }
0x273: {  	s12 =	spop (v2sf);
	[smem:$0x74C] =	sst s29;
	(v2sf) =	vpush v5, $0x1  }
0x274: {  	s13 =	smov.u32 s17;
	(drf) =	srem.u32 s12, s26;
	s17 =	spop (v2sf);
	(v2sf) =	vpush v5, $0x2  }
0x275: {  	(drf) =	srem.u32 s17, s8;
	s25 =	spop (v2sf);
	(v2sf) =	vpush v5, $0x3  }
0x276: {  	(drf) =	srem.u32 s25, s30;
	(v2sf) =	vpush v5, $0x4;
	s2 =	spop (drf)  }
0x277: {  	(v2sf) =	vpush v5, $0x5;
	[smem:$0x74E] =	sst s2;
	s7 =	spop (drf)  }
0x278: {  	(v2sf) =	vpush v5, $0x6;
	[smem:$0x750] =	sst s7;
	s11 =	spop (drf)  }
0x279: {  	s7 =	spop (v2sf);
	[smem:$0x752] =	sst s11  }
0x27a: {  	s12 =	spop (drf);
	(drf) =	srem.u32 s7, s21  }
0x27b: {  	s11 =	spop (v2sf);
	[smem:$0x754] =	sst s12  }
0x27c: {  	s25 =	spop (drf);
	(drf) =	srem.u32 s11, s15  }
0x27d: {  	(v2sf) =	vpush v5, $0x7;
	[smem:$0x756] =	sst s25;
	s28 =	spop (drf)  }
0x27e: {  	[smem:$0x758] =	sst s28;
	s29 =	spop (drf)  }
0x27f: {  	(v2sf) =	vpush v5, $0x8;
	[smem:$0x75A] =	sst s29;
	s2 =	spop (drf)  }
0x280: {  	[smem:$0x75C] =	sst s2;
	s12 =	spop (v2sf)  }
0x281: {  	s25 =	smov.u32 s15;
	(drf) =	srem.u32 s12, s3;
	s15 =	spop (v2sf)  }
0x282: {  	(drf) =	srem.u32 s15, s4;
	s28 =	spop (v2sf)  }
0x283: {  	(v2sf) =	vpush v5, $0x9;
	(drf) =	srem.u32 s28, s5;
	s29 =	spop (v2sf)  }
0x284: {  	(drf) =	srem.u32 s29, s16;
	s2 =	spop (v2sf)  }
0x285: {  	(v2sf) =	vpush v5, $0xA;
	(drf) =	srem.u32 s2, s18;
	s7 =	spop (v2sf)  }
0x286: {  	(drf) =	srem.u32 s7, s31;
	s11 =	spop (v2sf)  }
0x287: {  	(v2sf) =	vpush v5, $0xB;
	(drf) =	srem.u32 s11, s20;
	s12 =	spop (v2sf)  }
0x288: {  	s15 =	smov.u32 s20;
	(v2sf) =	vpush v5, $0xC;
	s20 =	spop (drf);
	(drf) =	srem.u32 s12, s13  }
0x289: {  	s0 =	sor.u32 $0x30, s0;
	(v2sf) =	vpush v5, $0xD;
	[smem:$0x75D] =	sst s20;
	s28 =	spop (drf)  }
0x28a: {  	v4 =	vor.u32 s0, v0;
	(v2sf) =	vpush v5, $0xE;
	[smem:$0x75F] =	sst s28;
	s29 =	spop (drf)  }
0x28b: {  	(v2sf) =	vpush v4, $0x0;
	[smem:$0x74F] =	sst s29;
	s1 =	spop (drf)  }
0x28c: {  	s29 =	spop (v2sf);
	[smem:$0x74D] =	sst s1  }
0x28d: {  	(v2sf) =	vpush v4, $0xF;
	s2 =	spop (drf);
	(drf) =	srem.u32 s29, s14  }
0x28e: {  	s1 =	spop (v2sf);
	[smem:$0x751] =	sst s2  }
0x28f: {  	s7 =	spop (drf);
	(drf) =	srem.u32 s1, s19  }
0x290: {  	[smem:$0x753] =	sst s7;
	s11 =	spop (drf)  }
0x291: {  	(v2sf) =	vpush v4, $0x1;
	[smem:$0x755] =	sst s11;
	s12 =	spop (drf)  }
0x292: {  	s7 =	spop (v2sf);
	[smem:$0x757] =	sst s12  }
0x293: {  	(v2sf) =	vpush v4, $0x2;
	s20 =	spop (drf);
	(drf) =	srem.u32 s7, s6  }
0x294: {  	s11 =	spop (v2sf);
	[smem:$0x759] =	sst s20  }
0x295: {  	s28 =	spop (drf);
	(drf) =	srem.u32 s11, s26  }
0x296: {  	s12 =	spop (v2sf);
	[smem:$0x75B] =	sst s28  }
0x297: {  	s2 =	smov.u32 s19;
	(v2sf) =	vpush v4, $0x3;
	(drf) =	srem.u32 s12, s8;
	s19 =	spop (v2sf)  }
0x298: {  	(drf) =	srem.u32 s19, s30;
	s20 =	spop (v2sf)  }
0x299: {  	(v2sf) =	vpush v4, $0x4;
	s28 =	smov.u32 s21;
	(drf) =	srem.u32 s20, s21;
	s21 =	spop (v2sf)  }
0x29a: {  	(v2sf) =	vpush v4, $0x5;
	s29 =	spop (v2sf)  }
0x29b: {  	(v2sf) =	vpush v4, $0x6;
	(drf) =	srem.u32 s21, s25;
	s12 =	spop (drf)  }
0x29c: {  	(v2sf) =	vpush v4, $0x7;
	(drf) =	srem.u32 s29, s3;
	s1 =	spop (v2sf)  }
0x29d: {  	s20 =	smov.u32 s3;
	s3 =	spop (drf);
	(drf) =	srem.u32 s1, s4  }
0x29e: {  	s19 =	smov.u32 s4;
	(v2sf) =	vpush v4, $0x8;
	[smem:$0x75E] =	sst s3;
	s4 =	spop (drf)  }
0x29f: {  	(v2sf) =	vpush v4, $0x9;
	[smem:$0x760] =	sst s4;
	s7 =	spop (drf)  }
0x2a0: {  	s3 =	spop (v2sf);
	[smem:$0x762] =	sst s7  }
0x2a1: {  	s17 =	smov.u32 s8;
	(v2sf) =	vpush v4, $0xA;
	s8 =	spop (drf);
	(drf) =	srem.u32 s3, s5  }
0x2a2: {  	s4 =	spop (v2sf);
	[smem:$0x763] =	sst s8  }
0x2a3: {  	s11 =	spop (drf);
	(drf) =	srem.u32 s4, s16  }
0x2a4: {  	[smem:$0x764] =	sst s11;
	s21 =	spop (drf)  }
0x2a5: {  	[smem:$0x765] =	sst s21;
	s29 =	spop (drf)  }
0x2a6: {  	s23 =	smov.u32 s5;
	s5 =	spop (v2sf);
	[smem:$0x766] =	sst s29  }
0x2a7: {  	s1 =	spop (drf);
	(drf) =	srem.u32 s5, s18  }
0x2a8: {  	s8 =	spop (v2sf);
	[smem:$0x761] =	sst s1  }
0x2a9: {  	(drf) =	srem.u32 s8, s31;
	s11 =	spop (v2sf)  }
0x2aa: {  	s21 =	smov.u32 s31;
	(drf) =	srem.u32 s11, s15;
	s29 =	spop (v2sf)  }
0x2ab: {  	(v2sf) =	vpush v4, $0xB;
	s31 =	sadd.s32 $0x100, s10;
	(drf) =	srem.u32 s29, s13;
	s3 =	spop (v2sf)  }
0x2ac: {  	(v2sf) =	vpush v4, $0xC;
	s7 =	spop (drf);
	s1 =	sand.u32 $0x700, s31;
	(drf) =	srem.u32 s3, s14  }
0x2ad: {  	(v2sf) =	vpush v4, $0xD;
	s3 =	smov.u32 s14;
	s8 =	spop (v2sf);
	s14 =	sor.u32 s9, s1  }
0x2ae: {  	(v2sf) =	vpush v4, $0xE;
	v4 =	vor.u32 s14, v0;
	s10 =	spop (v2sf)  }
0x2af: {  	[dreg:$0x17] =	wrdreg s1;
	s1 =	spop (drf);
	(v2sf) =	vpush v4, $0x0  }
0x2b0: {  	s11 =	spop (v2sf);
	(v2sf) =	vpush v4, $0xF  }
0x2b1: {  	s31 =	spop (drf);
	(v2sf) =	vpush v4, $0x1  }
0x2b2: {  	(drf) =	srem.u32 s8, s2;
	(v2sf) =	vpush v4, $0x2;
	s8 =	spop (drf)  }
0x2b3: {  	(drf) =	srem.u32 s10, s6;
	(v2sf) =	vpush v4, $0x3;
	s10 =	spop (drf)  }
0x2b4: {  	(drf) =	srem.u32 s11, s26;
	(v2sf) =	vpush v4, $0x4;
	s11 =	spop (drf)  }
0x2b5: {  	s29 =	spop (drf)  }
0x2b6: {  	s5 =	smov.u32 s15;
	s15 =	sld [smem:$0x739];
	_ =	sdelay $0x2  }
0x2b7: {  	v5 =	vmov s15;
	s15 =	sld [smem:$0x73A];
	_ =	sdelay $0x2  }
0x2b8: {  	s0 =	spop (drf);
	v5 =	vsel vm0, s15, v5;
	s15 =	sld [smem:$0x73B]  }
0x2b9: {  	s9 =	spop (drf)  }
0x2ba: {  	[smem:$0x767] =	sst s9  }
0x2bb: {  	s9 =	spop (drf);
	v5 =	vsel vm1, s15, v5;
	s15 =	sld [smem:$0x73C]  }
0x2bc: {  	[smem:$0x768] =	sst s9;
	s9 =	spop (drf)  }
0x2bd: {  	[smem:$0x769] =	sst s9  }
0x2be: {  	s9 =	sld [smem:$0x73D];
	v5 =	vsel vm2, s15, v5;
	s15 =	spop (v2sf)  }
0x2bf: {  	s4 =	smov.u32 s17;
	(drf) =	srem.u32 s15, s17;
	s17 =	sld [smem:$0x73E]  }
0x2c0: {  	_ = 	snop  }
0x2c1: {  	v5 =	vsel vm3, s9, v5  }
0x2c2: {  	v5 =	vsel vm4, s17, v5;
	s17 =	sld [smem:$0x73F]  }
0x2c3: {  	s15 =	spop (v2sf)  }
0x2c4: {  	(drf) =	srem.u32 s15, s30  }
0x2c5: {  	s15 =	spop (v2sf);
	v5 =	vsel vm5, s17, v5;
	s17 =	sld [smem:$0x740]  }
0x2c6: {  	(drf) =	srem.u32 s15, s28;
	s15 =	spop (v2sf)  }
0x2c7: {  	(drf) =	srem.u32 s15, s25  }
0x2c8: {  	s15 =	spop (v2sf);
	v5 =	vsel vm6, s17, v5;
	s17 =	sld [smem:$0x741]  }
0x2c9: {  	(drf) =	srem.u32 s15, s20;
	s9 =	spop (v2sf)  }
0x2ca: {  	s20 =	sld [smem:$0x743];
	(drf) =	srem.u32 s9, s19  }
0x2cb: {  	s19 =	sld [smem:$0x742];
	v5 =	vsel vm7, s17, v5;
	s17 =	spop (v2sf)  }
0x2cc: {  	(drf) =	srem.u32 s17, s23;
	s17 =	sld [smem:$0x744]  }
0x2cd: {  	v5 =	vsel vm8, s24, v5;
	s24 =	spop (v2sf);
	s23 =	sld [smem:$0x746]  }
0x2ce: {  	v5 =	vsel vm9, s19, v5;
	s19 =	sld [smem:$0x745];
	(drf) =	srem.u32 s24, s16  }
0x2cf: {  	v41 =	vmov s20;
	s20 =	spop (v2sf);
	s24 =	sld [smem:$0x747]  }
0x2d0: {  	(drf) =	srem.u32 s20, s18;
	s18 =	sld [smem:$0x749]  }
0x2d1: {  	s20 =	sld [smem:$0x74B]  }
0x2d2: {  	(v2sf) =	vpush v4, $0x5;
	s16 =	spop (v2sf);
	v5 =	vsel vm10, s17, v5;
	s17 =	sld [smem:$0x748]  }
0x2d3: {  	(v2sf) =	vpush v4, $0x6;
	(drf) =	srem.u32 s16, s21;
	s21 =	sld [smem:$0x74C]  }
0x2d4: {  	(v2sf) =	vpush v4, $0x7;
	v6 =	vsel vm0, s19, v41;
	s19 =	sld [smem:$0x74A]  }
0x2d5: {  	(v2sf) =	vpush v4, $0x8;
	v5 =	vsel vm11, s23, v5;
	s23 =	sld [smem:$0x74D]  }
0x2d6: {  	(v2sf) =	vpush v4, $0x9;
	v6 =	vsel vm1, s24, v6;
	s24 =	sld [smem:$0x74E]  }
0x2d7: {  	(v2sf) =	vpush v4, $0xA;
	v5 =	vsel vm12, s17, v5;
	v6 =	vsel vm2, s18, v6;
	s18 =	sld [smem:$0x74F]  }
0x2d8: {  	(v2sf) =	vpush v4, $0xB;
	v5 =	vsel vm13, s19, v5;
	s19 =	sld [smem:$0x750]  }
0x2d9: {  	(v2sf) =	vpush v4, $0xC;
	v6 =	vsel vm3, s20, v6;
	s20 =	sld [smem:$0x751]  }
0x2da: {  	(v2sf) =	vpush v4, $0xD;
	v42 =	vmov s23;
	v6 =	vsel vm4, s21, v6;
	s21 =	sld [smem:$0x752]  }
0x2db: {  	(v2sf) =	vpush v4, $0xE;
	v4 =	vsel vm14, s22, v5;
	s22 =	sld [smem:$0x753];
	v7 =	vsel vm0, s18, v42  }
0x2dc: {  	v6 =	vsel vm5, s24, v6;
	v7 =	vsel vm1, s20, v7;
	s20 =	sld [smem:$0x755]  }
0x2dd: {  	s23 =	sld [smem:$0x754];
	v6 =	vsel vm6, s19, v6  }
0x2de: {  	v5 =	vsel vm7, s21, v6;
	v43 =	vsel vm2, s22, v7;
	s21 =	sld [smem:$0x756]  }
0x2df: {  	v6 =	vsel vm3, s20, v43;
	s20 =	sld [smem:$0x758]  }
0x2e0: {  	v5 =	vsel vm8, s23, v5  }
0x2e1: {  	s9 =	sld [smem:$0x75C];
	v5 =	vsel vm9, s21, v5  }
0x2e2: {  	v5 =	vsel vm10, s20, v5;
	s20 =	sld [smem:$0x75A]  }
0x2e3: {  	s23 =	sld [smem:$0x757]  }
0x2e4: {  	s21 =	sld [smem:$0x759]  }
0x2e5: {  	v5 =	vsel vm11, s20, v5;
	s20 =	sld [smem:$0x75B]  }
0x2e6: {  	s15 =	spop (drf);
	v6 =	vsel vm4, s23, v6  }
0x2e7: {  	s16 =	spop (drf);
	v6 =	vsel vm5, s21, v6  }
0x2e8: {  	s17 =	spop (drf);
	v5 =	vsel vm12, s9, v5;
	s9 =	simm.s32 $0x1000;
	v6 =	vsel vm6, s20, v6  }
0x2e9: {  	v4 =	vld.idx.msk [tilespmem:v4+s9+$0x0], $0xffff;
	s9 =	sld [smem:$0x75D];
	v6 =	vsel vm7, s12, v6;
	s12 =	spop (v2sf)  }
0x2ea: {  	(drf) =	srem.u32 s12, s5;
	s12 =	sld [smem:$0x75F]  }
0x2eb: {  	s18 =	spop (drf)  }
0x2ec: {  	s19 =	spop (drf);
	v5 =	vsel vm13, s9, v5;
	s9 =	sld [smem:$0x75E]  }
0x2ed: {  	s24 =	spop (drf);
	v5 =	vsel vm14, s12, v5;
	s12 =	sld [smem:$0x760]  }
0x2ee: {  	s22 =	spop (drf)  }
0x2ef: {  	s23 =	spop (drf);
	v6 =	vsel vm8, s9, v6  }
0x2f0: {  	s21 =	spop (drf);
	v6 =	vsel vm9, s12, v6;
	s12 =	sld [smem:$0x761]  }
0x2f1: {  	v44 =	vmov s7;
	s7 =	spop (v2sf)  }
0x2f2: {  	s20 =	spop (drf);
	(drf) =	srem.u32 s7, s13  }
0x2f3: {  	s7 =	spop (v2sf);
	v7 =	vsel vm0, s12, v44;
	s12 =	sld [smem:$0x762]  }
0x2f4: {  	(drf) =	srem.u32 s7, s3;
	s7 =	spop (v2sf)  }
0x2f5: {  	s9 =	smov.u32 s5;
	s5 =	sor.u32 $0x10, s14;
	(drf) =	srem.u32 s7, s2  }
0x2f6: {  	v8 =	vor.u32 s5, v0;
	s5 =	spop (v2sf);
	v6 =	vsel vm10, s12, v6;
	s12 =	sld [smem:$0x763]  }
0x2f7: {  	s7 =	smov.u32 s6;
	(drf) =	srem.u32 s5, s6;
	s6 =	spop (v2sf)  }
0x2f8: {  	s3 =	sld [smem:$0x765];
	(v2sf) =	vpush v8, $0x0;
	(drf) =	srem.u32 s6, s26;
	v7 =	vsel vm1, s1, v7  }
0x2f9: {  	v7 =	vsel vm2, s31, v7;
	s31 =	smov.u32 s2;
	s2 =	spop (drf);
	v6 =	vsel vm11, s12, v6;
	s12 =	sld [smem:$0x764]  }
0x2fa: {  	(v2sf) =	vpush v8, $0xF;
	s6 =	sld [smem:$0x766];
	v7 =	vsel vm3, s8, v7;
	s8 =	smov.u32 s26;
	s26 =	spop (v2sf)  }
0x2fb: {  	v4 =	vadd.s32 v1, v4;
	(drf) =	srem.u32 s26, s4;
	s5 =	spop (v2sf)  }
0x2fc: {  	[tilespmem:$0x2200] =	vst v4;
	(v2sf) =	vpush v8, $0x1;
	v7 =	vsel vm4, s10, v7;
	(drf) =	srem.u32 s5, s30;
	v6 =	vsel vm12, s12, v6;
	s12 =	smov.u32 s4;
	s4 =	simm.s32 $0x1000  }
0x2fd: {  	v46 =	vmov s24;
	(v2sf) =	vpush v8, $0x2;
	v45 =	vsel vm5, s11, v7;
	s11 =	smov.u32 s30;
	s10 =	spop (v2sf);
	s30 =	sld [smem:$0x767];
	v5 =	vld.idx.msk [tilespmem:v5+s4+$0x0], $0xffff  }
0x2fe: {  	(v2sf) =	vpush v8, $0x3;
	(drf) =	srem.u32 s10, s28;
	v4 =	vsel vm13, s3, v6;
	v6 =	vsel vm6, s29, v45;
	s3 =	sld [smem:$0x768]  }
0x2ff: {  	v7 =	vsel vm0, s19, v46;
	s26 =	spop (v2sf);
	v4 =	vsel vm14, s6, v4;
	v6 =	vsel vm7, s0, v6;
	s6 =	sld [smem:$0x769]  }
0x300: {  	v7 =	vsel vm1, s22, v7;
	(v2sf) =	vpush v8, $0x4;
	s4 =	spop (drf);
	v6 =	vsel vm8, s30, v6  }
0x301: {  	(drf) =	srem.u32 s26, s25;
	v7 =	vsel vm2, s23, v7;
	(v2sf) =	vpush v8, $0x5;
	s10 =	spop (drf);
	v6 =	vsel vm9, s3, v6  }
0x302: {  	v7 =	vsel vm3, s21, v7;
	s19 =	spop (drf);
	v6 =	vsel vm10, s6, v6;
	v5 =	vadd.s32 v1, v5  }
0x303: {  	s21 =	simm.s32 $0x1000;
	v47 =	vsel vm4, s20, v7;
	s22 =	spop (drf);
	v6 =	vsel vm11, s15, v6;
	[tilespmem:$0x2210] =	vst v5  }
0x304: {  	s23 =	spop (drf);
	v5 =	vsel vm12, s16, v6;
	v6 =	vsel vm5, s2, v47;
	v4 =	vld.idx.msk [tilespmem:v4+s21+$0x0], $0xffff  }
0x305: {  	s24 =	spop (drf);
	v6 =	vsel vm6, s4, v6  }
0x306: {  	(v2sf) =	vpush v8, $0x6;
	s20 =	rddreg [dreg:$0x8];
	s26 =	spop (drf);
	v5 =	vsel vm13, s17, v5;
	v6 =	vsel vm7, s10, v6  }
0x307: {  	s30 =	rddreg [dreg:$0x1c];
	v5 =	vsel vm14, s18, v5;
	s10 =	spop (v2sf);
	v6 =	vsel vm8, s19, v6  }
0x308: {  	s0 =	spop (drf);
	(drf) =	srem.u32 s10, s30;
	v6 =	vsel vm9, s22, v6  }
0x309: {  	s16 =	spop (v2sf);
	s10 =	rddreg [dreg:$0x1d];
	v6 =	vsel vm10, s23, v6;
	v4 =	vadd.s32 v1, v4  }
0x30a: {  	s6 =	spop (drf);
	(drf) =	srem.u32 s16, s10;
	[tilespmem:$0x2220] =	vst v4;
	v4 =	vsel vm11, s24, v6  }
0x30b: {  	s15 =	simm.s32 $0x1000;
	s17 =	spop (v2sf);
	v4 =	vsel vm12, s26, v4;
	s26 =	rddreg [dreg:$0x1e]  }
0x30c: {  	s18 =	spop (v2sf);
	v5 =	vld.idx.msk [tilespmem:v5+s15+$0x0], $0xffff;
	v4 =	vsel vm13, s0, v4;
	s0 =	sld [smem:$0x7B8]  }
0x30d: {  	(drf) =	srem.u32 s17, s26;
	v4 =	vsel vm14, s6, v4;
	s6 =	rddreg [dreg:$0x1f]  }
0x30e: {  	(drf) =	srem.u32 s18, s6;
	s18 =	sld [smem:$0x7B9]  }
0x30f: {  	s21 =	rddreg [dreg:$0x0];
	s19 =	spop (v2sf)  }
0x310: {  	(v2sf) =	vpush v8, $0x7;
	s16 =	spop (v2sf);
	(drf) =	srem.u32 s19, s0  }
0x311: {  	s22 =	simm.s32 $0x8480;
	s17 =	spop (v2sf);
	v5 =	vadd.s32 v1, v5;
	(drf) =	srem.u32 s16, s18  }
0x312: {  	(v2sf) =	vpush v8, $0x8;
	s23 =	simm.s32 $0x40;
	s24 =	simm.s32 $0x1000;
	[tilespmem:$0x2230] =	vst v5;
	(drf) =	srem.u32 s17, s9  }
0x313: {  	(v2sf) =	vpush v8, $0x9;
	[tilespmem:s22], [sflag:$0x5] =	stream.indirect.gather [hbm4b:s21+s23], $0x80, s20, s23, $0xb8;
	[tilespmem:$0x12480] =	vst v63  }
0x314: {  	s2 =	spop (drf);
	v4 =	vld.idx.msk [tilespmem:v4+s24+$0x0], $0xffff  }
0x315: {  	(v2sf) =	vpush v8, $0xA;
	s19 =	spop (v2sf)  }
0x316: {  	(v2sf) =	vpush v8, $0xB;
	s3 =	spop (drf)  }
0x317: {  	(v2sf) =	vpush v8, $0xC;
	s4 =	spop (drf)  }
0x318: {  	(v2sf) =	vpush v8, $0xD;
	s5 =	spop (drf)  }
0x319: {  	(v2sf) =	vpush v8, $0xE;
	s22 =	sor.u32 $0x20, s14;
	v4 =	vadd.s32 v1, v4;
	s15 =	spop (drf)  }
0x31a: {  	(drf) =	srem.u32 s19, s13;
	[tilespmem:$0x2280] =	vst v4;
	v4 =	vor.u32 s22, v0;
	s23 =	spop (drf)  }
0x31b: {  	(v2sf) =	vpush v4, $0x0;
	s24 =	spop (drf)  }
0x31c: {  	[smem:$0x770] =	sst s24  }
0x31d: {  	(v2sf) =	vpush v4, $0xF;
	s24 =	sld [smem:$0x7BA];
	_ =	sdelay $0x1  }
0x31e: {  	[smem:$0x76A] =	sst s3;
	s3 =	spop (v2sf)  }
0x31f: {  	[smem:$0x76C] =	sst s4;
	(v2sf) =	vpush v4, $0x1;
	(drf) =	srem.u32 s3, s24  }
0x320: {  	s4 =	spop (v2sf);
	[smem:$0x76D] =	sst s5  }
0x321: {  	s5 =	spop (v2sf);
	(v2sf) =	vpush v4, $0x2;
	(drf) =	srem.u32 s4, s31  }
0x322: {  	[smem:$0x76B] =	sst s2;
	s2 =	spop (drf)  }
0x323: {  	s22 =	smov.u32 s7;
	(v2sf) =	vpush v4, $0x3;
	(drf) =	srem.u32 s5, s7;
	s7 =	spop (v2sf)  }
0x324: {  	s4 =	smov.u32 s8;
	(drf) =	srem.u32 s7, s8;
	s8 =	spop (v2sf)  }
0x325: {  	s21 =	smov.u32 s13;
	[smem:$0x76E] =	sst s15;
	(v2sf) =	vpush v4, $0x4;
	s13 =	spop (v2sf)  }
0x326: {  	(drf) =	srem.u32 s8, s12;
	s15 =	spop (v2sf)  }
0x327: {  	(v2sf) =	vpush v4, $0x5;
	(drf) =	srem.u32 s13, s11;
	s16 =	spop (v2sf)  }
0x328: {  	(v2sf) =	vpush v4, $0x6;
	(drf) =	srem.u32 s15, s28;
	s15 =	spop (drf)  }
0x329: {  	s17 =	spop (v2sf)  }
0x32a: {  	(v2sf) =	vpush v4, $0x7;
	s13 =	spop (drf)  }
0x32b: {  	[smem:$0x76F] =	sst s23;
	s23 =	spop (v2sf)  }
0x32c: {  	s29 =	smov.u32 s28;
	(v2sf) =	vpush v4, $0x8;
	(drf) =	srem.u32 s16, s25;
	s28 =	spop (drf)  }
0x32d: {  	s8 =	smov.u32 s30;
	(drf) =	srem.u32 s17, s30;
	s30 =	spop (drf)  }
0x32e: {  	s7 =	smov.u32 s10;
	(drf) =	srem.u32 s23, s10;
	s10 =	spop (v2sf)  }
0x32f: {  	s1 =	spop (drf)  }
0x330: {  	s19 =	smov.u32 s12;
	(v2sf) =	vpush v4, $0x9;
	[smem:$0x772] =	sst s28;
	s12 =	spop (v2sf)  }
0x331: {  	(v2sf) =	vpush v4, $0xA;
	[smem:$0x773] =	sst s30;
	s3 =	spop (drf)  }
0x332: {  	(drf) =	srem.u32 s10, s26;
	s23 =	spop (v2sf)  }
0x333: {  	(v2sf) =	vpush v4, $0xB;
	[smem:$0x774] =	sst s1;
	s5 =	spop (drf)  }
0x334: {  	(drf) =	srem.u32 s12, s6;
	s28 =	spop (v2sf)  }
0x335: {  	s20 =	smov.u32 s9;
	(v2sf) =	vpush v4, $0xC;
	(drf) =	srem.u32 s23, s0;
	s9 =	spop (drf)  }
0x336: {  	[smem:$0x775] =	sst s3;
	s30 =	spop (v2sf)  }
0x337: {  	(v2sf) =	vpush v4, $0xD;
	s3 =	smov.u32 s0;
	[smem:$0x776] =	sst s5;
	s0 =	spop (v2sf)  }
0x338: {  	(drf) =	srem.u32 s28, s18;
	s17 =	spop (drf)  }
0x339: {  	[smem:$0x777] =	sst s9;
	s1 =	spop (v2sf)  }
0x33a: {  	(drf) =	srem.u32 s30, s20;
	s5 =	spop (drf)  }
0x33b: {  	s9 =	sor.u32 $0x30, s14;
	(drf) =	srem.u32 s0, s21;
	s14 =	spop (v2sf)  }
0x33c: {  	(v2sf) =	vpush v4, $0xE;
	v5 =	vor.u32 s9, v0;
	(drf) =	srem.u32 s1, s24;
	s28 =	spop (drf)  }
0x33d: {  	(v2sf) =	vpush v5, $0x0;
	(drf) =	srem.u32 s14, s31;
	s14 =	spop (drf)  }
0x33e: {  	[smem:$0x771] =	sst s2;
	(v2sf) =	vpush v5, $0xF;
	s30 =	spop (drf)  }
0x33f: {  	s2 =	smov.u32 s6;
	s6 =	smov.u32 s18;
	s18 =	spop (v2sf)  }
0x340: {  	s10 =	smov.u32 s21;
	(v2sf) =	vpush v5, $0x1;
	(drf) =	srem.u32 s18, s22;
	s21 =	spop (v2sf)  }
0x341: {  	s0 =	spop (drf);
	(drf) =	srem.u32 s21, s4  }
0x342: {  	(v2sf) =	vpush v5, $0x2;
	s18 =	spop (v2sf)  }
0x343: {  	(v2sf) =	vpush v5, $0x3;
	s4 =	spop (drf)  }
0x344: {  	s1 =	spop (v2sf)  }
0x345: {  	(v2sf) =	vpush v5, $0x4;
	(drf) =	srem.u32 s18, s19;
	s21 =	spop (drf)  }
0x346: {  	s18 =	smov.u32 s11;
	(drf) =	srem.u32 s1, s11;
	s11 =	spop (v2sf)  }
0x347: {  	s9 =	spop (drf)  }
0x348: {  	s12 =	smov.u32 s24;
	s24 =	smov.u32 s31;
	(v2sf) =	vpush v5, $0x5;
	s31 =	spop (drf)  }
0x349: {  	(drf) =	srem.u32 s11, s29;
	s23 =	spop (drf)  }
0x34a: {  	(v2sf) =	vpush v5, $0x6;
	[smem:$0x778] =	sst s23;
	s16 =	spop (drf)  }
0x34b: {  	[smem:$0x779] =	sst s16;
	s16 =	spop (v2sf)  }
0x34c: {  	(drf) =	srem.u32 s16, s25;
	s1 =	spop (v2sf)  }
0x34d: {  	(drf) =	srem.u32 s1, s8;
	s11 =	spop (v2sf)  }
0x34e: {  	(v2sf) =	vpush v5, $0x7;
	s23 =	spop (drf);
	(drf) =	srem.u32 s11, s7  }
0x34f: {  	(v2sf) =	vpush v5, $0x8;
	s16 =	spop (v2sf);
	s11 =	sld [smem:$0x76A]  }
0x350: {  	(v2sf) =	vpush v5, $0x9;
	(drf) =	srem.u32 s16, s26;
	s16 =	sld [smem:$0x76B]  }
0x351: {  	(v2sf) =	vpush v5, $0xA;
	s1 =	spop (v2sf);
	s26 =	sld [smem:$0x76C]  }
0x352: {  	(v2sf) =	vpush v5, $0xB;
	(drf) =	srem.u32 s1, s2;
	s7 =	spop (v2sf)  }
0x353: {  	(v2sf) =	vpush v5, $0xC;
	s2 =	sld [smem:$0x76D];
	(drf) =	srem.u32 s7, s3;
	v4 =	vmov s11  }
0x354: {  	(v2sf) =	vpush v5, $0xD;
	s8 =	spop (v2sf);
	s7 =	sld [smem:$0x76E];
	v4 =	vsel vm0, s16, v4  }
0x355: {  	(v2sf) =	vpush v5, $0xE;
	v5 =	vmov s5;
	(drf) =	srem.u32 s8, s6;
	s8 =	sld [smem:$0x76F];
	v4 =	vsel vm1, s26, v4  }
0x356: {  	s11 =	sld [smem:$0x770];
	s6 =	spop (drf);
	v5 =	vsel vm0, s17, v5;
	v4 =	vsel vm2, s2, v4  }
0x357: {  	s26 =	sld [smem:$0x771];
	v5 =	vsel vm1, s28, v5;
	s28 =	spop (v2sf);
	v4 =	vsel vm3, s7, v4  }
0x358: {  	s16 =	spop (drf);
	(drf) =	srem.u32 s28, s20;
	v4 =	vsel vm4, s8, v4  }
0x359: {  	s17 =	spop (v2sf);
	s28 =	sld [smem:$0x773];
	v4 =	vsel vm5, s11, v4  }
0x35a: {  	v5 =	vsel vm2, s14, v5;
	s14 =	sld [smem:$0x774];
	s3 =	spop (drf);
	v4 =	vsel vm6, s26, v4  }
0x35b: {  	v5 =	vsel vm3, s30, v5;
	(drf) =	srem.u32 s17, s10;
	s2 =	spop (drf);
	v4 =	vsel vm7, s15, v4  }
0x35c: {  	v5 =	vsel vm4, s0, v5;
	s1 =	spop (drf);
	v4 =	vsel vm8, s13, v4;
	s13 =	sld [smem:$0x772]  }
0x35d: {  	s11 =	spop (v2sf);
	v5 =	vsel vm5, s4, v5;
	s4 =	rddreg [dreg:$0x18]  }
0x35e: {  	s8 =	spop (drf);
	s26 =	smov.u32 s20;
	(drf) =	srem.u32 s11, s12  }
0x35f: {  	s20 =	smov.u32 s10;
	s10 =	sld [smem:$0x776];
	s17 =	spop (v2sf);
	v4 =	vsel vm9, s13, v4  }
0x360: {  	v5 =	vsel vm6, s21, v5;
	s21 =	sld [smem:$0x7BE];
	(drf) =	srem.u32 s17, s24;
	v4 =	vsel vm10, s28, v4  }
0x361: {  	s30 =	spop (v2sf);
	v4 =	vsel vm11, s14, v4;
	s14 =	smov.u32 s12;
	s12 =	sadd.s32 $0x140, s4  }
0x362: {  	(drf) =	srem.u32 s30, s22;
	s30 =	rddreg [dreg:$0xd];
	s13 =	sand.u32 $0x740, s12  }
0x363: {  	s7 =	spop (drf);
	v5 =	vsel vm7, s9, v5;
	s9 =	sld [smem:$0x779];
	s0 =	sor.u32 s30, s13  }
0x364: {  	s5 =	spop (drf);
	s28 =	sld [smem:$0x775];
	v49 =	vor.u32 s0, v0  }
0x365: {  	s11 =	smov.u32 s22;
	s15 =	spop (drf);
	s22 =	sld [smem:$0x777];
	(v2sf) =	vpush v49, $0x0  }
0x366: {  	v48 =	vmov s1;
	s17 =	spop (v2sf);
	s4 =	sld [smem:$0x778];
	(v2sf) =	vpush v49, $0xF  }
0x367: {  	v6 =	vsel vm0, s2, v48;
	(drf) =	srem.u32 s17, s21;
	v4 =	vsel vm12, s28, v4;
	s28 =	spop (v2sf)  }
0x368: {  	v5 =	vsel vm8, s31, v5;
	v6 =	vsel vm1, s8, v6;
	v4 =	vsel vm13, s10, v4;
	(drf) =	srem.u32 s28, s19;
	s31 =	spop (v2sf)  }
0x369: {  	v6 =	vsel vm2, s7, v6;
	v5 =	vsel vm9, s4, v5;
	v4 =	vsel vm14, s22, v4;
	(drf) =	srem.u32 s31, s18;
	s8 =	spop (v2sf)  }
0x36a: {  	v6 =	vsel vm3, s5, v6;
	s12 =	spop (drf);
	v5 =	vsel vm10, s9, v5;
	(drf) =	srem.u32 s8, s29  }
0x36b: {  	v6 =	vsel vm4, s15, v6;
	s15 =	spop (drf);
	v5 =	vsel vm11, s23, v5;
	(v2sf) =	vpush v49, $0x1  }
0x36c: {  	[dreg:$0x19] =	wrdreg s13;
	s10 =	spop (v2sf);
	v5 =	vsel vm12, s6, v5;
	(v2sf) =	vpush v49, $0x2  }
0x36d: {  	s13 =	simm.s32 $0x1000;
	(drf) =	srem.u32 s10, s25;
	v5 =	vsel vm13, s16, v5;
	s16 =	spop (drf);
	(v2sf) =	vpush v49, $0x3  }
0x36e: {  	v6 =	vsel vm5, s12, v6;
	s17 =	spop (drf);
	v4 =	vld.idx.msk [tilespmem:v4+s13+$0x0], $0xffff;
	(v2sf) =	vpush v49, $0x4  }
0x36f: {  	v6 =	vsel vm6, s15, v6;
	s22 =	spop (drf)  }
0x370: {  	v5 =	vsel vm14, s3, v5;
	v6 =	vsel vm7, s16, v6;
	s23 =	spop (drf)  }
0x371: {  	v6 =	vsel vm8, s17, v6;
	(v2sf) =	vpush v49, $0x5;
	s28 =	spop (drf)  }
0x372: {  	s31 =	smov.u32 s29;
	v6 =	vsel vm9, s22, v6;
	(v2sf) =	vpush v49, $0x6;
	s29 =	spop (drf)  }
0x373: {  	s12 =	rddreg [dreg:$0x1c];
	v6 =	vsel vm10, s23, v6;
	(v2sf) =	vpush v49, $0x7;
	v4 =	vadd.s32 v1, v4;
	s3 =	spop (drf)  }
0x374: {  	s30 =	simm.s32 $0x1000;
	s17 =	rddreg [dreg:$0x1d];
	[tilespmem:$0x2290] =	vst v4;
	v4 =	vsel vm11, s28, v6;
	s5 =	spop (v2sf)  }
0x375: {  	(v2sf) =	vpush v49, $0x8;
	v5 =	vld.idx.msk [tilespmem:v5+s30+$0x0], $0xffff;
	v4 =	vsel vm12, s29, v4;
	(drf) =	srem.u32 s5, s12;
	s6 =	spop (v2sf)  }
0x376: {  	s4 =	spop (drf);
	v4 =	vsel vm13, s3, v4;
	(drf) =	srem.u32 s6, s17  }
0x377: {  	(v2sf) =	vpush v49, $0x9;
	v4 =	vsel vm14, s4, v4;
	_ =	sdelay $0x1  }
0x378: {  	(v2sf) =	vpush v49, $0xA  }
0x379: {  	s10 =	rddreg [dreg:$0x9];
	v5 =	vadd.s32 v1, v5;
	s8 =	spop (v2sf)  }
0x37a: {  	s7 =	simm.s32 $0x1000;
	s13 =	rddreg [dreg:$0x0];
	[tilespmem:$0x22A0] =	vst v5;
	s9 =	spop (v2sf)  }
0x37b: {  	s22 =	rddreg [dreg:$0x1e];
	(v2sf) =	vpush v49, $0xB;
	v4 =	vld.idx.msk [tilespmem:v4+s7+$0x0], $0xffff;
	s3 =	spop (v2sf)  }
0x37c: {  	s29 =	rddreg [dreg:$0x1f];
	(v2sf) =	vpush v49, $0xC;
	s4 =	spop (v2sf)  }
0x37d: {  	(drf) =	srem.u32 s8, s22;
	s23 =	spop (drf)  }
0x37e: {  	(v2sf) =	vpush v49, $0xD;
	(drf) =	srem.u32 s9, s29;
	s28 =	spop (drf)  }
0x37f: {  	s6 =	spop (v2sf);
	[smem:$0x77A] =	sst s28  }
0x380: {  	s15 =	simm.s32 $0xA480;
	(v2sf) =	vpush v49, $0xE;
	s7 =	spop (v2sf);
	v4 =	vadd.s32 v1, v4;
	s28 =	sld [smem:$0x7B8]  }
0x381: {  	s16 =	simm.s32 $0x40;
	s5 =	sld [smem:$0x7B9];
	s8 =	spop (v2sf);
	[tilespmem:$0x22B0] =	vst v4  }
0x382: {  	[tilespmem:s15], [sflag:$0x6] =	stream.indirect.gather [hbm4b:s13+s16], $0x80, s10, s16, $0xb8;
	[tilespmem:$0x12480] =	vst v63  }
0x383: {  	s9 =	spop (v2sf);
	(drf) =	srem.u32 s3, s28  }
0x384: {  	[smem:$0x77B] =	sst s23;
	(drf) =	srem.u32 s4, s5  }
0x385: {  	s15 =	spop (v2sf);
	(drf) =	srem.u32 s6, s26  }
0x386: {  	s30 =	spop (drf);
	(drf) =	srem.u32 s7, s20  }
0x387: {  	s10 =	sor.u32 $0x10, s0;
	s16 =	spop (v2sf);
	(drf) =	srem.u32 s8, s14  }
0x388: {  	v4 =	vor.u32 s10, v0;
	s2 =	spop (drf);
	(drf) =	srem.u32 s9, s24  }
0x389: {  	[smem:$0x77C] =	sst s30;
	(v2sf) =	vpush v4, $0x0;
	s6 =	smov.u32 s11;
	(drf) =	srem.u32 s15, s11  }
0x38a: {  	(v2sf) =	vpush v4, $0xF;
	s11 =	smov.u32 s21;
	(drf) =	srem.u32 s16, s21;
	s21 =	spop (v2sf)  }
0x38b: {  	[smem:$0x77D] =	sst s2;
	s23 =	spop (v2sf)  }
0x38c: {  	(v2sf) =	vpush v4, $0x1;
	(drf) =	srem.u32 s21, s19;
	s2 =	spop (drf)  }
0x38d: {  	(drf) =	srem.u32 s23, s18;
	s21 =	spop (v2sf)  }
0x38e: {  	(v2sf) =	vpush v4, $0x2;
	[smem:$0x77E] =	sst s2;
	s3 =	spop (drf)  }
0x38f: {  	(v2sf) =	vpush v4, $0x3;
	(drf) =	srem.u32 s21, s31;
	s23 =	spop (v2sf)  }
0x390: {  	(v2sf) =	vpush v4, $0x4;
	[smem:$0x77F] =	sst s3;
	s4 =	spop (drf)  }
0x391: {  	(v2sf) =	vpush v4, $0x5;
	(drf) =	srem.u32 s23, s25;
	s7 =	spop (drf)  }
0x392: {  	(v2sf) =	vpush v4, $0x6;
	[smem:$0x780] =	sst s4;
	s8 =	spop (drf)  }
0x393: {  	[smem:$0x781] =	sst s7;
	s9 =	spop (drf)  }
0x394: {  	(v2sf) =	vpush v4, $0x7;
	[smem:$0x782] =	sst s8;
	s10 =	spop (drf)  }
0x395: {  	[smem:$0x783] =	sst s9;
	s15 =	spop (drf)  }
0x396: {  	(v2sf) =	vpush v4, $0x8;
	[smem:$0x784] =	sst s10;
	s16 =	spop (drf)  }
0x397: {  	s30 =	smov.u32 s18;
	[smem:$0x785] =	sst s15;
	s18 =	spop (drf)  }
0x398: {  	[smem:$0x787] =	sst s16;
	s16 =	smov.u32 s25;
	s25 =	spop (v2sf)  }
0x399: {  	[smem:$0x789] =	sst s18;
	s2 =	spop (v2sf)  }
0x39a: {  	(drf) =	srem.u32 s25, s12;
	s23 =	spop (drf)  }
0x39b: {  	(drf) =	srem.u32 s2, s17;
	s7 =	spop (v2sf)  }
0x39c: {  	(v2sf) =	vpush v4, $0x9;
	[smem:$0x78B] =	sst s23;
	s25 =	spop (drf)  }
0x39d: {  	(drf) =	srem.u32 s7, s22;
	s8 =	spop (v2sf)  }
0x39e: {  	(v2sf) =	vpush v4, $0xA;
	(drf) =	srem.u32 s8, s29;
	s9 =	spop (v2sf)  }
0x39f: {  	(drf) =	srem.u32 s9, s28;
	s10 =	spop (v2sf)  }
0x3a0: {  	s3 =	smov.u32 s12;
	(v2sf) =	vpush v4, $0xB;
	(drf) =	srem.u32 s10, s5;
	s12 =	spop (v2sf)  }
0x3a1: {  	(v2sf) =	vpush v4, $0xC;
	(drf) =	srem.u32 s12, s26;
	s15 =	spop (v2sf)  }
0x3a2: {  	(v2sf) =	vpush v4, $0xD;
	(drf) =	srem.u32 s15, s20;
	[smem:$0x78D] =	sst s25  }
0x3a3: {  	s23 =	spop (v2sf)  }
0x3a4: {  	s21 =	smov.u32 s29;
	s29 =	sor.u32 $0x20, s0;
	s9 =	spop (drf)  }
0x3a5: {  	v5 =	vor.u32 s29, v0;
	(v2sf) =	vpush v4, $0xE;
	s25 =	spop (v2sf)  }
0x3a6: {  	s18 =	smov.u32 s5;
	(v2sf) =	vpush v5, $0x0;
	s5 =	spop (drf)  }
0x3a7: {  	s8 =	spop (drf)  }
0x3a8: {  	(v2sf) =	vpush v5, $0xF;
	s10 =	spop (drf)  }
0x3a9: {  	(drf) =	srem.u32 s23, s14;
	s2 =	spop (drf)  }
0x3aa: {  	(drf) =	srem.u32 s25, s24;
	s7 =	spop (drf)  }
0x3ab: {  	(v2sf) =	vpush v5, $0x1;
	[smem:$0x786] =	sst s2;
	s2 =	spop (v2sf)  }
0x3ac: {  	[smem:$0x788] =	sst s7;
	s12 =	spop (drf)  }
0x3ad: {  	(v2sf) =	vpush v5, $0x2;
	(drf) =	srem.u32 s2, s6;
	s7 =	spop (v2sf)  }
0x3ae: {  	[smem:$0x78A] =	sst s12;
	s15 =	spop (drf)  }
0x3af: {  	(v2sf) =	vpush v5, $0x3;
	(drf) =	srem.u32 s7, s11;
	s12 =	spop (v2sf)  }
0x3b0: {  	s29 =	smov.u32 s14;
	(v2sf) =	vpush v5, $0x4;
	(drf) =	srem.u32 s12, s19;
	s14 =	spop (v2sf)  }
0x3b1: {  	(v2sf) =	vpush v5, $0x5;
	[smem:$0x78C] =	sst s15;
	s15 =	spop (v2sf)  }
0x3b2: {  	(v2sf) =	vpush v5, $0x6;
	(drf) =	srem.u32 s14, s30;
	s7 =	spop (drf)  }
0x3b3: {  	s25 =	smov.u32 s11;
	s11 =	spop (drf)  }
0x3b4: {  	s12 =	smov.u32 s19;
	(v2sf) =	vpush v5, $0x7;
	(drf) =	srem.u32 s15, s31;
	s19 =	spop (v2sf)  }
0x3b5: {  	s23 =	spop (v2sf)  }
0x3b6: {  	s14 =	spop (drf)  }
0x3b7: {  	(drf) =	srem.u32 s19, s16;
	s2 =	spop (v2sf)  }
0x3b8: {  	(v2sf) =	vpush v5, $0x8;
	(drf) =	srem.u32 s23, s3;
	s15 =	spop (drf)  }
0x3b9: {  	s4 =	smov.u32 s17;
	(v2sf) =	vpush v5, $0x9;
	(drf) =	srem.u32 s2, s17;
	s17 =	spop (drf)  }
0x3ba: {  	[smem:$0x78E] =	sst s7;
	(v2sf) =	vpush v5, $0xA;
	s7 =	spop (v2sf)  }
0x3bb: {  	[smem:$0x78F] =	sst s11;
	s19 =	spop (drf)  }
0x3bc: {  	(v2sf) =	vpush v5, $0xB;
	[smem:$0x792] =	sst s17;
	s11 =	spop (v2sf)  }
0x3bd: {  	(drf) =	srem.u32 s7, s22;
	s23 =	spop (drf)  }
0x3be: {  	(v2sf) =	vpush v5, $0xC;
	[smem:$0x793] =	sst s19;
	s17 =	spop (v2sf)  }
0x3bf: {  	(drf) =	srem.u32 s11, s21;
	s19 =	spop (v2sf)  }
0x3c0: {  	s1 =	smov.u32 s21;
	[smem:$0x794] =	sst s23;
	s21 =	spop (v2sf)  }
0x3c1: {  	s23 =	smov.u32 s28;
	(v2sf) =	vpush v5, $0xD;
	(drf) =	srem.u32 s17, s28;
	s28 =	spop (v2sf)  }
0x3c2: {  	[smem:$0x790] =	sst s14;
	s2 =	spop (drf)  }
0x3c3: {  	(drf) =	srem.u32 s19, s18;
	s7 =	spop (v2sf)  }
0x3c4: {  	(drf) =	srem.u32 s21, s26;
	s14 =	spop (drf)  }
0x3c5: {  	[smem:$0x795] =	sst s2;
	s2 =	spop (drf)  }
0x3c6: {  	s11 =	smov.u32 s26;
	(drf) =	srem.u32 s28, s20;
	s26 =	spop (drf)  }
0x3c7: {  	(drf) =	srem.u32 s7, s29;
	s17 =	spop (v2sf)  }
0x3c8: {  	s0 =	sor.u32 $0x30, s0;
	(drf) =	srem.u32 s17, s24;
	s19 =	spop (v2sf)  }
0x3c9: {  	s13 =	smov.u32 s20;
	v4 =	vor.u32 s0, v0;
	(v2sf) =	vpush v5, $0xE;
	(drf) =	srem.u32 s19, s6;
	s20 =	spop (v2sf)  }
0x3ca: {  	(v2sf) =	vpush v4, $0x0;
	(drf) =	srem.u32 s20, s25;
	s25 =	spop (drf)  }
0x3cb: {  	[smem:$0x791] =	sst s15;
	(v2sf) =	vpush v4, $0xF;
	s15 =	spop (v2sf)  }
0x3cc: {  	s7 =	smov.u32 s24;
	s24 =	spop (drf)  }
0x3cd: {  	(v2sf) =	vpush v4, $0x1;
	(drf) =	srem.u32 s15, s12;
	s15 =	smov.u32 s12;
	s12 =	spop (v2sf)  }
0x3ce: {  	(v2sf) =	vpush v4, $0x2;
	s0 =	spop (drf)  }
0x3cf: {  	s20 =	spop (drf)  }
0x3d0: {  	(v2sf) =	vpush v4, $0x3;
	(drf) =	srem.u32 s12, s30;
	s12 =	spop (v2sf)  }
0x3d1: {  	s19 =	spop (drf)  }
0x3d2: {  	(drf) =	srem.u32 s12, s31;
	s12 =	sld [smem:$0x77A]  }
0x3d3: {  	s6 =	spop (drf)  }
0x3d4: {  	s17 =	spop (drf)  }
0x3d5: {  	(v2sf) =	vpush v4, $0x4;
	v5 =	vmov s12;
	s12 =	sld [smem:$0x77B];
	s28 =	spop (drf)  }
0x3d6: {  	s21 =	spop (drf)  }
0x3d7: {  	[smem:$0x796] =	sst s21  }
0x3d8: {  	s21 =	spop (v2sf);
	v5 =	vsel vm0, s12, v5;
	s12 =	sld [smem:$0x77C]  }
0x3d9: {  	(drf) =	srem.u32 s21, s16;
	s21 =	spop (v2sf)  }
0x3da: {  	(drf) =	srem.u32 s21, s3;
	s16 =	spop (v2sf)  }
0x3db: {  	v50 =	vmov s5;
	s5 =	sld [smem:$0x782];
	(drf) =	srem.u32 s16, s4  }
0x3dc: {  	v5 =	vsel vm1, s12, v5;
	s16 =	spop (v2sf);
	s12 =	sld [smem:$0x77D]  }
0x3dd: {  	(drf) =	srem.u32 s16, s22;
	s16 =	spop (v2sf)  }
0x3de: {  	s22 =	sld [smem:$0x77E];
	(drf) =	srem.u32 s16, s1  }
0x3df: {  	(v2sf) =	vpush v4, $0x5;
	s16 =	sld [smem:$0x77F];
	v5 =	vsel vm2, s12, v5;
	s12 =	spop (v2sf)  }
0x3e0: {  	(v2sf) =	vpush v4, $0x6;
	(drf) =	srem.u32 s12, s23;
	s23 =	sld [smem:$0x780]  }
0x3e1: {  	(v2sf) =	vpush v4, $0x7;
	s3 =	sld [smem:$0x781];
	v5 =	vsel vm3, s22, v5  }
0x3e2: {  	v6 =	vsel vm0, s9, v50;
	s9 =	sld [smem:$0x783];
	(v2sf) =	vpush v4, $0x8;
	v5 =	vsel vm4, s16, v5  }
0x3e3: {  	(v2sf) =	vpush v4, $0x9;
	s12 =	sld [smem:$0x784];
	v5 =	vsel vm5, s23, v5  }
0x3e4: {  	(v2sf) =	vpush v4, $0xA;
	s22 =	spop (v2sf);
	s16 =	sld [smem:$0x785];
	v5 =	vsel vm6, s3, v5  }
0x3e5: {  	(v2sf) =	vpush v4, $0xB;
	(drf) =	srem.u32 s22, s18;
	s22 =	smov.u32 s18;
	s18 =	sld [smem:$0x786];
	v5 =	vsel vm7, s5, v5  }
0x3e6: {  	(v2sf) =	vpush v4, $0xC;
	s3 =	sld [smem:$0x787];
	v5 =	vsel vm8, s9, v5  }
0x3e7: {  	v6 =	vsel vm1, s8, v6;
	(v2sf) =	vpush v4, $0xD;
	v5 =	vsel vm9, s12, v5;
	s12 =	sld [smem:$0x788]  }
0x3e8: {  	v6 =	vsel vm2, s10, v6;
	(v2sf) =	vpush v4, $0xE;
	s23 =	spop (drf);
	v4 =	vsel vm10, s16, v5;
	s16 =	sld [smem:$0x789]  }
0x3e9: {  	s21 =	spop (drf);
	v5 =	vsel vm3, s18, v6;
	s18 =	sld [smem:$0x78A]  }
0x3ea: {  	s5 =	spop (drf);
	v4 =	vsel vm11, s3, v4;
	s3 =	sld [smem:$0x78B]  }
0x3eb: {  	s8 =	spop (drf);
	v5 =	vsel vm4, s12, v5  }
0x3ec: {  	v51 =	vmov s2;
	s9 =	spop (drf);
	v4 =	vsel vm12, s16, v4;
	v5 =	vsel vm5, s18, v5;
	s18 =	sld [smem:$0x78C]  }
0x3ed: {  	s10 =	spop (drf);
	v6 =	vsel vm0, s14, v51;
	v4 =	vsel vm13, s3, v4;
	s3 =	sld [smem:$0x78E]  }
0x3ee: {  	s2 =	sld [smem:$0x78D];
	v6 =	vsel vm1, s26, v6;
	s12 =	spop (drf)  }
0x3ef: {  	v6 =	vsel vm2, s25, v6;
	s25 =	spop (v2sf);
	v5 =	vsel vm6, s18, v5;
	s18 =	sld [smem:$0x78F]  }
0x3f0: {  	s16 =	spop (drf);
	v5 =	vsel vm7, s3, v5;
	s3 =	sld [smem:$0x790]  }
0x3f1: {  	v6 =	vsel vm3, s24, v6;
	(drf) =	srem.u32 s25, s11;
	s25 =	sld [smem:$0x791]  }
0x3f2: {  	v6 =	vsel vm4, s0, v6;
	s0 =	rddreg [dreg:$0x18];
	v5 =	vsel vm8, s18, v5;
	s18 =	smov.u32 s11;
	s11 =	spop (v2sf)  }
0x3f3: {  	v5 =	vsel vm9, s3, v5;
	(drf) =	srem.u32 s11, s13;
	s3 =	sld [smem:$0x792]  }
0x3f4: {  	s24 =	smov.u32 s13;
	v4 =	vsel vm14, s2, v4;
	v6 =	vsel vm5, s20, v6;
	s2 =	spop (v2sf);
	s13 =	sld [smem:$0x793]  }
0x3f5: {  	v6 =	vsel vm6, s19, v6;
	s19 =	rddreg [dreg:$0xd];
	v5 =	vsel vm10, s25, v5;
	(drf) =	srem.u32 s2, s29;
	s2 =	sadd.s32 $0x180, s0  }
0x3f6: {  	s14 =	spop (drf);
	v6 =	vsel vm7, s6, v6;
	s6 =	sand.u32 $0x780, s2;
	v5 =	vsel vm11, s3, v5;
	s3 =	sld [smem:$0x794]  }
0x3f7: {  	s11 =	spop (v2sf);
	s1 =	sor.u32 s19, s6;
	v5 =	vsel vm12, s13, v5;
	s13 =	sld [smem:$0x795]  }
0x3f8: {  	(drf) =	srem.u32 s11, s7;
	s11 =	sld [smem:$0x7BC];
	v53 =	vor.u32 s1, v0  }
0x3f9: {  	s26 =	spop (drf);
	(v2sf) =	vpush v53, $0x0;
	v5 =	vsel vm13, s3, v5  }
0x3fa: {  	s25 =	spop (v2sf);
	v5 =	vsel vm14, s13, v5;
	s13 =	sld [smem:$0x7BE]  }
0x3fb: {  	s20 =	simm.s32 $0x1000;
	(drf) =	srem.u32 s25, s11;
	s25 =	sld [smem:$0x796]  }
0x3fc: {  	v52 =	vmov s10;
	v6 =	vsel vm8, s17, v6;
	v4 =	vld.idx.msk [tilespmem:v4+s20+$0x0], $0xffff;
	[dreg:$0x1a] =	wrdreg s6;
	s10 =	spop (v2sf)  }
0x3fd: {  	v6 =	vsel vm9, s28, v6;
	s17 =	spop (v2sf);
	(v2sf) =	vpush v53, $0xF;
	(drf) =	srem.u32 s10, s13  }
0x3fe: {  	v7 =	vsel vm0, s9, v52;
	s20 =	spop (v2sf);
	(v2sf) =	vpush v53, $0x1;
	v6 =	vsel vm10, s25, v6;
	(drf) =	srem.u32 s17, s15  }
0x3ff: {  	v7 =	vsel vm1, s12, v7;
	s28 =	spop (v2sf);
	v6 =	vsel vm11, s23, v6;
	s23 =	sld [smem:$0x7FD]  }
0x400: {  	v7 =	vsel vm2, s16, v7;
	s3 =	spop (drf);
	(drf) =	srem.u32 s20, s30  }
0x401: {  	v7 =	vsel vm3, s14, v7;
	v4 =	vadd.s32 v1, v4;
	s2 =	spop (v2sf);
	(v2sf) =	vpush v53, $0x2;
	(drf) =	srem.u32 s28, s31  }
0x402: {  	v7 =	vsel vm4, s26, v7;
	s6 =	simm.s32 $0x1000;
	[tilespmem:$0x2300] =	vst v4;
	s9 =	spop (drf);
	(v2sf) =	vpush v53, $0x3;
	(drf) =	srem.u32 s2, s23  }
0x403: {  	v54 =	vsel vm5, s3, v7;
	v4 =	vsel vm12, s21, v6;
	s10 =	spop (drf);
	(v2sf) =	vpush v53, $0x4;
	v5 =	vld.idx.msk [tilespmem:v5+s6+$0x0], $0xffff  }
0x404: {  	v6 =	vsel vm6, s9, v54;
	v4 =	vsel vm13, s5, v4;
	s12 =	spop (drf);
	(v2sf) =	vpush v53, $0x5  }
0x405: {  	v6 =	vsel vm7, s10, v6;
	v4 =	vsel vm14, s8, v4;
	(v2sf) =	vpush v53, $0x6;
	s14 =	spop (drf)  }
0x406: {  	v6 =	vsel vm8, s12, v6;
	s16 =	spop (drf)  }
0x407: {  	v6 =	vsel vm9, s14, v6;
	s17 =	spop (drf)  }
0x408: {  	v5 =	vadd.s32 v1, v5;
	v6 =	vsel vm10, s16, v6;
	s26 =	spop (v2sf)  }
0x409: {  	s20 =	simm.s32 $0x1000;
	[tilespmem:$0x2310] =	vst v5;
	v5 =	vsel vm11, s17, v6;
	s19 =	spop (drf)  }
0x40a: {  	(v2sf) =	vpush v53, $0x7;
	v4 =	vld.idx.msk [tilespmem:v4+s20+$0x0], $0xffff;
	s16 =	rddreg [dreg:$0x1c];
	v5 =	vsel vm12, s19, v5;
	s21 =	spop (drf)  }
0x40b: {  	(v2sf) =	vpush v53, $0x8;
	(drf) =	srem.u32 s26, s16;
	v5 =	vsel vm13, s21, v5;
	s25 =	spop (drf)  }
0x40c: {  	(v2sf) =	vpush v53, $0x9;
	s28 =	spop (v2sf);
	s26 =	rddreg [dreg:$0x1e];
	v5 =	vsel vm14, s25, v5  }
0x40d: {  	(v2sf) =	vpush v53, $0xA;
	(drf) =	srem.u32 s28, s4;
	s5 =	spop (v2sf)  }
0x40e: {  	s10 =	rddreg [dreg:$0xa];
	(v2sf) =	vpush v53, $0xB;
	(drf) =	srem.u32 s5, s26  }
0x40f: {  	s3 =	simm.s32 $0x1000;
	s8 =	rddreg [dreg:$0x1f];
	(v2sf) =	vpush v53, $0xC;
	v4 =	vadd.s32 v1, v4  }
0x410: {  	s9 =	smov.u32 s4;
	s4 =	sld [smem:$0x7B8];
	s6 =	spop (v2sf);
	[tilespmem:$0x2320] =	vst v4  }
0x411: {  	s12 =	rddreg [dreg:$0x0];
	s28 =	spop (v2sf);
	v4 =	vld.idx.msk [tilespmem:v5+s3+$0x0], $0xffff  }
0x412: {  	(drf) =	srem.u32 s6, s8;
	s2 =	spop (v2sf)  }
0x413: {  	(drf) =	srem.u32 s28, s4;
	s5 =	spop (v2sf)  }
0x414: {  	(drf) =	srem.u32 s2, s22;
	s6 =	spop (v2sf)  }
0x415: {  	(drf) =	srem.u32 s5, s18;
	s19 =	spop (drf)  }
0x416: {  	s14 =	simm.s32 $0xC480;
	(drf) =	srem.u32 s6, s24;
	s20 =	spop (drf);
	v4 =	vadd.s32 v1, v4  }
0x417: {  	s17 =	simm.s32 $0x40;
	[smem:$0x798] =	sst s19;
	s21 =	spop (drf);
	[tilespmem:$0x2330] =	vst v4  }
0x418: {  	[tilespmem:s14], [sflag:$0x7] =	stream.indirect.gather [hbm4b:s12+s17], $0x80, s10, s17, $0xb8;
	[tilespmem:$0x12480] =	vst v63  }
0x419: {  	(v2sf) =	vpush v53, $0xD;
	[smem:$0x797] =	sst s20;
	s10 =	spop (v2sf)  }
0x41a: {  	(v2sf) =	vpush v53, $0xE;
	(drf) =	srem.u32 s10, s29;
	s12 =	spop (v2sf)  }
0x41b: {  	(drf) =	srem.u32 s12, s7;
	s14 =	spop (v2sf)  }
0x41c: {  	(drf) =	srem.u32 s14, s11;
	s17 =	spop (v2sf)  }
0x41d: {  	(drf) =	srem.u32 s17, s13;
	s19 =	spop (v2sf)  }
0x41e: {  	(drf) =	srem.u32 s19, s15;
	s20 =	spop (v2sf)  }
0x41f: {  	s25 =	spop (drf);
	(drf) =	srem.u32 s20, s30;
	s20 =	sor.u32 $0x10, s1  }
0x420: {  	v4 =	vor.u32 s20, v0  }
0x421: {  	(v2sf) =	vpush v4, $0x0  }
0x422: {  	(v2sf) =	vpush v4, $0xF  }
0x423: {  	(v2sf) =	vpush v4, $0x1  }
0x424: {  	[smem:$0x79A] =	sst s25;
	s25 =	spop (drf);
	(v2sf) =	vpush v4, $0x2  }
0x425: {  	s28 =	spop (drf);
	(v2sf) =	vpush v4, $0x3  }
0x426: {  	[smem:$0x799] =	sst s21;
	s2 =	spop (drf);
	(v2sf) =	vpush v4, $0x4  }
0x427: {  	[smem:$0x79B] =	sst s25;
	s5 =	spop (drf);
	(v2sf) =	vpush v4, $0x5  }
0x428: {  	[smem:$0x79C] =	sst s28;
	s25 =	spop (v2sf)  }
0x429: {  	[smem:$0x79D] =	sst s2;
	s28 =	spop (v2sf);
	(v2sf) =	vpush v4, $0x6  }
0x42a: {  	[smem:$0x79E] =	sst s5;
	s6 =	spop (drf)  }
0x42b: {  	s21 =	smov.u32 s11;
	(drf) =	srem.u32 s25, s31;
	s11 =	spop (drf);
	(v2sf) =	vpush v4, $0x7  }
0x42c: {  	(drf) =	srem.u32 s28, s23;
	s12 =	spop (drf);
	(v2sf) =	vpush v4, $0x8  }
0x42d: {  	[smem:$0x79F] =	sst s6;
	s14 =	spop (drf)  }
0x42e: {  	[smem:$0x7A0] =	sst s11;
	s17 =	spop (drf);
	(v2sf) =	vpush v4, $0x9  }
0x42f: {  	[smem:$0x7A1] =	sst s12;
	s19 =	spop (drf)  }
0x430: {  	[smem:$0x7A3] =	sst s14;
	s2 =	spop (v2sf)  }
0x431: {  	[smem:$0x7A7] =	sst s19;
	s5 =	spop (v2sf)  }
0x432: {  	(drf) =	srem.u32 s2, s16;
	s6 =	spop (v2sf)  }
0x433: {  	s14 =	smov.u32 s9;
	(v2sf) =	vpush v4, $0xA;
	(drf) =	srem.u32 s5, s9;
	s9 =	spop (v2sf)  }
0x434: {  	(drf) =	srem.u32 s6, s26;
	s11 =	spop (v2sf)  }
0x435: {  	(drf) =	srem.u32 s9, s8;
	s12 =	spop (v2sf)  }
0x436: {  	(drf) =	srem.u32 s11, s4;
	s19 =	spop (v2sf)  }
0x437: {  	s3 =	smov.u32 s22;
	(v2sf) =	vpush v4, $0xB;
	(drf) =	srem.u32 s12, s22;
	s22 =	spop (drf)  }
0x438: {  	(v2sf) =	vpush v4, $0xC;
	s20 =	spop (v2sf)  }
0x439: {  	(drf) =	srem.u32 s19, s18;
	s25 =	spop (drf)  }
0x43a: {  	(v2sf) =	vpush v4, $0xD;
	[smem:$0x7A9] =	sst s22;
	s22 =	spop (v2sf)  }
0x43b: {  	[smem:$0x7AB] =	sst s25;
	s25 =	spop (v2sf)  }
0x43c: {  	s2 =	sor.u32 $0x20, s1;
	(v2sf) =	vpush v4, $0xE;
	(drf) =	srem.u32 s20, s24;
	s9 =	spop (drf)  }
0x43d: {  	v5 =	vor.u32 s2, v0;
	s2 =	spop (v2sf)  }
0x43e: {  	s28 =	smov.u32 s8;
	(v2sf) =	vpush v5, $0x0;
	s8 =	spop (drf)  }
0x43f: {  	(v2sf) =	vpush v5, $0xF;
	(drf) =	srem.u32 s22, s29;
	s11 =	spop (drf)  }
0x440: {  	(v2sf) =	vpush v5, $0x1;
	s5 =	spop (drf)  }
0x441: {  	(drf) =	srem.u32 s25, s7;
	s6 =	spop (drf)  }
0x442: {  	(v2sf) =	vpush v5, $0x2;
	[smem:$0x7A2] =	sst s5;
	s5 =	spop (v2sf)  }
0x443: {  	(v2sf) =	vpush v5, $0x3;
	(drf) =	srem.u32 s2, s21;
	s12 =	spop (drf)  }
0x444: {  	[smem:$0x7A5] =	sst s17;
	s19 =	spop (drf)  }
0x445: {  	[smem:$0x7A4] =	sst s6;
	s20 =	spop (drf)  }
0x446: {  	(drf) =	srem.u32 s5, s13;
	s6 =	spop (v2sf)  }
0x447: {  	(v2sf) =	vpush v5, $0x4;
	[smem:$0x7A6] =	sst s12;
	s12 =	spop (v2sf)  }
0x448: {  	[smem:$0x7A8] =	sst s19;
	s2 =	spop (drf)  }
0x449: {  	s10 =	smov.u32 s15;
	(drf) =	srem.u32 s6, s15;
	s15 =	spop (v2sf)  }
0x44a: {  	[smem:$0x7AA] =	sst s20;
	s5 =	spop (drf)  }
0x44b: {  	(v2sf) =	vpush v5, $0x5;
	(drf) =	srem.u32 s12, s30;
	s19 =	spop (v2sf)  }
0x44c: {  	(v2sf) =	vpush v5, $0x6;
	(drf) =	srem.u32 s15, s31;
	s12 =	spop (drf)  }
0x44d: {  	(v2sf) =	vpush v5, $0x7;
	(drf) =	srem.u32 s19, s23;
	s20 =	spop (v2sf)  }
0x44e: {  	(v2sf) =	vpush v5, $0x8;
	(drf) =	srem.u32 s20, s16;
	s25 =	spop (v2sf)  }
0x44f: {  	(v2sf) =	vpush v5, $0x9;
	(drf) =	srem.u32 s25, s14;
	s25 =	spop (v2sf)  }
0x450: {  	s6 =	smov.u32 s31;
	s31 =	smov.u32 s14;
	s14 =	spop (drf)  }
0x451: {  	[smem:$0x7AC] =	sst s2;
	(v2sf) =	vpush v5, $0xA;
	s2 =	spop (v2sf)  }
0x452: {  	s22 =	smov.u32 s13;
	[smem:$0x7AD] =	sst s5;
	s5 =	spop (v2sf)  }
0x453: {  	s13 =	smov.u32 s30;
	[smem:$0x7AE] =	sst s12;
	s15 =	spop (drf)  }
0x454: {  	s30 =	smov.u32 s16;
	(v2sf) =	vpush v5, $0xB;
	(drf) =	srem.u32 s25, s26;
	s16 =	spop (drf)  }
0x455: {  	[smem:$0x7AF] =	sst s14;
	s19 =	spop (drf)  }
0x456: {  	(drf) =	srem.u32 s2, s28;
	s12 =	spop (v2sf)  }
0x457: {  	(drf) =	srem.u32 s5, s4;
	s20 =	spop (drf)  }
0x458: {  	[smem:$0x7B1] =	sst s15;
	s0 =	spop (drf)  }
0x459: {  	[smem:$0x7B3] =	sst s19;
	s15 =	spop (drf)  }
0x45a: {  	(drf) =	srem.u32 s12, s3;
	s14 =	spop (v2sf)  }
0x45b: {  	(v2sf) =	vpush v5, $0xC;
	[smem:$0x7B4] =	sst s20;
	s19 =	spop (v2sf)  }
0x45c: {  	(drf) =	srem.u32 s14, s18;
	s20 =	spop (v2sf)  }
0x45d: {  	(v2sf) =	vpush v5, $0xD;
	(drf) =	srem.u32 s19, s24;
	s24 =	spop (v2sf)  }
0x45e: {  	s1 =	sor.u32 $0x30, s1;
	(v2sf) =	vpush v5, $0xE;
	(drf) =	srem.u32 s20, s29;
	s25 =	spop (v2sf)  }
0x45f: {  	s17 =	smov.u32 s4;
	v4 =	vor.u32 s1, v0;
	(drf) =	srem.u32 s24, s7;
	s24 =	spop (drf)  }
0x460: {  	s4 =	smov.u32 s29;
	(v2sf) =	vpush v4, $0x0;
	(drf) =	srem.u32 s25, s21;
	s29 =	spop (v2sf)  }
0x461: {  	(v2sf) =	vpush v4, $0xF;
	s20 =	smov.u32 s7;
	s7 =	spop (drf)  }
0x462: {  	(drf) =	srem.u32 s29, s22;
	s12 =	spop (drf)  }
0x463: {  	(v2sf) =	vpush v4, $0x1;
	s1 =	spop (v2sf)  }
0x464: {  	(v2sf) =	vpush v4, $0x2;
	s14 =	spop (drf)  }
0x465: {  	[smem:$0x7B2] =	sst s16;
	s16 =	spop (drf)  }
0x466: {  	(v2sf) =	vpush v4, $0x3;
	s19 =	spop (drf)  }
0x467: {  	[smem:$0x7BF] =	sst s13;
	s29 =	spop (drf)  }
0x468: {  	(v2sf) =	vpush v4, $0x4;
	(drf) =	srem.u32 s1, s10;
	s2 =	spop (drf)  }
0x469: {  	s5 =	smov.u32 s22;
	[smem:$0x7B5] =	sst s2;
	s22 =	spop (drf)  }
0x46a: {  	s2 =	spop (v2sf);
	[smem:$0x7B6] =	sst s22  }
0x46b: {  	s25 =	spop (drf);
	(drf) =	srem.u32 s2, s13  }
0x46c: {  	s22 =	smov.u32 s10;
	s10 =	spop (v2sf);
	s2 =	sld [smem:$0x797]  }
0x46d: {  	s1 =	smov.u32 s13;
	(drf) =	srem.u32 s10, s6;
	s13 =	spop (v2sf)  }
0x46e: {  	[smem:$0x7B7] =	sst s25;
	(drf) =	srem.u32 s13, s23  }
0x46f: {  	s10 =	spop (v2sf);
	s13 =	sld [smem:$0x798]  }
0x470: {  	(drf) =	srem.u32 s10, s30;
	s10 =	spop (v2sf)  }
0x471: {  	v5 =	vmov s2;
	(drf) =	srem.u32 s10, s31;
	s31 =	sld [smem:$0x79A]  }
0x472: {  	s30 =	spop (v2sf);
	v5 =	vsel vm0, s13, v5;
	s13 =	sld [smem:$0x799]  }
0x473: {  	(drf) =	srem.u32 s30, s26;
	s10 =	spop (v2sf)  }
0x474: {  	(drf) =	srem.u32 s10, s28;
	s28 =	sld [smem:$0x79C]  }
0x475: {  	s26 =	spop (v2sf);
	v5 =	vsel vm1, s13, v5;
	s13 =	sld [smem:$0x79B]  }
0x476: {  	(v2sf) =	vpush v4, $0x5;
	s10 =	sld [smem:$0x79F];
	(drf) =	srem.u32 s26, s17  }
0x477: {  	(v2sf) =	vpush v4, $0x6;
	s30 =	spop (v2sf);
	v5 =	vsel vm2, s31, v5;
	s31 =	sld [smem:$0x79D]  }
0x478: {  	(v2sf) =	vpush v4, $0x7;
	(drf) =	srem.u32 s30, s3;
	s3 =	sld [smem:$0x79E];
	v5 =	vsel vm3, s13, v5  }
0x479: {  	(v2sf) =	vpush v4, $0x8;
	s17 =	sld [smem:$0x7A1];
	v5 =	vsel vm4, s28, v5  }
0x47a: {  	(v2sf) =	vpush v4, $0x9;
	s13 =	sld [smem:$0x7A0];
	v5 =	vsel vm5, s31, v5  }
0x47b: {  	s25 =	spop (drf);
	(v2sf) =	vpush v4, $0xA;
	s26 =	sld [smem:$0x7A2];
	v5 =	vsel vm6, s3, v5  }
0x47c: {  	v55 =	vmov s8;
	(v2sf) =	vpush v4, $0xB;
	s28 =	sld [smem:$0x7A3];
	s3 =	spop (drf);
	v5 =	vsel vm7, s10, v5  }
0x47d: {  	v6 =	vsel vm0, s9, v55;
	(v2sf) =	vpush v4, $0xC;
	s30 =	sld [smem:$0x7A4];
	s9 =	spop (drf);
	v5 =	vsel vm8, s13, v5  }
0x47e: {  	v6 =	vsel vm1, s11, v6;
	(v2sf) =	vpush v4, $0xD;
	s10 =	sld [smem:$0x7A6];
	s8 =	spop (drf);
	v5 =	vsel vm9, s17, v5  }
0x47f: {  	(v2sf) =	vpush v4, $0xE;
	v6 =	vsel vm2, s26, v6;
	s11 =	spop (drf);
	v4 =	vsel vm10, s28, v5;
	s28 =	sld [smem:$0x7A8]  }
0x480: {  	[smem:$0x7C1] =	sst s6;
	v5 =	vsel vm3, s30, v6;
	s13 =	spop (drf)  }
0x481: {  	s31 =	sld [smem:$0x7A5];
	v5 =	vsel vm4, s10, v5;
	s26 =	spop (drf)  }
0x482: {  	s17 =	sld [smem:$0x7A7];
	v5 =	vsel vm5, s28, v5;
	s28 =	spop (drf)  }
0x483: {  	s30 =	sld [smem:$0x7A9]  }
0x484: {  	v56 =	vmov s15;
	v4 =	vsel vm11, s31, v4;
	s31 =	sld [smem:$0x7AA]  }
0x485: {  	v6 =	vsel vm0, s0, v56;
	s10 =	sld [smem:$0x7AB]  }
0x486: {  	v6 =	vsel vm1, s24, v6;
	v4 =	vsel vm12, s17, v4;
	s17 =	sld [smem:$0x7AC]  }
0x487: {  	v6 =	vsel vm2, s7, v6;
	s24 =	sld [smem:$0x7AF]  }
0x488: {  	v6 =	vsel vm3, s12, v6;
	v4 =	vsel vm13, s30, v4;
	v5 =	vsel vm6, s31, v5;
	s30 =	sld [smem:$0x7AD]  }
0x489: {  	v6 =	vsel vm4, s14, v6;
	v5 =	vsel vm7, s17, v5;
	s17 =	sld [smem:$0x7AE]  }
0x48a: {  	s15 =	spop (drf);
	v6 =	vsel vm5, s16, v6;
	s16 =	sld [smem:$0x7B3]  }
0x48b: {  	s0 =	spop (drf);
	v6 =	vsel vm6, s19, v6;
	s19 =	sld [smem:$0x7B4];
	v5 =	vsel vm8, s30, v5  }
0x48c: {  	s31 =	spop (v2sf);
	v6 =	vsel vm7, s29, v6;
	s29 =	sld [smem:$0x7B6];
	v5 =	vsel vm9, s17, v5  }
0x48d: {  	(drf) =	srem.u32 s31, s18;
	v5 =	vsel vm10, s24, v5;
	s24 =	sld [smem:$0x7B0]  }
0x48e: {  	v4 =	vsel vm14, s10, v4;
	s31 =	sld [smem:$0x7B1];
	s17 =	smov.u32 s18;
	s18 =	spop (v2sf)  }
0x48f: {  	s10 =	sld [smem:$0x7B2];
	s30 =	spop (v2sf)  }
0x490: {  	s7 =	spop (v2sf);
	(drf) =	srem.u32 s18, s24  }
0x491: {  	s14 =	spop (v2sf);
	(drf) =	srem.u32 s30, s4  }
0x492: {  	s12 =	simm.s32 $0x1000;
	v5 =	vsel vm11, s31, v5;
	s18 =	spop (v2sf);
	(drf) =	srem.u32 s7, s20  }
0x493: {  	v57 =	vmov s13;
	v4 =	vld.idx.msk [tilespmem:v4+s12+$0x0], $0xffff;
	v5 =	vsel vm12, s10, v5;
	(drf) =	srem.u32 s14, s21;
	s21 =	sld [smem:$0x7B5]  }
0x494: {  	v7 =	vsel vm0, s11, v57;
	s31 =	sld [smem:$0x7B7];
	v5 =	vsel vm13, s16, v5;
	s20 =	spop (v2sf)  }
0x495: {  	v7 =	vsel vm1, s26, v7;
	v5 =	vsel vm14, s19, v5;
	s26 =	spop (v2sf);
	(drf) =	srem.u32 s18, s5  }
0x496: {  	s14 =	rddreg [dreg:$0x18];
	(drf) =	srem.u32 s20, s22;
	v6 =	vsel vm8, s21, v6  }
0x497: {  	v7 =	vsel vm2, s28, v7;
	s30 =	spop (v2sf);
	(drf) =	srem.u32 s26, s1;
	v6 =	vsel vm9, s29, v6  }
0x498: {  	v7 =	vsel vm3, s15, v7;
	v4 =	vadd.s32 v1, v4;
	s4 =	spop (v2sf);
	(drf) =	srem.u32 s30, s6;
	v6 =	vsel vm10, s31, v6  }
0x499: {  	v7 =	vsel vm4, s0, v7;
	[tilespmem:$0x2380] =	vst v4;
	s5 =	spop (drf);
	s6 =	simm.s32 $0x1000;
	(drf) =	srem.u32 s4, s23;
	v6 =	vsel vm11, s25, v6  }
0x49a: {  	v58 =	vsel vm5, s5, v7;
	s1 =	sadd.s32 $0x1C0, s14;
	v5 =	vld.idx.msk [tilespmem:v5+s6+$0x0], $0xffff;
	s7 =	spop (drf);
	v4 =	vsel vm12, s3, v6  }
0x49b: {  	s19 =	rddreg [dreg:$0xd];
	s16 =	sand.u32 $0x7C0, s1;
	v6 =	vsel vm6, s7, v58;
	s10 =	spop (drf);
	v4 =	vsel vm13, s9, v4  }
0x49c: {  	s6 =	sor.u32 s19, s16;
	v6 =	vsel vm7, s10, v6;
	s11 =	spop (drf);
	v4 =	vsel vm14, s8, v4  }
0x49d: {  	v59 =	vor.u32 s6, v0;
	v6 =	vsel vm8, s11, v6;
	s12 =	spop (drf)  }
0x49e: {  	(v2sf) =	vpush v59, $0x0;
	v6 =	vsel vm9, s12, v6;
	s13 =	spop (drf)  }
0x49f: {  	(v2sf) =	vpush v59, $0xF;
	v5 =	vadd.s32 v1, v5;
	v6 =	vsel vm10, s13, v6;
	s15 =	spop (drf)  }
0x4a0: {  	s20 =	simm.s32 $0x1000;
	(v2sf) =	vpush v59, $0x1;
	[tilespmem:$0x2390] =	vst v5;
	v5 =	vsel vm11, s15, v6;
	s18 =	spop (drf)  }
0x4a1: {  	(v2sf) =	vpush v59, $0x2;
	v5 =	vsel vm12, s18, v5;
	s21 =	spop (drf);
	v4 =	vld.idx.msk [tilespmem:v4+s20+$0x0], $0xffff  }
0x4a2: {  	v5 =	vsel vm13, s21, v5;
	s25 =	spop (drf)  }
0x4a3: {  	(v2sf) =	vpush v59, $0x3;
	v5 =	vsel vm14, s25, v5  }
0x4a4: {  	(v2sf) =	vpush v59, $0x4  }
0x4a5: {  	(v2sf) =	vpush v59, $0x5  }
0x4a6: {  	(v2sf) =	vpush v59, $0x6;
	v4 =	vadd.s32 v1, v4  }
0x4a7: {  	s26 =	simm.s32 $0x1000;
	(v2sf) =	vpush v59, $0x7;
	[tilespmem:$0x23A0] =	vst v4  }
0x4a8: {  	(v2sf) =	vpush v59, $0x8;
	v4 =	vld.idx.msk [tilespmem:v5+s26+$0x0], $0xffff  }
0x4a9: {  	(v2sf) =	vpush v59, $0x9  }
0x4aa: {  	(v2sf) =	vpush v59, $0xA  }
0x4ab: {  	(v2sf) =	vpush v59, $0xB  }
0x4ac: {  	(v2sf) =	vpush v59, $0xC  }
0x4ad: {  	s2 =	sor.u32 $0x10, s6;
	(v2sf) =	vpush v59, $0xD;
	s25 =	spop (v2sf);
	v4 =	vadd.s32 v1, v4  }
0x4ae: {  	s28 =	rddreg [dreg:$0xb];
	(v2sf) =	vpush v59, $0xE;
	s4 =	spop (v2sf);
	[tilespmem:$0x23B0] =	vst v4;
	v4 =	vor.u32 s2, v0  }
0x4af: {  	s29 =	rddreg [dreg:$0x0];
	s1 =	spop (v2sf);
	(v2sf) =	vpush v4, $0x0  }
0x4b0: {  	s30 =	simm.s32 $0xE480;
	s31 =	simm.s32 $0x40;
	s2 =	spop (v2sf);
	(v2sf) =	vpush v4, $0xF  }
0x4b1: {  	[tilespmem:s30], [sflag:$0x8] =	stream.indirect.gather [hbm4b:s29+s31], $0x80, s28, s31, $0xb8;
	(v2sf) =	vpush v4, $0x1;
	[tilespmem:$0x12480] =	vst v63  }
0x4b2: {  	[dreg:$0x1b] =	wrdreg s16;
	s16 =	spop (v2sf);
	(v2sf) =	vpush v4, $0x2  }
0x4b3: {  	s8 =	spop (v2sf);
	(v2sf) =	vpush v4, $0x3  }
0x4b4: {  	s10 =	spop (v2sf);
	(v2sf) =	vpush v4, $0x4  }
0x4b5: {  	s19 =	spop (v2sf);
	(v2sf) =	vpush v4, $0x5  }
0x4b6: {  	s12 =	spop (v2sf);
	(v2sf) =	vpush v4, $0x6  }
0x4b7: {  	s26 =	spop (v2sf);
	(v2sf) =	vpush v4, $0x7  }
0x4b8: {  	s3 =	spop (v2sf);
	(v2sf) =	vpush v4, $0x8  }
0x4b9: {  	s30 =	spop (v2sf);
	(v2sf) =	vpush v4, $0x9  }
0x4ba: {  	s31 =	spop (v2sf);
	(v2sf) =	vpush v4, $0xA  }
0x4bb: {  	s5 =	spop (v2sf);
	(v2sf) =	vpush v4, $0xB  }
0x4bc: {  	s7 =	spop (v2sf);
	(v2sf) =	vpush v4, $0xC  }
0x4bd: {  	s11 =	sor.u32 $0x20, s6;
	s9 =	spop (v2sf);
	(v2sf) =	vpush v4, $0xD  }
0x4be: {  	v5 =	vor.u32 s11, v0;
	(v2sf) =	vpush v4, $0xE;
	s14 =	spop (v2sf)  }
0x4bf: {  	[smem:$0x7C3] =	sst s9;
	(v2sf) =	vpush v5, $0x0;
	s9 =	spop (v2sf)  }
0x4c0: {  	[smem:$0x7C2] =	sst s7;
	(v2sf) =	vpush v5, $0xF;
	s7 =	spop (v2sf)  }
0x4c1: {  	(v2sf) =	vpush v5, $0x1;
	s13 =	spop (v2sf)  }
0x4c2: {  	(v2sf) =	vpush v5, $0x2;
	s20 =	spop (v2sf)  }
0x4c3: {  	s0 =	rddreg [dreg:$0x1c];
	(v2sf) =	vpush v5, $0x3;
	s29 =	spop (v2sf)  }
0x4c4: {  	[smem:$0x7BD] =	sst s3;
	(v2sf) =	vpush v5, $0x4;
	s18 =	spop (v2sf)  }
0x4c5: {  	[smem:$0x7C0] =	sst s5;
	(v2sf) =	vpush v5, $0x5;
	s11 =	spop (v2sf)  }
0x4c6: {  	[smem:$0x7C4] =	sst s13;
	(v2sf) =	vpush v5, $0x6;
	s15 =	spop (v2sf)  }
0x4c7: {  	[smem:$0x7C5] =	sst s15;
	(v2sf) =	vpush v5, $0x7;
	s21 =	spop (v2sf)  }
0x4c8: {  	[smem:$0x7C6] =	sst s21;
	(v2sf) =	vpush v5, $0x8;
	s28 =	spop (v2sf)  }
0x4c9: {  	[smem:$0x7C7] =	sst s28;
	(v2sf) =	vpush v5, $0x9;
	s3 =	spop (v2sf)  }
0x4ca: {  	[smem:$0x7C8] =	sst s3;
	(v2sf) =	vpush v5, $0xA;
	s5 =	spop (v2sf)  }
0x4cb: {  	[smem:$0x7C9] =	sst s5;
	(v2sf) =	vpush v5, $0xB;
	s13 =	spop (v2sf)  }
0x4cc: {  	[smem:$0x7CA] =	sst s13;
	(v2sf) =	vpush v5, $0xC;
	s15 =	spop (v2sf)  }
0x4cd: {  	[smem:$0x7CB] =	sst s15;
	s28 =	spop (v2sf)  }
0x4ce: {  	(v2sf) =	vpush v5, $0xD;
	[smem:$0x7CC] =	sst s28;
	s5 =	spop (v2sf)  }
0x4cf: {  	s21 =	sor.u32 $0x30, s6;
	(v2sf) =	vpush v5, $0xE;
	[smem:$0x7CD] =	sst s5;
	s6 =	spop (v2sf)  }
0x4d0: {  	v4 =	vor.u32 s21, v0;
	[smem:$0x7CE] =	sst s6;
	s13 =	spop (v2sf)  }
0x4d1: {  	(v2sf) =	vpush v4, $0x0;
	[smem:$0x7CF] =	sst s13;
	s15 =	spop (v2sf)  }
0x4d2: {  	(v2sf) =	vpush v4, $0xF;
	[smem:$0x7D0] =	sst s15;
	s21 =	spop (v2sf)  }
0x4d3: {  	(v2sf) =	vpush v4, $0x1;
	[smem:$0x7D1] =	sst s21;
	s28 =	spop (v2sf)  }
0x4d4: {  	[smem:$0x7D2] =	sst s28;
	s3 =	spop (v2sf)  }
0x4d5: {  	(v2sf) =	vpush v4, $0x2;
	[smem:$0x7D3] =	sst s3;
	s5 =	spop (v2sf)  }
0x4d6: {  	[smem:$0x7D4] =	sst s5;
	s6 =	spop (v2sf)  }
0x4d7: {  	(v2sf) =	vpush v4, $0x3;
	[smem:$0x7D5] =	sst s6;
	s13 =	spop (v2sf)  }
0x4d8: {  	[smem:$0x7D6] =	sst s13;
	s15 =	spop (v2sf)  }
0x4d9: {  	(v2sf) =	vpush v4, $0x4;
	[smem:$0x7D7] =	sst s15;
	s21 =	spop (v2sf)  }
0x4da: {  	[smem:$0x7D8] =	sst s21;
	s28 =	spop (v2sf)  }
0x4db: {  	[smem:$0x7D9] =	sst s28;
	s3 =	spop (v2sf)  }
0x4dc: {  	(drf) =	srem.u32 s25, s0;
	(v2sf) =	vpush v4, $0x5;
	[smem:$0x7DB] =	sst s3  }
0x4dd: {  	s5 =	spop (v2sf);
	s3 =	rddreg [dreg:$0x1d]  }
0x4de: {  	(v2sf) =	vpush v4, $0x6;
	[smem:$0x7DD] =	sst s5;
	s6 =	spop (v2sf)  }
0x4df: {  	(drf) =	srem.u32 s4, s3;
	s4 =	sld [smem:$0x7B8]  }
0x4e0: {  	(v2sf) =	vpush v4, $0x7;
	[smem:$0x7DF] =	sst s6;
	s13 =	spop (v2sf)  }
0x4e1: {  	[smem:$0x7E0] =	sst s13;
	s15 =	spop (v2sf)  }
0x4e2: {  	(v2sf) =	vpush v4, $0x8;
	[smem:$0x7E2] =	sst s15;
	s21 =	spop (v2sf)  }
0x4e3: {  	[smem:$0x7E4] =	sst s21  }
0x4e4: {  	s25 =	spop (v2sf);
	s21 =	sld [smem:$0x7B9]  }
0x4e5: {  	(v2sf) =	vpush v4, $0x9;
	[smem:$0x7E6] =	sst s25  }
0x4e6: {  	s28 =	spop (v2sf);
	s25 =	sld [smem:$0x7BD]  }
0x4e7: {  	(v2sf) =	vpush v4, $0xA;
	[smem:$0x7E8] =	sst s28  }
0x4e8: {  	s28 =	rddreg [dreg:$0x1e];
	s5 =	spop (v2sf)  }
0x4e9: {  	[smem:$0x7EB] =	sst s5  }
0x4ea: {  	(drf) =	srem.u32 s1, s28;
	s5 =	rddreg [dreg:$0x1f]  }
0x4eb: {  	s6 =	spop (v2sf);
	s1 =	sld [smem:$0x7BB]  }
0x4ec: {  	(drf) =	srem.u32 s2, s5;
	[smem:$0x7EF] =	sst s6  }
0x4ed: {  	s13 =	spop (v2sf);
	s2 =	sld [smem:$0x7C1]  }
0x4ee: {  	(drf) =	srem.u32 s16, s4;
	[smem:$0x7F1] =	sst s13  }
0x4ef: {  	s15 =	spop (v2sf);
	s13 =	sld [smem:$0x7BA]  }
0x4f0: {  	(drf) =	srem.u32 s8, s21;
	[smem:$0x7F3] =	sst s15  }
0x4f1: {  	s16 =	spop (v2sf);
	s8 =	sld [smem:$0x7BC]  }
0x4f2: {  	[smem:$0x7F5] =	sst s16  }
0x4f3: {  	(drf) =	srem.u32 s10, s17;
	s16 =	sld [smem:$0x7BE]  }
0x4f4: {  	(v2sf) =	vpush v4, $0xB;
	(drf) =	srem.u32 s19, s24;
	s19 =	spop (v2sf)  }
0x4f5: {  	[smem:$0x7F7] =	sst s19  }
0x4f6: {  	s15 =	smov.u32 s24;
	s24 =	spop (v2sf);
	s19 =	sld [smem:$0x7BF]  }
0x4f7: {  	(drf) =	srem.u32 s12, s13;
	[smem:$0x7F9] =	sst s24  }
0x4f8: {  	s24 =	spop (drf);
	(drf) =	srem.u32 s26, s1  }
0x4f9: {  	s26 =	spop (drf);
	(drf) =	srem.u32 s25, s8  }
0x4fa: {  	s6 =	spop (drf);
	(drf) =	srem.u32 s30, s16  }
0x4fb: {  	s30 =	sld [smem:$0x7C0];
	s10 =	spop (drf)  }
0x4fc: {  	(drf) =	srem.u32 s31, s22;
	s31 =	sld [smem:$0x7C2]  }
0x4fd: {  	s25 =	smov.u32 s23;
	s23 =	sld [smem:$0x7C3];
	s12 =	spop (drf)  }
0x4fe: {  	(drf) =	srem.u32 s30, s19;
	s30 =	spop (drf)  }
0x4ff: {  	(drf) =	srem.u32 s31, s2;
	s31 =	spop (drf)  }
0x500: {  	(drf) =	srem.u32 s23, s25;
	s23 =	spop (drf)  }
0x501: {  	[smem:$0x7DA] =	sst s23;
	(drf) =	srem.u32 s14, s0  }
0x502: {  	s23 =	spop (drf);
	s14 =	sld [smem:$0x7C4]  }
0x503: {  	[smem:$0x7DC] =	sst s23;
	s23 =	spop (v2sf)  }
0x504: {  	(drf) =	srem.u32 s9, s3;
	[smem:$0x7FB] =	sst s23  }
0x505: {  	(drf) =	srem.u32 s7, s28;
	s7 =	smov.u32 s28;
	s28 =	spop (drf)  }
0x506: {  	[smem:$0x7DE] =	sst s28  }
0x507: {  	(drf) =	srem.u32 s14, s5;
	s23 =	spop (drf)  }
0x508: {  	[smem:$0x7E1] =	sst s23;
	(drf) =	srem.u32 s20, s4  }
0x509: {  	s28 =	spop (drf);
	s23 =	sld [smem:$0x7C5]  }
0x50a: {  	[smem:$0x7E3] =	sst s28;
	(drf) =	srem.u32 s29, s21  }
0x50b: {  	s29 =	spop (drf);
	s28 =	sld [smem:$0x7C6]  }
0x50c: {  	[smem:$0x7E5] =	sst s29  }
0x50d: {  	s14 =	spop (drf);
	s29 =	sld [smem:$0x7C7]  }
0x50e: {  	(drf) =	srem.u32 s18, s17;
	[smem:$0x7E7] =	sst s14  }
0x50f: {  	s18 =	spop (drf);
	s14 =	sld [smem:$0x7C8]  }
0x510: {  	(drf) =	srem.u32 s11, s15;
	[smem:$0x7E9] =	sst s18  }
0x511: {  	(v2sf) =	vpush v4, $0xC;
	s20 =	spop (drf);
	(drf) =	srem.u32 s23, s13  }
0x512: {  	[smem:$0x7EC] =	sst s20;
	s9 =	spop (drf)  }
0x513: {  	(drf) =	srem.u32 s28, s1;
	s28 =	sld [smem:$0x7CA]  }
0x514: {  	s18 =	smov.u32 s1;
	s1 =	spop (drf);
	(drf) =	srem.u32 s29, s8  }
0x515: {  	s23 =	smov.u32 s16;
	(drf) =	srem.u32 s14, s16;
	s16 =	sld [smem:$0x7C9]  }
0x516: {  	s29 =	sld [smem:$0x7CB];
	s11 =	spop (drf)  }
0x517: {  	s20 =	smov.u32 s8;
	s8 =	sld [smem:$0x7CC];
	s14 =	spop (drf)  }
0x518: {  	(drf) =	srem.u32 s16, s22;
	s16 =	spop (drf)  }
0x519: {  	(drf) =	srem.u32 s28, s19;
	s28 =	smov.u32 s19;
	s19 =	spop (drf)  }
0x51a: {  	(drf) =	srem.u32 s29, s2;
	s29 =	spop (drf)  }
0x51b: {  	(drf) =	srem.u32 s8, s25;
	s8 =	spop (drf)  }
0x51c: {  	[smem:$0x7EA] =	sst s8  }
0x51d: {  	s8 =	sld [smem:$0x7CD];
	_ =	sdelay $0x2  }
0x51e: {  	(drf) =	srem.u32 s8, s0;
	s8 =	spop (v2sf)  }
0x51f: {  	[smem:$0x7FC] =	sst s8  }
0x520: {  	s8 =	sld [smem:$0x7CE];
	_ =	sdelay $0x2  }
0x521: {  	(drf) =	srem.u32 s8, s3;
	s8 =	spop (drf)  }
0x522: {  	[smem:$0x7ED] =	sst s8  }
0x523: {  	s8 =	sld [smem:$0x7CF];
	_ =	sdelay $0x2  }
0x524: {  	(drf) =	srem.u32 s8, s7;
	s8 =	spop (drf)  }
0x525: {  	[smem:$0x7EE] =	sst s8  }
0x526: {  	s8 =	sld [smem:$0x7D0];
	_ =	sdelay $0x2  }
0x527: {  	(drf) =	srem.u32 s8, s5;
	s8 =	spop (drf)  }
0x528: {  	[smem:$0x7F0] =	sst s8  }
0x529: {  	s8 =	sld [smem:$0x7D1];
	_ =	sdelay $0x2  }
0x52a: {  	(drf) =	srem.u32 s8, s4;
	s8 =	spop (drf)  }
0x52b: {  	[smem:$0x7F2] =	sst s8  }
0x52c: {  	s8 =	sld [smem:$0x7D2];
	_ =	sdelay $0x1  }
0x52d: {  	v5 =	vmov s26  }
0x52e: {  	v5 =	vsel vm0, s24, v5;
	(drf) =	srem.u32 s8, s21;
	s8 =	spop (drf)  }
0x52f: {  	v5 =	vsel vm1, s6, v5;
	[smem:$0x7F4] =	sst s8  }
0x530: {  	v5 =	vsel vm2, s10, v5;
	s8 =	sld [smem:$0x7D3]  }
0x531: {  	s24 =	sld [smem:$0x7D4];
	v5 =	vsel vm3, s12, v5  }
0x532: {  	v5 =	vsel vm4, s30, v5;
	s30 =	sld [smem:$0x7D8]  }
0x533: {  	(drf) =	srem.u32 s8, s17;
	s8 =	spop (drf)  }
0x534: {  	[smem:$0x7F6] =	sst s8  }
0x535: {  	s26 =	spop (drf);
	s8 =	sld [smem:$0x7D5]  }
0x536: {  	(drf) =	srem.u32 s24, s15;
	s24 =	sld [smem:$0x7D6]  }
0x537: {  	[smem:$0x7F8] =	sst s26;
	s26 =	spop (drf)  }
0x538: {  	[smem:$0x7FA] =	sst s26  }
0x539: {  	s26 =	sld [smem:$0x7D7]  }
0x53a: {  	v5 =	vsel vm5, s31, v5;
	s31 =	sld [smem:$0x7D9];
	(drf) =	srem.u32 s8, s13  }
0x53b: {  	s8 =	spop (drf);
	(drf) =	srem.u32 s24, s18  }
0x53c: {  	s6 =	spop (drf);
	(drf) =	srem.u32 s26, s20  }
0x53d: {  	(v2sf) =	vpush v4, $0xD;
	s10 =	spop (drf);
	s26 =	sld [smem:$0x7DA]  }
0x53e: {  	(drf) =	srem.u32 s30, s23;
	s30 =	sld [smem:$0x7DB]  }
0x53f: {  	s24 =	sld [smem:$0x7DC];
	s12 =	spop (drf)  }
0x540: {  	(drf) =	srem.u32 s31, s22;
	s31 =	spop (drf)  }
0x541: {  	v60 =	vmov s1;
	v5 =	vsel vm6, s26, v5;
	s26 =	sld [smem:$0x7DD];
	(drf) =	srem.u32 s30, s28  }
0x542: {  	v6 =	vsel vm0, s9, v60;
	s30 =	spop (drf);
	v5 =	vsel vm7, s24, v5;
	s24 =	sld [smem:$0x7DF]  }
0x543: {  	v6 =	vsel vm1, s11, v6;
	s11 =	sld [smem:$0x7E2];
	s9 =	spop (drf)  }
0x544: {  	(drf) =	srem.u32 s26, s2;
	s26 =	smov.u32 s2;
	s2 =	sld [smem:$0x7DE]  }
0x545: {  	(drf) =	srem.u32 s24, s25;
	s25 =	sld [smem:$0x7E0]  }
0x546: {  	v6 =	vsel vm2, s14, v6;
	s14 =	sld [smem:$0x7E3]  }
0x547: {  	s1 =	spop (drf);
	v5 =	vsel vm8, s2, v5;
	s2 =	sld [smem:$0x7E1]  }
0x548: {  	(drf) =	srem.u32 s25, s0;
	s25 =	sld [smem:$0x7E4]  }
0x549: {  	(drf) =	srem.u32 s11, s3;
	s3 =	sld [smem:$0x7E5]  }
0x54a: {  	s11 =	sld [smem:$0x7E7];
	v5 =	vsel vm9, s2, v5;
	s2 =	spop (drf)  }
0x54b: {  	(drf) =	srem.u32 s25, s7;
	s7 =	sld [smem:$0x7E6]  }
0x54c: {  	s24 =	spop (v2sf);
	(v2sf) =	vpush v4, $0xE;
	v4 =	vsel vm10, s14, v5;
	s14 =	sld [smem:$0x7E8]  }
0x54d: {  	v61 =	vmov s6;
	s25 =	sld [smem:$0x7EA]  }
0x54e: {  	v5 =	vsel vm3, s16, v6;
	v6 =	vsel vm0, s8, v61;
	s8 =	sld [smem:$0x7EE]  }
0x54f: {  	v5 =	vsel vm4, s19, v5;
	s19 =	sld [smem:$0x7E9]  }
0x550: {  	v4 =	vsel vm11, s3, v4;
	v5 =	vsel vm5, s29, v5;
	s29 =	sld [smem:$0x7EB]  }
0x551: {  	s3 =	spop (drf);
	v6 =	vsel vm1, s10, v6;
	v4 =	vsel vm12, s11, v4;
	s11 =	sld [smem:$0x7EF]  }
0x552: {  	v6 =	vsel vm2, s12, v6;
	(drf) =	srem.u32 s7, s5;
	s7 =	sld [smem:$0x7ED]  }
0x553: {  	s5 =	spop (drf);
	v6 =	vsel vm3, s31, v6;
	s31 =	sld [smem:$0x7F5]  }
0x554: {  	(drf) =	srem.u32 s14, s4;
	s4 =	sld [smem:$0x7EC]  }
0x555: {  	s6 =	spop (drf);
	s14 =	sld [smem:$0x7F0]  }
0x556: {  	v4 =	vsel vm13, s19, v4;
	s19 =	sld [smem:$0x7F2];
	(drf) =	srem.u32 s29, s21  }
0x557: {  	s21 =	sld [smem:$0x7F3];
	v4 =	vsel vm14, s4, v4;
	s4 =	spop (drf)  }
0x558: {  	(drf) =	srem.u32 s11, s17;
	s17 =	sld [smem:$0x7F1]  }
0x559: {  	v5 =	vsel vm6, s25, v5;
	s29 =	sld [smem:$0x7F4]  }
0x55a: {  	v5 =	vsel vm7, s7, v5;
	s7 =	sld [smem:$0x7F6];
	s10 =	spop (drf)  }
0x55b: {  	s11 =	spop (drf);
	(drf) =	srem.u32 s17, s15  }
0x55c: {  	s12 =	spop (drf);
	(drf) =	srem.u32 s21, s13  }
0x55d: {  	v5 =	vsel vm8, s8, v5;
	(drf) =	srem.u32 s31, s18;
	s18 =	sld [smem:$0x7F7]  }
0x55e: {  	v6 =	vsel vm4, s30, v6;
	v5 =	vsel vm9, s14, v5;
	s30 =	spop (drf);
	s21 =	sld [smem:$0x7F9]  }
0x55f: {  	v5 =	vsel vm10, s19, v5;
	s19 =	sld [smem:$0x7F8];
	s14 =	spop (drf)  }
0x560: {  	v6 =	vsel vm5, s9, v6;
	(drf) =	srem.u32 s18, s20;
	s20 =	spop (drf)  }
0x561: {  	v6 =	vsel vm6, s1, v6;
	s8 =	simm.s32 $0x1000;
	v5 =	vsel vm11, s29, v5;
	v62 =	vmov s14;
	(drf) =	srem.u32 s21, s23;
	s23 =	sld [smem:$0x7FA]  }
0x562: {  	v6 =	vsel vm7, s2, v6;
	v5 =	vsel vm12, s7, v5;
	v4 =	vld.idx.msk [tilespmem:v4+s8+$0x0], $0xffff;
	v7 =	vsel vm0, s30, v62;
	s30 =	sld [smem:$0x7FB]  }
0x563: {  	v6 =	vsel vm8, s3, v6;
	s3 =	sld [smem:$0x7FC];
	v5 =	vsel vm13, s19, v5  }
0x564: {  	s14 =	spop (v2sf);
	s18 =	sld [smem:$0x7FD];
	v5 =	vsel vm14, s23, v5  }
0x565: {  	s29 =	spop (drf);
	v7 =	vsel vm1, s20, v7;
	(drf) =	srem.u32 s30, s22  }
0x566: {  	v6 =	vsel vm9, s5, v6;
	s31 =	spop (drf);
	v7 =	vsel vm2, s29, v7;
	(drf) =	srem.u32 s3, s28  }
0x567: {  	v6 =	vsel vm10, s6, v6;
	v4 =	vadd.s32 v1, v4;
	s5 =	spop (drf);
	v7 =	vsel vm3, s31, v7;
	(drf) =	srem.u32 s24, s26  }
0x568: {  	s13 =	simm.s32 $0x1000;
	v6 =	vsel vm11, s4, v6;
	[tilespmem:$0x2400] =	vst v4;
	v7 =	vsel vm4, s5, v7;
	s19 =	spop (drf);
	(drf) =	srem.u32 s14, s18  }
0x569: {  	v4 =	vsel vm12, s10, v6;
	v63 =	vsel vm5, s19, v7;
	s22 =	spop (drf);
	v5 =	vld.idx.msk [tilespmem:v5+s13+$0x0], $0xffff  }
0x56a: {  	v4 =	vsel vm13, s11, v4;
	v6 =	vsel vm6, s22, v63;
	s23 =	spop (drf)  }
0x56b: {  	v4 =	vsel vm14, s12, v4;
	v6 =	vsel vm7, s23, v6;
	s24 =	spop (drf)  }
0x56c: {  	v6 =	vsel vm8, s24, v6;
	s26 =	spop (drf)  }
0x56d: {  	v6 =	vsel vm9, s26, v6;
	s28 =	spop (drf)  }
0x56e: {  	v6 =	vsel vm10, s28, v6;
	s29 =	spop (drf);
	v5 =	vadd.s32 v1, v5  }
0x56f: {  	v6 =	vsel vm11, s29, v6;
	s30 =	spop (drf);
	[tilespmem:$0x2410] =	vst v5  }
0x570: {  	s31 =	spop (drf);
	v5 =	vsel vm12, s30, v6;
	v4 =	vld.idx.msk [tilespmem:v4+s13+$0x0], $0xffff  }
0x571: {  	s4 =	spop (drf);
	v5 =	vsel vm13, s31, v5  }
0x572: {  	v5 =	vsel vm14, s4, v5;
	_ =	sdelay $0x2  }
0x573: {  	v4 =	vadd.s32 v1, v4  }
0x574: {  	[tilespmem:$0x2420] =	vst v4  }
0x575: {  	v4 =	vld.idx.msk [tilespmem:v5+s13+$0x0], $0xffff;
	_ =	sdelay $0x2  }
0x576: {  	s25 =	rddreg [dreg:$0x0]  }
0x577: {  	s15 =	rddreg [dreg:$0xd]  }
0x578: {  	s9 =	simm.s32 $0x10480;
	s7 =	rddreg [dreg:$0xe];
	v4 =	vadd.s32 v1, v4  }
0x579: {  	s17 =	simm.s32 $0x40;
	s21 =	simm.s32 $0x2;
	s5 =	rddreg [dreg:$0xc];
	[tilespmem:$0x2430] =	vst v4  }
0x57a: {  	[tilespmem:s9], [sflag:$0x9] =	stream.indirect.gather [hbm4b:s25+s17], $0x80, s5, s17, $0xb8;
	[tilespmem:$0x12480] =	vst v63  }
0x57b: {  	s3 =	rddreg [dreg:$0x2];
	_ =	swait.ge [sflag:s21], $0x2000  }
0x57c: {  	s11 =	rddreg [dreg:$0x13]  }
0x57d: {  	s16 =	simm.s32 $0x2480;
	s0 =	sor.u32 s7, s11  }
0x57e: {  	s6 =	simm.s32 $0x0;
	[sflag:s21] =	ssyncset.done $0x0;
	s0 =	sshll.u32 s0, $0x4  }
0x57f: {  	s20 =	simm.s32 $0x3;
	[sflag:s21] =	ssyncadd.s32 $0xFFFFE000;
	s0 =	sadd.s32 s3, s0  }
0x580: {  	[hbm4b:s0+s6] =	stream.linear.scatter [tilespmem:s16], [sflag:$0xA], $0x2000, $0x38;
	[tilespmem:$0x12480] =	vst v63  }
0x581: {  	_ =	swait.ge [sflag:s20], $0x2000  }
0x582: {  	s12 =	rddreg [dreg:$0x14]  }
0x583: {  	s0 =	sor.u32 s7, s12  }
0x584: {  	s8 =	simm.s32 $0x4480;
	[sflag:s20] =	ssyncset.done $0x0;
	s0 =	sshll.u32 s0, $0x4  }
0x585: {  	s10 =	simm.s32 $0x4;
	[sflag:s20] =	ssyncadd.s32 $0xFFFFE000;
	s0 =	sadd.s32 s3, s0  }
0x586: {  	[hbm4b:s0+s6] =	stream.linear.scatter [tilespmem:s8], [sflag:$0xB], $0x2000, $0x38;
	[tilespmem:$0x12480] =	vst v63  }
0x587: {  	_ =	swait.ge [sflag:s10], $0x2000  }
0x588: {  	s19 =	rddreg [dreg:$0x15]  }
0x589: {  	s0 =	sor.u32 s7, s19  }
0x58a: {  	s18 =	simm.s32 $0x6480;
	[sflag:s10] =	ssyncset.done $0x0;
	s0 =	sshll.u32 s0, $0x4  }
0x58b: {  	s20 =	simm.s32 $0x5;
	[sflag:s10] =	ssyncadd.s32 $0xFFFFE000;
	s0 =	sadd.s32 s3, s0  }
0x58c: {  	[hbm4b:s0+s6] =	stream.linear.scatter [tilespmem:s18], [sflag:$0xC], $0x2000, $0x38;
	[tilespmem:$0x12480] =	vst v63  }
0x58d: {  	_ =	swait.ge [sflag:s20], $0x2000  }
0x58e: {  	s21 =	rddreg [dreg:$0x16]  }
0x58f: {  	s0 =	sor.u32 s7, s21  }
0x590: {  	s23 =	simm.s32 $0x6;
	[sflag:s20] =	ssyncset.done $0x0;
	s0 =	sshll.u32 s0, $0x4  }
0x591: {  	s17 =	simm.s32 $0x8480;
	[sflag:s20] =	ssyncadd.s32 $0xFFFFE000;
	s0 =	sadd.s32 s3, s0  }
0x592: {  	[hbm4b:s0+s6] =	stream.linear.scatter [tilespmem:s17], [sflag:$0xD], $0x2000, $0x38;
	[tilespmem:$0x12480] =	vst v63  }
0x593: {  	_ =	swait.ge [sflag:s23], $0x2000  }
0x594: {  	s24 =	rddreg [dreg:$0x17]  }
0x595: {  	s0 =	sor.u32 s7, s24  }
0x596: {  	s22 =	simm.s32 $0x7;
	[sflag:s23] =	ssyncset.done $0x0;
	s0 =	sshll.u32 s0, $0x4  }
0x597: {  	s16 =	simm.s32 $0xA480;
	[sflag:s23] =	ssyncadd.s32 $0xFFFFE000;
	s0 =	sadd.s32 s3, s0  }
0x598: {  	[hbm4b:s0+s6] =	stream.linear.scatter [tilespmem:s16], [sflag:$0xE], $0x2000, $0x38;
	[tilespmem:$0x12480] =	vst v63  }
0x599: {  	_ =	swait.ge [sflag:s22], $0x2000  }
0x59a: {  	s25 =	rddreg [dreg:$0x19]  }
0x59b: {  	s0 =	sor.u32 s7, s25  }
0x59c: {  	s14 =	simm.s32 $0xC480;
	[sflag:s22] =	ssyncset.done $0x0;
	s0 =	sshll.u32 s0, $0x4  }
0x59d: {  	s26 =	simm.s32 $0x8;
	[sflag:s22] =	ssyncadd.s32 $0xFFFFE000;
	s0 =	sadd.s32 s3, s0  }
0x59e: {  	[hbm4b:s0+s6] =	stream.linear.scatter [tilespmem:s14], [sflag:$0xF], $0x2000, $0x38;
	[tilespmem:$0x12480] =	vst v63  }
0x59f: {  	_ =	swait.ge [sflag:s26], $0x2000  }
0x5a0: {  	s28 =	rddreg [dreg:$0x1a]  }
0x5a1: {  	s0 =	sor.u32 s7, s28  }
0x5a2: {  	s29 =	simm.s32 $0x9;
	[sflag:s26] =	ssyncset.done $0x0;
	s0 =	sshll.u32 s0, $0x4  }
0x5a3: {  	s13 =	simm.s32 $0xE480;
	[sflag:s26] =	ssyncadd.s32 $0xFFFFE000;
	s0 =	sadd.s32 s3, s0  }
0x5a4: {  	[hbm4b:s0+s6] =	stream.linear.scatter [tilespmem:s13], [sflag:$0x10], $0x2000, $0x38;
	[tilespmem:$0x12480] =	vst v63  }
0x5a5: {  	_ =	swait.ge [sflag:s29], $0x2000  }
0x5a6: {  	s30 =	rddreg [dreg:$0x1b]  }
0x5a7: {  	s0 =	sor.u32 s7, s30  }
0x5a8: {  	[sflag:s29] =	ssyncset.done $0x0;
	s0 =	sshll.u32 s0, $0x4  }
0x5a9: {  	s31 =	rddreg [dreg:$0x12];
	[sflag:s29] =	ssyncadd.s32 $0xFFFFE000;
	s0 =	sadd.s32 s3, s0  }
0x5aa: {  	[hbm4b:s0+s6] =	stream.linear.scatter [tilespmem:s9], [sflag:$0x11], $0x2000, $0x38;
	[tilespmem:$0x12480] =	vst v63  }
0x5ab: {  	s0 =	sadd.s32 $0x200, s31  }
0x5ac: {  	p0 =	sne.s32 s0, $0x800  }
.Ltmp1:
0x5ad: {  	_ = 	snop;
	(pc) =	sbr.rel @p0 .LBB2_4-.Ltmp1, $1  }
0x5ae: {  	_ =	sdelay $0x3  }
0x5af: {  	s0 =	simm.s32 $0xA  }
0x5b0: {  	_ =	swait.ge [sflag:s0], $0x2000  }
0x5b1: {  	[sflag:s0] =	ssyncset.done $0x0  }
0x5b2: {  	s24 =	simm.s32 $0xB;
	[sflag:s0] =	ssyncadd.s32 $0xFFFFE000  }
0x5b3: {  	_ =	swait.ge [sflag:s24], $0x2000  }
0x5b4: {  	[sflag:s24] =	ssyncset.done $0x0  }
0x5b5: {  	s25 =	simm.s32 $0xC;
	[sflag:s24] =	ssyncadd.s32 $0xFFFFE000  }
0x5b6: {  	_ =	swait.ge [sflag:s25], $0x2000  }
0x5b7: {  	[sflag:s25] =	ssyncset.done $0x0  }
0x5b8: {  	s26 =	simm.s32 $0xD;
	[sflag:s25] =	ssyncadd.s32 $0xFFFFE000  }
0x5b9: {  	_ =	swait.ge [sflag:s26], $0x2000  }
0x5ba: {  	[sflag:s26] =	ssyncset.done $0x0  }
0x5bb: {  	s28 =	simm.s32 $0xE;
	[sflag:s26] =	ssyncadd.s32 $0xFFFFE000  }
0x5bc: {  	_ =	swait.ge [sflag:s28], $0x2000  }
0x5bd: {  	[sflag:s28] =	ssyncset.done $0x0  }
0x5be: {  	s29 =	simm.s32 $0xF;
	[sflag:s28] =	ssyncadd.s32 $0xFFFFE000  }
0x5bf: {  	_ =	swait.ge [sflag:s29], $0x2000  }
0x5c0: {  	[sflag:s29] =	ssyncset.done $0x0  }
0x5c1: {  	s30 =	simm.s32 $0x10;
	[sflag:s29] =	ssyncadd.s32 $0xFFFFE000  }
0x5c2: {  	_ =	swait.ge [sflag:s30], $0x2000  }
0x5c3: {  	[sflag:s30] =	ssyncset.done $0x0  }
0x5c4: {  	s1 =	simm.s32 $0x11;
	[sflag:s30] =	ssyncadd.s32 $0xFFFFE000  }
0x5c5: {  	_ =	swait.ge [sflag:s1], $0x2000  }
0x5c6: {  	s2 =	rddreg [dreg:$0x11]  }
0x5c7: {  	s31 =	rddreg [dreg:$0x10];
	s2 =	sadd.s32 $0x1, s2  }
0x5c8: {  	p0 =	sne.s32 s2, s31  }
.Ltmp2:
0x5c9: {  	_ = 	snop;
	(pc) =	sbr.rel @p0 .LBB2_1-.Ltmp2, $3  }
0x5ca: {  	_ =	sdelay $0x1  }
0x5cb: {  	[sflag:s1] =	ssyncset.done $0x0  }
0x5cc: {  	[sflag:s1] =	ssyncadd.s32 $0xFFFFE000  }
0x5cd: {  	_ =	sfence.sel $0x180000  }
0x5ce: {  	[bflag:$0x0] =	sbarrier.arrive $0xFFFF  }
0x5cf: {  	_ =	strace $0x90000047  }
0x5d0: {  	s0 =	stileid.u32;
	[bflag:$0x2] =	sbarrier.arrive $0xFFFF  }
0x5d1: {  	p0 =	sne.s32 s0, $0x0;
	s0 =	rddreg [dreg:$0x3]  }
0x5d2: {  	s0 =	sadd.s32 @!p0 $0x100000, s0  }
0x5d3: {  	[sflag:s0] =	ssyncadd.tile.s32 @!p0 $0x1;
	_ =	shalt  }
.Lfunc_end2:
_tile_overlayer_lowered:
.L_overlay_start_2:
0x5d4: {  	(tag) =	ssettag $0x2  }
0x5d5: {  	s0 =	rddreg [dreg:$0x0];
	s2 =	stileid.u32  }
0x5d6: {  	s1 =	rddreg [dreg:$0x1];
	p0 =	sne.s32 s2, $0x0  }
0x5d7: {  	s3 =	rddreg [dreg:$0x2];
	[bflag:$0x3] =	sbarrier.arrive $0xFFFF;
	s2 =	simm.s32 @!p0 $0x1C12  }
0x5d8: {  	[timem:s3], [sflag:s2] =	dma.local @!p0 [hbm:s0], s1  }
0x5d9: {  	s0 =	simm.s32 @!p0 $0x12  }
0x5da: {  	_ =	swait.ge @!p0 [sflag:s0], s1  }
0x5db: {  	s1 =	ssub.s32 @!p0 $0x0, s1;
	[sflag:s0] =	ssyncset.done @!p0 $0x0  }
0x5dc: {  	[sflag:s0] =	ssyncadd.s32 @!p0 s1  }
0x5dd: {  	[bflag:$0x3] =	sbarrier.arrive $0xFFFF  }
0x5de: {  	_ =	shalt  }

</sc_bundles>
